<compile_context>
chip_gen: v7x
topology: tpu7x:2x2x1
jax: 0.10.2.dev20260603
libtpu: 0.0.44.dev20260713+nightly
codegen_flags: <defaults>
</compile_context>

<pallas_src>
import functools
import math

import jax
import jax.numpy as jnp
from jax import lax
from jax.experimental import pallas as pl
from jax.experimental.pallas import tpu as pltpu
from jax.experimental.pallas import tpu_sc as plsc

_IDX_PAD = 16


def _sc_gather_body(idx_hbm, table_hbm, out_hbm, idx_v, rows_v, sem):
    cid = lax.axis_index("c")
    sid = lax.axis_index("s")

    @pl.when(jnp.logical_and(cid == 0, sid == 0))
    def _():
        pltpu.sync_copy(idx_hbm, idx_v)
        pltpu.async_copy(table_hbm.at[idx_v], rows_v, sem).wait()
        pltpu.sync_copy(rows_v, out_hbm)


def _sc_gather(idx, table):
    d_model = table.shape[1]
    mesh = plsc.VectorSubcoreMesh(core_axis_name="c", subcore_axis_name="s")
    f = pl.kernel(
        _sc_gather_body,
        mesh=mesh,
        out_type=jax.ShapeDtypeStruct((_IDX_PAD, d_model), jnp.float32),
        scratch_types=[
            pltpu.VMEM((_IDX_PAD,), jnp.int32),
            pltpu.VMEM((_IDX_PAD, d_model), jnp.float32),
            pltpu.SemaphoreType.DMA,
        ],
    )
    return f(idx, table)


def _fast_sin(ang):
    pi_hi = 3.140625
    pi_md = 9.675025939941406e-4
    pi_lo = 1.509957990978376e-7
    n = jnp.round(ang * (1.0 / math.pi))
    r = ang - n * pi_hi
    r = r - n * pi_md
    r = r - n * pi_lo
    r2 = r * r
    p = r2 * -1.9515295891e-4 + 8.3321608736e-3
    p = r2 * p + -1.6666654611e-1
    p = r + r * (r2 * p)
    odd = (n.astype(jnp.int32) & 1) == 1
    return jnp.where(odd, -p, p)


def _make_body(d_model, h, l, dblk, n_dblk, b):
    neg_log = -math.log(10000.0) / d_model
    qrows = dblk // b

    def build_pe_rows(pe4_ref, buf, row0, nrows, d0):
        drow = lax.broadcasted_iota(jnp.int32, (nrows, l), 0) + d0
        lcol = lax.broadcasted_iota(jnp.int32, (nrows, l), 1).astype(jnp.float32)
        dpar = drow & 1
        deven = (drow - dpar).astype(jnp.float32)
        inv_freq = jnp.exp(deven * neg_log)
        ang = lcol * inv_freq + dpar.astype(jnp.float32) * (math.pi / 2)
        pe2 = _fast_sin(ang)
        pe4_ref[buf, pl.ds(row0, nrows)] = jnp.broadcast_to(
            pe2[:, None, :], (nrows, h, l)
        )

    def body(yaw_ref, table_ref, x_ref, o_ref, pe4_ref):
        di = pl.program_id(0)
        bi = pl.program_id(1)

        @pl.when((di == 0) & (bi == 0))
        def _bootstrap():
            build_pe_rows(pe4_ref, 0, 0, dblk, 0)

        @pl.when(di + 1 < n_dblk)
        def _build_next_quarter():
            build_pe_rows(
                pe4_ref, (di + 1) % 2, bi * qrows, qrows,
                (di + 1) * dblk + bi * qrows,
            )

        d0 = di * dblk
        buf = di % 2
        for d_i in range(dblk):
            s = table_ref[bi, d0 + d_i]
            o_ref[0, d_i] = x_ref[0, d_i] + pe4_ref[buf, d_i] + s

    return body


@functools.partial(jax.jit, static_argnums=())
def kernel(x, yaw, yaw_table):
    b, d_model, h, l = x.shape
    dblk = 128
    n_dblk = d_model // dblk

    idx = jnp.zeros((_IDX_PAD,), jnp.int32).at[:b].set(yaw.astype(jnp.int32))
    yemb = _sc_gather(idx, yaw_table)[:b]

    out = pl.pallas_call(
        _make_body(d_model, h, l, dblk, n_dblk, b),
        grid=(n_dblk, b),
        in_specs=[
            pl.BlockSpec(memory_space=pltpu.SMEM),
            pl.BlockSpec(memory_space=pltpu.SMEM),
            pl.BlockSpec((1, dblk, h, l), lambda di, bi: (bi, di, 0, 0)),
        ],
        out_specs=pl.BlockSpec((1, dblk, h, l), lambda di, bi: (bi, di, 0, 0)),
        out_shape=jax.ShapeDtypeStruct((b, d_model, h, l), jnp.float32),
        scratch_shapes=[pltpu.VMEM((2, dblk, h, l), jnp.float32)],
        compiler_params=pltpu.CompilerParams(
            dimension_semantics=("arbitrary", "arbitrary"),
        ),
    )(yaw.astype(jnp.int32), yemb, x)
    return out

# --- scband reference (transcript-rebuilt; emitter-appended) ---
"""Pipeline reference for scband-embedding-block-86663850099408 (READ-ONLY COPY).

The authoritative reference and input builder live on the scoring server;
editing this copy changes nothing except your own understanding.
"""

import jax, jax.numpy as jnp
import numpy as np

MAX_SEQ_LEN = 2048
D_MODEL = 1024
NUM_YAW_TYPES = 4


def _positional_encoding(max_seq_len, d_model):
    position = jnp.arange(0, max_seq_len, dtype=jnp.float32)[:, None]
    div_term = jnp.exp(jnp.arange(0, d_model, 2, dtype=jnp.float32) * (-np.log(10000.0) / d_model))
    pe = jnp.zeros((max_seq_len, d_model), dtype=jnp.float32)
    pe = pe.at[:, 0::2].set(jnp.sin(position * div_term))
    pe = pe.at[:, 1::2].set(jnp.cos(position * div_term))
    return pe[None, :, :]  # [1, max_seq_len, d_model]


def setup_inputs(seed: int = 0) -> dict:
    key = jax.random.key(seed)
    k1, k2, k3 = jax.random.split(key, 3)
    x = jax.random.normal(k1, (4, D_MODEL, 4, MAX_SEQ_LEN), dtype=jnp.float32)
    yaw = jax.random.randint(k2, (4,), 0, NUM_YAW_TYPES, dtype=jnp.int64 if jax.config.jax_enable_x64 else jnp.int32)
    yaw_table = jax.random.normal(k3, (NUM_YAW_TYPES, D_MODEL), dtype=jnp.float32) * 0.02
    return {"x": x, "yaw": yaw, "yaw_table": yaw_table}


def reference(x, yaw, yaw_table):
    # x: [B, d_model, H, L]
    B, d_model, H, L = x.shape
    pe_full = _positional_encoding(MAX_SEQ_LEN, d_model)          # [1, max_seq_len, d_model]
    pe = pe_full[:, :L, :]                                        # [1, L, d_model]
    pe = jnp.transpose(pe, (0, 2, 1))[:, :, None, :]              # [1, d_model, 1, L]
    yemb = jnp.take(yaw_table, yaw, axis=0)                       # [B, d_model] embedding lookup
    yemb = yemb[:, :, None, None]                                 # [B, d_model, 1, 1]
    return x + pe + yemb

if __name__ == "__main__":
    import jax
    _d = setup_inputs()
    print(jax.jit(kernel)(*tuple(_d.values())))

</pallas_src>

<mosaic_0001>
#map = affine_map<(d0, d1) -> (0)>
#map1 = affine_map<(d0, d1) -> (0, 0)>
module attributes {stable_mosaic.version = 14 : i64} {
  func.func @_sc_gather_body(%arg0: i32, %arg1: i32, %arg2: memref<16xi32, #tpu.memory_space<hbm>>, %arg3: memref<4x1024xf32, #tpu.memory_space<hbm>>, %arg4: memref<16x1024xf32, #tpu.memory_space<hbm>>, %arg5: memref<16xi32, #tpu.memory_space<vmem>>, %arg6: memref<16x1024xf32, #tpu.memory_space<vmem>>, %arg7: memref<!tpu.dma_semaphore, #tpu.memory_space<semaphore_mem>>) attributes {dimension_semantics = [#tpu.dimension_semantics<core_parallel>, #tpu.dimension_semantics<subcore_parallel>], iteration_bounds = array<i64: 2, 16>, scalar_prefetch = 0 : i64, scratch_operands = 3 : i64, tpu.core_type = #tpu.core_type<sc_vector_subcore>, window_params = [{transform_indices = #map}, {transform_indices = #map1}, {transform_indices = #map1}]} {
    %eq3A = arith.constant 0 : i32
    %eq3A_0 = arith.cmpi eq, %arg0, %eq3A : i32
    %eq3A_1 = arith.constant 0 : i32
    %eq3A_2 = arith.cmpi eq, %arg1, %eq3A_1 : i32
    %and3A = arith.andi %eq3A_0, %eq3A_2 : i1
    %convert_element_type3A = arith.extui %and3A : i1 to i32
    %cond3A = arith.constant 0 : i32
    %cond3A_3 = arith.cmpi ne, %convert_element_type3A, %cond3A : i32
    scf.if %cond3A_3 {
      "tpu.region"() ({
        %run_scoped3A = tpu.sem_alloc : memref<!tpu.dma_semaphore, #tpu.memory_space<semaphore_mem>>
        tpu.enqueue_dma source(%arg2 : memref<16xi32, #tpu.memory_space<hbm>>) target(%arg5 : memref<16xi32, #tpu.memory_space<vmem>>) target_semaphore(%run_scoped3A : memref<!tpu.dma_semaphore, #tpu.memory_space<semaphore_mem>>)
        tpu.wait_dma2 semaphore(%run_scoped3A : memref<!tpu.dma_semaphore, #tpu.memory_space<semaphore_mem>>) src(%arg2 : memref<16xi32, #tpu.memory_space<hbm>>) dst(%arg5 : memref<16xi32, #tpu.memory_space<vmem>>)
        tpu.yield
      }) : () -> ()
      %dma_start3A = arith.constant 0 : i32
      %dma_start3A_4 = arith.constant 0 : i32
      %dma_start3A_5 = tpu.memref_slice %arg3[%dma_start3A, %dma_start3A_4] : memref<4x1024xf32, #tpu.memory_space<hbm>> -> memref<4x1024xf32, #tpu.memory_space<hbm>>
      tpu.enqueue_indirect_dma source(%dma_start3A_5 : memref<4x1024xf32, #tpu.memory_space<hbm>>) target(%arg6 : memref<16x1024xf32, #tpu.memory_space<vmem>>) offsets(%arg5 : memref<16xi32, #tpu.memory_space<vmem>>) semaphore(%arg7 : memref<!tpu.dma_semaphore, #tpu.memory_space<semaphore_mem>>)
      %dma_wait3A = arith.constant 0 : i32
      %dma_wait3A_6 = arith.constant 0 : i32
      %dma_wait3A_7 = tpu.memref_slice %arg3[%dma_wait3A, %dma_wait3A_6] : memref<4x1024xf32, #tpu.memory_space<hbm>> -> memref<4x1024xf32, #tpu.memory_space<hbm>>
      tpu.wait_indirect_dma semaphore(%arg7 : memref<!tpu.dma_semaphore, #tpu.memory_space<semaphore_mem>>) src(%dma_wait3A_7 : memref<4x1024xf32, #tpu.memory_space<hbm>>) dst(%arg6 : memref<16x1024xf32, #tpu.memory_space<vmem>>)
      "tpu.region"() ({
        %run_scoped3A = tpu.sem_alloc : memref<!tpu.dma_semaphore, #tpu.memory_space<semaphore_mem>>
        tpu.enqueue_dma source(%arg6 : memref<16x1024xf32, #tpu.memory_space<vmem>>) target(%arg4 : memref<16x1024xf32, #tpu.memory_space<hbm>>) target_semaphore(%run_scoped3A : memref<!tpu.dma_semaphore, #tpu.memory_space<semaphore_mem>>)
        tpu.wait_dma2 semaphore(%run_scoped3A : memref<!tpu.dma_semaphore, #tpu.memory_space<semaphore_mem>>) src(%arg6 : memref<16x1024xf32, #tpu.memory_space<vmem>>) dst(%arg4 : memref<16x1024xf32, #tpu.memory_space<hbm>>)
        tpu.yield
      }) : () -> ()
    } else {
    }
    return
  }
}

module attributes {stable_mosaic.version = 14 : i64} {
  func.func @body(%arg0: i32, %arg1: i32, %arg2: memref<4xi32, #tpu.memory_space<smem>>, %arg3: memref<4x1024xf32, #tpu.memory_space<smem>>, %arg4: memref<1x128x4x2048xf32, #tpu.memory_space<vmem>>, %arg5: memref<1x128x4x2048xf32, #tpu.memory_space<vmem>>, %arg6: memref<2x128x4x2048xf32, #tpu.memory_space<vmem>>) attributes {dimension_semantics = [#tpu.dimension_semantics<arbitrary>, #tpu.dimension_semantics<arbitrary>], iteration_bounds = array<i64: 8, 4>, scalar_prefetch = 0 : i64, scratch_operands = 1 : i64, tpu.core_type = #tpu.core_type<tc>, window_params = [{transform_indices = @transform_0, window_bounds = array<i64: 4>}, {transform_indices = @transform_1, window_bounds = array<i64: 4, 1024>}, {transform_indices = @transform_2, window_bounds = array<i64: 1, 128, 4, 2048>}, {transform_indices = @transform_3, window_bounds = array<i64: 1, 128, 4, 2048>}]} {
    %eq3A = arith.constant 0 : i32
    %eq3A_0 = arith.cmpi eq, %arg0, %eq3A : i32
    %eq3A_1 = arith.constant 0 : i32
    %eq3A_2 = arith.cmpi eq, %arg1, %eq3A_1 : i32
    %and3A = arith.andi %eq3A_0, %eq3A_2 : i1
    %convert_element_type3A = arith.extui %and3A : i1 to i32
    %cond3A = arith.constant 0 : i32
    %cond3A_3 = arith.cmpi ne, %convert_element_type3A, %cond3A : i32
    scf.if %cond3A_3 {
      %iota3A = tpu.iota {dimensions = array<i32: 0>} : vector<128x2048xi32>
      %add3A_3476 = arith.constant 0 : i32
      %add3A_3477 = vector.broadcast %add3A_3476 : i32 to vector<128x2048xi32>
      %add3A_3478 = arith.addi %iota3A, %add3A_3477 : vector<128x2048xi32>
      %iota3A_3479 = tpu.iota {dimensions = array<i32: 1>} : vector<128x2048xi32>
      %convert_element_type3A_3480 = arith.sitofp %iota3A_3479 : vector<128x2048xi32> to vector<128x2048xf32>
      %and3A_3481 = arith.constant 1 : i32
      %and3A_3482 = vector.broadcast %and3A_3481 : i32 to vector<128x2048xi32>
      %and3A_3483 = arith.andi %add3A_3478, %and3A_3482 : vector<128x2048xi32>
      %sub3A = arith.subi %add3A_3478, %and3A_3483 : vector<128x2048xi32>
      %convert_element_type3A_3484 = arith.sitofp %sub3A : vector<128x2048xi32> to vector<128x2048xf32>
      %mul3A_3485 = arith.constant -0.00899447314 : f32
      %mul3A_3486 = vector.broadcast %mul3A_3485 : f32 to vector<128x2048xf32>
      %mul3A_3487 = arith.mulf %convert_element_type3A_3484, %mul3A_3486 : vector<128x2048xf32>
      %exp3A = math.exp %mul3A_3487 : vector<128x2048xf32>
      %mul3A_3488 = arith.mulf %convert_element_type3A_3480, %exp3A : vector<128x2048xf32>
      %convert_element_type3A_3489 = arith.sitofp %and3A_3483 : vector<128x2048xi32> to vector<128x2048xf32>
      %mul3A_3490 = arith.constant 1.57079637 : f32
      %mul3A_3491 = vector.broadcast %mul3A_3490 : f32 to vector<128x2048xf32>
      %mul3A_3492 = arith.mulf %convert_element_type3A_3489, %mul3A_3491 : vector<128x2048xf32>
      %add3A_3493 = arith.addf %mul3A_3488, %mul3A_3492 : vector<128x2048xf32>
      %mul3A_3494 = arith.constant 0.318309873 : f32
      %mul3A_3495 = vector.broadcast %mul3A_3494 : f32 to vector<128x2048xf32>
      %mul3A_3496 = arith.mulf %add3A_3493, %mul3A_3495 : vector<128x2048xf32>
      %round3A = math.roundeven %mul3A_3496 : vector<128x2048xf32>
      %mul3A_3497 = arith.constant 3.140625 : f32
      %mul3A_3498 = vector.broadcast %mul3A_3497 : f32 to vector<128x2048xf32>
      %mul3A_3499 = arith.mulf %round3A, %mul3A_3498 : vector<128x2048xf32>
      %sub3A_3500 = arith.subf %add3A_3493, %mul3A_3499 : vector<128x2048xf32>
      %mul3A_3501 = arith.constant 9.67502593E-4 : f32
      %mul3A_3502 = vector.broadcast %mul3A_3501 : f32 to vector<128x2048xf32>
      %mul3A_3503 = arith.mulf %round3A, %mul3A_3502 : vector<128x2048xf32>
      %sub3A_3504 = arith.subf %sub3A_3500, %mul3A_3503 : vector<128x2048xf32>
      %mul3A_3505 = arith.constant 1.50995803E-7 : f32
      %mul3A_3506 = vector.broadcast %mul3A_3505 : f32 to vector<128x2048xf32>
      %mul3A_3507 = arith.mulf %round3A, %mul3A_3506 : vector<128x2048xf32>
      %sub3A_3508 = arith.subf %sub3A_3504, %mul3A_3507 : vector<128x2048xf32>
      %mul3A_3509 = arith.mulf %sub3A_3508, %sub3A_3508 : vector<128x2048xf32>
      %mul3A_3510 = arith.constant -1.95152956E-4 : f32
      %mul3A_3511 = vector.broadcast %mul3A_3510 : f32 to vector<128x2048xf32>
      %mul3A_3512 = arith.mulf %mul3A_3509, %mul3A_3511 : vector<128x2048xf32>
      %add3A_3513 = arith.constant 0.00833216123 : f32
      %add3A_3514 = vector.broadcast %add3A_3513 : f32 to vector<128x2048xf32>
      %add3A_3515 = arith.addf %mul3A_3512, %add3A_3514 : vector<128x2048xf32>
      %mul3A_3516 = arith.mulf %mul3A_3509, %add3A_3515 : vector<128x2048xf32>
      %add3A_3517 = arith.constant -0.166666552 : f32
      %add3A_3518 = vector.broadcast %add3A_3517 : f32 to vector<128x2048xf32>
      %add3A_3519 = arith.addf %mul3A_3516, %add3A_3518 : vector<128x2048xf32>
      %mul3A_3520 = arith.mulf %mul3A_3509, %add3A_3519 : vector<128x2048xf32>
      %mul3A_3521 = arith.mulf %sub3A_3508, %mul3A_3520 : vector<128x2048xf32>
      %add3A_3522 = arith.addf %sub3A_3508, %mul3A_3521 : vector<128x2048xf32>
      %convert_element_type3A_3523 = arith.fptosi %round3A : vector<128x2048xf32> to vector<128x2048xi32>
      %and3A_3524 = arith.constant 1 : i32
      %and3A_3525 = vector.broadcast %and3A_3524 : i32 to vector<128x2048xi32>
      %and3A_3526 = arith.andi %convert_element_type3A_3523, %and3A_3525 : vector<128x2048xi32>
      %eq3A_3527 = arith.constant 1 : i32
      %eq3A_3528 = vector.broadcast %eq3A_3527 : i32 to vector<128x2048xi32>
      %eq3A_3529 = arith.cmpi eq, %and3A_3526, %eq3A_3528 : vector<128x2048xi32>
      %neg3A = arith.constant 0.000000e+00 : f32
      %neg3A_3530 = vector.broadcast %neg3A : f32 to vector<128x2048xf32>
      %neg3A_3531 = arith.subf %neg3A_3530, %add3A_3522 : vector<128x2048xf32>
      %select_n3A_3532 = arith.select %eq3A_3529, %neg3A_3531, %add3A_3522 : vector<128x2048xi1>, vector<128x2048xf32>
      %broadcast_in_dim3A = vector.shape_cast %select_n3A_3532 : vector<128x2048xf32> to vector<128x1x2048xf32>
      %broadcast_in_dim3A_3533 = vector.shape_cast %broadcast_in_dim3A : vector<128x1x2048xf32> to vector<128x1x2048xf32>
      %broadcast_in_dim3A_3534 = vector.broadcast %broadcast_in_dim3A_3533 : vector<128x1x2048xf32> to vector<128x4x2048xf32>
      %swap3A_3535 = arith.constant 0 : index
      %swap3A_3536 = arith.constant 0 : index
      %swap3A_3537 = arith.constant 0 : index
      %swap3A_3538 = arith.constant 0 : index
      %swap3A_3539 = vector.load %arg6[%swap3A_3535, %swap3A_3536, %swap3A_3537, %swap3A_3538] : memref<2x128x4x2048xf32, #tpu.memory_space<vmem>>, vector<1x128x4x2048xf32>
      %swap3A_3540 = vector.shape_cast %swap3A_3539 : vector<1x128x4x2048xf32> to vector<128x4x2048xf32>
      %swap3A_3541 = vector.shape_cast %broadcast_in_dim3A_3534 : vector<128x4x2048xf32> to vector<1x128x4x2048xf32>
      tpu.vector_store %arg6[%swap3A_3535, %swap3A_3536, %swap3A_3537, %swap3A_3538], %swap3A_3541 {strides = array<i32>} : memref<2x128x4x2048xf32, #tpu.memory_space<vmem>>, vector<1x128x4x2048xf32>,
    } else {
    }
    %add3A = arith.constant 1 : i32
    %add3A_4 = arith.addi %arg0, %add3A : i32
    %lt3A = arith.constant 8 : i32
    %lt3A_5 = arith.cmpi slt, %add3A_4, %lt3A : i32
    %convert_element_type3A_6 = arith.extui %lt3A_5 : i1 to i32
    %cond3A_7 = arith.constant 0 : i32
    %cond3A_8 = arith.cmpi ne, %convert_element_type3A_6, %cond3A_7 : i32
    scf.if %cond3A_8 {
      %add3A_3476 = arith.constant 1 : i32
      %add3A_3477 = arith.addi %arg0, %add3A_3476 : i32
      %jit3A_3478 = arith.constant 2 : i32
      %eq3A_3479 = arith.constant 0 : i32
      %eq3A_3480 = arith.cmpi eq, %jit3A_3478, %eq3A_3479 : i32
      %jit3A_3481 = arith.constant 1 : i32
      %select_n3A_3482 = arith.select %eq3A_3480, %jit3A_3481, %jit3A_3478 : i32
      %rem3A_3483 = arith.remsi %add3A_3477, %select_n3A_3482 : i32
      %ne3A_3484 = arith.constant 0 : i32
      %ne3A_3485 = arith.cmpi ne, %rem3A_3483, %ne3A_3484 : i32
      %lt3A_3486 = arith.constant 0 : i32
      %lt3A_3487 = arith.cmpi slt, %rem3A_3483, %lt3A_3486 : i32
      %lt3A_3488 = arith.constant 0 : i32
      %lt3A_3489 = arith.cmpi slt, %select_n3A_3482, %lt3A_3488 : i32
      %ne3A_3490 = arith.xori %lt3A_3487, %lt3A_3489 : i1
      %and3A_3491 = arith.andi %ne3A_3490, %ne3A_3485 : i1
      %add3A_3492 = arith.addi %rem3A_3483, %select_n3A_3482 : i32
      %select_n3A_3493 = arith.select %and3A_3491, %add3A_3492, %rem3A_3483 : i32
      %mul3A_3494 = arith.constant 32 : i32
      %mul3A_3495 = arith.muli %arg1, %mul3A_3494 : i32
      %add3A_3496 = arith.constant 1 : i32
      %add3A_3497 = arith.addi %arg0, %add3A_3496 : i32
      %mul3A_3498 = arith.constant 128 : i32
      %mul3A_3499 = arith.muli %add3A_3497, %mul3A_3498 : i32
      %mul3A_3500 = arith.constant 32 : i32
      %mul3A_3501 = arith.muli %arg1, %mul3A_3500 : i32
      %add3A_3502 = arith.addi %mul3A_3499, %mul3A_3501 : i32
      %iota3A = tpu.iota {dimensions = array<i32: 0>} : vector<32x2048xi32>
      %add3A_3503 = vector.broadcast %add3A_3502 : i32 to vector<32x2048xi32>
      %add3A_3504 = arith.addi %iota3A, %add3A_3503 : vector<32x2048xi32>
      %iota3A_3505 = tpu.iota {dimensions = array<i32: 1>} : vector<32x2048xi32>
      %convert_element_type3A_3506 = arith.sitofp %iota3A_3505 : vector<32x2048xi32> to vector<32x2048xf32>
      %and3A_3507 = arith.constant 1 : i32
      %and3A_3508 = vector.broadcast %and3A_3507 : i32 to vector<32x2048xi32>
      %and3A_3509 = arith.andi %add3A_3504, %and3A_3508 : vector<32x2048xi32>
      %sub3A = arith.subi %add3A_3504, %and3A_3509 : vector<32x2048xi32>
      %convert_element_type3A_3510 = arith.sitofp %sub3A : vector<32x2048xi32> to vector<32x2048xf32>
      %mul3A_3511 = arith.constant -0.00899447314 : f32
      %mul3A_3512 = vector.broadcast %mul3A_3511 : f32 to vector<32x2048xf32>
      %mul3A_3513 = arith.mulf %convert_element_type3A_3510, %mul3A_3512 : vector<32x2048xf32>
      %exp3A = math.exp %mul3A_3513 : vector<32x2048xf32>
      %mul3A_3514 = arith.mulf %convert_element_type3A_3506, %exp3A : vector<32x2048xf32>
      %convert_element_type3A_3515 = arith.sitofp %and3A_3509 : vector<32x2048xi32> to vector<32x2048xf32>
      %mul3A_3516 = arith.constant 1.57079637 : f32
      %mul3A_3517 = vector.broadcast %mul3A_3516 : f32 to vector<32x2048xf32>
      %mul3A_3518 = arith.mulf %convert_element_type3A_3515, %mul3A_3517 : vector<32x2048xf32>
      %add3A_3519 = arith.addf %mul3A_3514, %mul3A_3518 : vector<32x2048xf32>
      %mul3A_3520 = arith.constant 0.318309873 : f32
      %mul3A_3521 = vector.broadcast %mul3A_3520 : f32 to vector<32x2048xf32>
      %mul3A_3522 = arith.mulf %add3A_3519, %mul3A_3521 : vector<32x2048xf32>
      %round3A = math.roundeven %mul3A_3522 : vector<32x2048xf32>
      %mul3A_3523 = arith.constant 3.140625 : f32
      %mul3A_3524 = vector.broadcast %mul3A_3523 : f32 to vector<32x2048xf32>
      %mul3A_3525 = arith.mulf %round3A, %mul3A_3524 : vector<32x2048xf32>
      %sub3A_3526 = arith.subf %add3A_3519, %mul3A_3525 : vector<32x2048xf32>
      %mul3A_3527 = arith.constant 9.67502593E-4 : f32
      %mul3A_3528 = vector.broadcast %mul3A_3527 : f32 to vector<32x2048xf32>
      %mul3A_3529 = arith.mulf %round3A, %mul3A_3528 : vector<32x2048xf32>
      %sub3A_3530 = arith.subf %sub3A_3526, %mul3A_3529 : vector<32x2048xf32>
      %mul3A_3531 = arith.constant 1.50995803E-7 : f32
      %mul3A_3532 = vector.broadcast %mul3A_3531 : f32 to vector<32x2048xf32>
      %mul3A_3533 = arith.mulf %round3A, %mul3A_3532 : vector<32x2048xf32>
      %sub3A_3534 = arith.subf %sub3A_3530, %mul3A_3533 : vector<32x2048xf32>
      %mul3A_3535 = arith.mulf %sub3A_3534, %sub3A_3534 : vector<32x2048xf32>
      %mul3A_3536 = arith.constant -1.95152956E-4 : f32
      %mul3A_3537 = vector.broadcast %mul3A_3536 : f32 to vector<32x2048xf32>
      %mul3A_3538 = arith.mulf %mul3A_3535, %mul3A_3537 : vector<32x2048xf32>
      %add3A_3539 = arith.constant 0.00833216123 : f32
      %add3A_3540 = vector.broadcast %add3A_3539 : f32 to vector<32x2048xf32>
      %add3A_3541 = arith.addf %mul3A_3538, %add3A_3540 : vector<32x2048xf32>
      %mul3A_3542 = arith.mulf %mul3A_3535, %add3A_3541 : vector<32x2048xf32>
      %add3A_3543 = arith.constant -0.166666552 : f32
      %add3A_3544 = vector.broadcast %add3A_3543 : f32 to vector<32x2048xf32>
      %add3A_3545 = arith.addf %mul3A_3542, %add3A_3544 : vector<32x2048xf32>
      %mul3A_3546 = arith.mulf %mul3A_3535, %add3A_3545 : vector<32x2048xf32>
      %mul3A_3547 = arith.mulf %sub3A_3534, %mul3A_3546 : vector<32x2048xf32>
      %add3A_3548 = arith.addf %sub3A_3534, %mul3A_3547 : vector<32x2048xf32>
      %convert_element_type3A_3549 = arith.fptosi %round3A : vector<32x2048xf32> to vector<32x2048xi32>
      %and3A_3550 = arith.constant 1 : i32
      %and3A_3551 = vector.broadcast %and3A_3550 : i32 to vector<32x2048xi32>
      %and3A_3552 = arith.andi %convert_element_type3A_3549, %and3A_3551 : vector<32x2048xi32>
      %eq3A_3553 = arith.constant 1 : i32
      %eq3A_3554 = vector.broadcast %eq3A_3553 : i32 to vector<32x2048xi32>
      %eq3A_3555 = arith.cmpi eq, %and3A_3552, %eq3A_3554 : vector<32x2048xi32>
      %neg3A = arith.constant 0.000000e+00 : f32
      %neg3A_3556 = vector.broadcast %neg3A : f32 to vector<32x2048xf32>
      %neg3A_3557 = arith.subf %neg3A_3556, %add3A_3548 : vector<32x2048xf32>
      %select_n3A_3558 = arith.select %eq3A_3555, %neg3A_3557, %add3A_3548 : vector<32x2048xi1>, vector<32x2048xf32>
      %broadcast_in_dim3A = vector.shape_cast %select_n3A_3558 : vector<32x2048xf32> to vector<32x1x2048xf32>
      %broadcast_in_dim3A_3559 = vector.shape_cast %broadcast_in_dim3A : vector<32x1x2048xf32> to vector<32x1x2048xf32>
      %broadcast_in_dim3A_3560 = vector.broadcast %broadcast_in_dim3A_3559 : vector<32x1x2048xf32> to vector<32x4x2048xf32>
      %swap3A_3561 = arith.index_cast %select_n3A_3493 : i32 to index
      %swap3A_3562 = arith.index_cast %mul3A_3495 : i32 to index
      %swap3A_3563 = arith.constant 0 : index
      %swap3A_3564 = arith.constant 0 : index
      %swap3A_3565 = vector.load %arg6[%swap3A_3561, %swap3A_3562, %swap3A_3563, %swap3A_3564] : memref<2x128x4x2048xf32, #tpu.memory_space<vmem>>, vector<1x32x4x2048xf32>
      %swap3A_3566 = vector.shape_cast %swap3A_3565 : vector<1x32x4x2048xf32> to vector<32x4x2048xf32>
      %swap3A_3567 = vector.shape_cast %broadcast_in_dim3A_3560 : vector<32x4x2048xf32> to vector<1x32x4x2048xf32>
      tpu.vector_store %arg6[%swap3A_3561, %swap3A_3562, %swap3A_3563, %swap3A_3564], %swap3A_3567 {strides = array<i32>} : memref<2x128x4x2048xf32, #tpu.memory_space<vmem>>, vector<1x32x4x2048xf32>,
    } else {
    }
    %mul3A = arith.constant 128 : i32
    %mul3A_9 = arith.muli %arg0, %mul3A : i32
    %jit3A = arith.constant 2 : i32
    %eq3A_10 = arith.constant 0 : i32
    %eq3A_11 = arith.cmpi eq, %jit3A, %eq3A_10 : i32
    %jit3A_12 = arith.constant 1 : i32
    %select_n3A = arith.select %eq3A_11, %jit3A_12, %jit3A : i32
    %rem3A = arith.remsi %arg0, %select_n3A : i32
    %ne3A = arith.constant 0 : i32
    %ne3A_13 = arith.cmpi ne, %rem3A, %ne3A : i32
    %lt3A_14 = arith.constant 0 : i32
    %lt3A_15 = arith.cmpi slt, %rem3A, %lt3A_14 : i32
    %lt3A_16 = arith.constant 0 : i32
    %lt3A_17 = arith.cmpi slt, %select_n3A, %lt3A_16 : i32
    %ne3A_18 = arith.xori %lt3A_15, %lt3A_17 : i1
    %and3A_19 = arith.andi %ne3A_18, %ne3A_13 : i1
    %add3A_20 = arith.addi %rem3A, %select_n3A : i32
    %select_n3A_21 = arith.select %and3A_19, %add3A_20, %rem3A : i32
    %add3A_22 = arith.constant 0 : i32
    %add3A_23 = arith.addi %mul3A_9, %add3A_22 : i32
    %get3A = arith.index_cast %arg1 : i32 to index
    %get3A_24 = arith.index_cast %add3A_23 : i32 to index
    %get3A_25 = memref.load %arg3[%get3A, %get3A_24] : memref<4x1024xf32, #tpu.memory_space<smem>>
    %get3A_26 = arith.constant 0 : index
    %get3A_27 = arith.constant 0 : index
    %get3A_28 = arith.constant 0 : index
    %get3A_29 = arith.constant 0 : index
    %get3A_30 = vector.load %arg4[%get3A_26, %get3A_27, %get3A_28, %get3A_29] : memref<1x128x4x2048xf32, #tpu.memory_space<vmem>>, vector<1x1x4x2048xf32>
    %get3A_31 = vector.shape_cast %get3A_30 : vector<1x1x4x2048xf32> to vector<4x2048xf32>
    %get3A_32 = arith.index_cast %select_n3A_21 : i32 to index
    %get3A_33 = arith.constant 0 : index
    %get3A_34 = arith.constant 0 : index
    %get3A_35 = arith.constant 0 : index
    %get3A_36 = vector.load %arg6[%get3A_32, %get3A_33, %get3A_34, %get3A_35] : memref<2x128x4x2048xf32, #tpu.memory_space<vmem>>, vector<1x1x4x2048xf32>
    %get3A_37 = vector.shape_cast %get3A_36 : vector<1x1x4x2048xf32> to vector<4x2048xf32>
    %add3A_38 = arith.addf %get3A_31, %get3A_37 : vector<4x2048xf32>
    %add3A_39 = vector.broadcast %get3A_25 : f32 to vector<4x2048xf32>
    %add3A_40 = arith.addf %add3A_38, %add3A_39 : vector<4x2048xf32>
    %swap3A = arith.constant 0 : index
    %swap3A_41 = arith.constant 0 : index
    %swap3A_42 = arith.constant 0 : index
    %swap3A_43 = arith.constant 0 : index
    %swap3A_44 = vector.load %arg5[%swap3A, %swap3A_41, %swap3A_42, %swap3A_43] : memref<1x128x4x2048xf32, #tpu.memory_space<vmem>>, vector<1x1x4x2048xf32>
    %swap3A_45 = vector.shape_cast %swap3A_44 : vector<1x1x4x2048xf32> to vector<4x2048xf32>
    %swap3A_46 = vector.shape_cast %add3A_40 : vector<4x2048xf32> to vector<1x1x4x2048xf32>
    tpu.vector_store %arg5[%swap3A, %swap3A_41, %swap3A_42, %swap3A_43], %swap3A_46 {strides = array<i32>} : memref<1x128x4x2048xf32, #tpu.memory_space<vmem>>, vector<1x1x4x2048xf32>,
    %add3A_47 = arith.constant 1 : i32
    %add3A_48 = arith.addi %mul3A_9, %add3A_47 : i32
    %get3A_49 = arith.index_cast %arg1 : i32 to index
    %get3A_50 = arith.index_cast %add3A_48 : i32 to index
    %get3A_51 = memref.load %arg3[%get3A_49, %get3A_50] : memref<4x1024xf32, #tpu.memory_space<smem>>
    %get3A_52 = arith.constant 0 : index
    %get3A_53 = arith.constant 1 : index
    %get3A_54 = arith.constant 0 : index
    %get3A_55 = arith.constant 0 : index
    %get3A_56 = vector.load %arg4[%get3A_52, %get3A_53, %get3A_54, %get3A_55] : memref<1x128x4x2048xf32, #tpu.memory_space<vmem>>, vector<1x1x4x2048xf32>
    %get3A_57 = vector.shape_cast %get3A_56 : vector<1x1x4x2048xf32> to vector<4x2048xf32>
    %get3A_58 = arith.index_cast %select_n3A_21 : i32 to index
    %get3A_59 = arith.constant 1 : index
    %get3A_60 = arith.constant 0 : index
    %get3A_61 = arith.constant 0 : index
    %get3A_62 = vector.load %arg6[%get3A_58, %get3A_59, %get3A_60, %get3A_61] : memref<2x128x4x2048xf32, #tpu.memory_space<vmem>>, vector<1x1x4x2048xf32>
    %get3A_63 = vector.shape_cast %get3A_62 : vector<1x1x4x2048xf32> to vector<4x2048xf32>
    %add3A_64 = arith.addf %get3A_57, %get3A_63 : vector<4x2048xf32>
    %add3A_65 = vector.broadcast %get3A_51 : f32 to vector<4x2048xf32>
    %add3A_66 = arith.addf %add3A_64, %add3A_65 : vector<4x2048xf32>
    %swap3A_67 = arith.constant 0 : index
    %swap3A_68 = arith.constant 1 : index
    %swap3A_69 = arith.constant 0 : index
    %swap3A_70 = arith.constant 0 : index
    %swap3A_71 = vector.load %arg5[%swap3A_67, %swap3A_68, %swap3A_69, %swap3A_70] : memref<1x128x4x2048xf32, #tpu.memory_space<vmem>>, vector<1x1x4x2048xf32>
    %swap3A_72 = vector.shape_cast %swap3A_71 : vector<1x1x4x2048xf32> to vector<4x2048xf32>
    %swap3A_73 = vector.shape_cast %add3A_66 : vector<4x2048xf32> to vector<1x1x4x2048xf32>
    tpu.vector_store %arg5[%swap3A_67, %swap3A_68, %swap3A_69, %swap3A_70], %swap3A_73 {strides = array<i32>} : memref<1x128x4x2048xf32, #tpu.memory_space<vmem>>, vector<1x1x4x2048xf32>,
    %add3A_74 = arith.constant 2 : i32
    %add3A_75 = arith.addi %mul3A_9, %add3A_74 : i32
    %get3A_76 = arith.index_cast %arg1 : i32 to index
    %get3A_77 = arith.index_cast %add3A_75 : i32 to index
    %get3A_78 = memref.load %arg3[%get3A_76, %get3A_77] : memref<4x1024xf32, #tpu.memory_space<smem>>
    %get3A_79 = arith.constant 0 : index
    %get3A_80 = arith.constant 2 : index
    %get3A_81 = arith.constant 0 : index
    %get3A_82 = arith.constant 0 : index
    %get3A_83 = vector.load %arg4[%get3A_79, %get3A_80, %get3A_81, %get3A_82] : memref<1x128x4x2048xf32, #tpu.memory_space<vmem>>, vector<1x1x4x2048xf32>
    %get3A_84 = vector.shape_cast %get3A_83 : vector<1x1x4x2048xf32> to vector<4x2048xf32>
    %get3A_85 = arith.index_cast %select_n3A_21 : i32 to index
    %get3A_86 = arith.constant 2 : index
    %get3A_87 = arith.constant 0 : index
    %get3A_88 = arith.constant 0 : index
    %get3A_89 = vector.load %arg6[%get3A_85, %get3A_86, %get3A_87, %get3A_88] : memref<2x128x4x2048xf32, #tpu.memory_space<vmem>>, vector<1x1x4x2048xf32>
    %get3A_90 = vector.shape_cast %get3A_89 : vector<1x1x4x2048xf32> to vector<4x2048xf32>
    %add3A_91 = arith.addf %get3A_84, %get3A_90 : vector<4x2048xf32>
    %add3A_92 = vector.broadcast %get3A_78 : f32 to vector<4x2048xf32>
    %add3A_93 = arith.addf %add3A_91, %add3A_92 : vector<4x2048xf32>
    %swap3A_94 = arith.constant 0 : index
    %swap3A_95 = arith.constant 2 : index
    %swap3A_96 = arith.constant 0 : index
    %swap3A_97 = arith.constant 0 : index
    %swap3A_98 = vector.load %arg5[%swap3A_94, %swap3A_95, %swap3A_96, %swap3A_97] : memref<1x128x4x2048xf32, #tpu.memory_space<vmem>>, vector<1x1x4x2048xf32>
    %swap3A_99 = vector.shape_cast %swap3A_98 : vector<1x1x4x2048xf32> to vector<4x2048xf32>
    %swap3A_100 = vector.shape_cast %add3A_93 : vector<4x2048xf32> to vector<1x1x4x2048xf32>
    tpu.vector_store %arg5[%swap3A_94, %swap3A_95, %swap3A_96, %swap3A_97], %swap3A_100 {strides = array<i32>} : memref<1x128x4x2048xf32, #tpu.memory_space<vmem>>, vector<1x1x4x2048xf32>,
    %add3A_101 = arith.constant 3 : i32
    %add3A_102 = arith.addi %mul3A_9, %add3A_101 : i32
    %get3A_103 = arith.index_cast %arg1 : i32 to index
    %get3A_104 = arith.index_cast %add3A_102 : i32 to index
    %get3A_105 = memref.load %arg3[%get3A_103, %get3A_104] : memref<4x1024xf32, #tpu.memory_space<smem>>
    %get3A_106 = arith.constant 0 : index
    %get3A_107 = arith.constant 3 : index
    %get3A_108 = arith.constant 0 : index
    %get3A_109 = arith.constant 0 : index
    %get3A_110 = vector.load %arg4[%get3A_106, %get3A_107, %get3A_108, %get3A_109] : memref<1x128x4x2048xf32, #tpu.memory_space<vmem>>, vector<1x1x4x2048xf32>
    %get3A_111 = vector.shape_cast %get3A_110 : vector<1x1x4x2048xf32> to vector<4x2048xf32>
    %get3A_112 = arith.index_cast %select_n3A_21 : i32 to index
    %get3A_113 = arith.constant 3 : index
    %get3A_114 = arith.constant 0 : index
    %get3A_115 = arith.constant 0 : index
    %get3A_116 = vector.load %arg6[%get3A_112, %get3A_113, %get3A_114, %get3A_115] : memref<2x128x4x2048xf32, #tpu.memory_space<vmem>>, vector<1x1x4x2048xf32>
    %get3A_117 = vector.shape_cast %get3A_116 : vector<1x1x4x2048xf32> to vector<4x2048xf32>
    %add3A_118 = arith.addf %get3A_111, %get3A_117 : vector<4x2048xf32>
    %add3A_119 = vector.broadcast %get3A_105 : f32 to vector<4x2048xf32>
    %add3A_120 = arith.addf %add3A_118, %add3A_119 : vector<4x2048xf32>
    %swap3A_121 = arith.constant 0 : index
    %swap3A_122 = arith.constant 3 : index
    %swap3A_123 = arith.constant 0 : index
    %swap3A_124 = arith.constant 0 : index
    %swap3A_125 = vector.load %arg5[%swap3A_121, %swap3A_122, %swap3A_123, %swap3A_124] : memref<1x128x4x2048xf32, #tpu.memory_space<vmem>>, vector<1x1x4x2048xf32>
    %swap3A_126 = vector.shape_cast %swap3A_125 : vector<1x1x4x2048xf32> to vector<4x2048xf32>
    %swap3A_127 = vector.shape_cast %add3A_120 : vector<4x2048xf32> to vector<1x1x4x2048xf32>
    tpu.vector_store %arg5[%swap3A_121, %swap3A_122, %swap3A_123, %swap3A_124], %swap3A_127 {strides = array<i32>} : memref<1x128x4x2048xf32, #tpu.memory_space<vmem>>, vector<1x1x4x2048xf32>,
    %add3A_128 = arith.constant 4 : i32
    %add3A_129 = arith.addi %mul3A_9, %add3A_128 : i32
    %get3A_130 = arith.index_cast %arg1 : i32 to index
    %get3A_131 = arith.index_cast %add3A_129 : i32 to index
    %get3A_132 = memref.load %arg3[%get3A_130, %get3A_131] : memref<4x1024xf32, #tpu.memory_space<smem>>
    %get3A_133 = arith.constant 0 : index
    %get3A_134 = arith.constant 4 : index
    %get3A_135 = arith.constant 0 : index
    %get3A_136 = arith.constant 0 : index
    %get3A_137 = vector.load %arg4[%get3A_133, %get3A_134, %get3A_135, %get3A_136] : memref<1x128x4x2048xf32, #tpu.memory_space<vmem>>, vector<1x1x4x2048xf32>
    %get3A_138 = vector.shape_cast %get3A_137 : vector<1x1x4x2048xf32> to vector<4x2048xf32>
    %get3A_139 = arith.index_cast %select_n3A_21 : i32 to index
    %get3A_140 = arith.constant 4 : index
    %get3A_141 = arith.constant 0 : index
    %get3A_142 = arith.constant 0 : index
    %get3A_143 = vector.load %arg6[%get3A_139, %get3A_140, %get3A_141, %get3A_142] : memref<2x128x4x2048xf32, #tpu.memory_space<vmem>>, vector<1x1x4x2048xf32>
    %get3A_144 = vector.shape_cast %get3A_143 : vector<1x1x4x2048xf32> to vector<4x2048xf32>
    %add3A_145 = arith.addf %get3A_138, %get3A_144 : vector<4x2048xf32>
    %add3A_146 = vector.broadcast %get3A_132 : f32 to vector<4x2048xf32>
    %add3A_147 = arith.addf %add3A_145, %add3A_146 : vector<4x2048xf32>
    %swap3A_148 = arith.constant 0 : index
    %swap3A_149 = arith.constant 4 : index
    %swap3A_150 = arith.constant 0 : index
    %swap3A_151 = arith.constant 0 : index
    %swap3A_152 = vector.load %arg5[%swap3A_148, %swap3A_149, %swap3A_150, %swap3A_151] : memref<1x128x4x2048xf32, #tpu.memory_space<vmem>>, vector<1x1x4x2048xf32>
    %swap3A_153 = vector.shape_cast %swap3A_152 : vector<1x1x4x2048xf32> to vector<4x2048xf32>
    %swap3A_154 = vector.shape_cast %add3A_147 : vector<4x2048xf32> to vector<1x1x4x2048xf32>
    tpu.vector_store %arg5[%swap3A_148, %swap3A_149, %swap3A_150, %swap3A_151], %swap3A_154 {strides = array<i32>} : memref<1x128x4x2048xf32, #tpu.memory_space<vmem>>, vector<1x1x4x2048xf32>,
    %add3A_155 = arith.constant 5 : i32
    %add3A_156 = arith.addi %mul3A_9, %add3A_155 : i32
    %get3A_157 = arith.index_cast %arg1 : i32 to index
    %get3A_158 = arith.index_cast %add3A_156 : i32 to index
    %get3A_159 = memref.load %arg3[%get3A_157, %get3A_158] : memref<4x1024xf32, #tpu.memory_space<smem>>
    %get3A_160 = arith.constant 0 : index
    %get3A_161 = arith.constant 5 : index
    %get3A_162 = arith.constant 0 : index
    %get3A_163 = arith.constant 0 : index
    %get3A_164 = vector.load %arg4[%get3A_160, %get3A_161, %get3A_162, %get3A_163] : memref<1x128x4x2048xf32, #tpu.memory_space<vmem>>, vector<1x1x4x2048xf32>
    %get3A_165 = vector.shape_cast %get3A_164 : vector<1x1x4x2048xf32> to vector<4x2048xf32>
    %get3A_166 = arith.index_cast %select_n3A_21 : i32 to index
    %get3A_167 = arith.constant 5 : index
    %get3A_168 = arith.constant 0 : index
    %get3A_169 = arith.constant 0 : index
    %get3A_170 = vector.load %arg6[%get3A_166, %get3A_167, %get3A_168, %get3A_169] : memref<2x128x4x2048xf32, #tpu.memory_space<vmem>>, vector<1x1x4x2048xf32>
    %get3A_171 = vector.shape_cast %get3A_170 : vector<1x1x4x2048xf32> to vector<4x2048xf32>
    %add3A_172 = arith.addf %get3A_165, %get3A_171 : vector<4x2048xf32>
    %add3A_173 = vector.broadcast %get3A_159 : f32 to vector<4x2048xf32>
    %add3A_174 = arith.addf %add3A_172, %add3A_173 : vector<4x2048xf32>
    %swap3A_175 = arith.constant 0 : index
    %swap3A_176 = arith.constant 5 : index
    %swap3A_177 = arith.constant 0 : index
    %swap3A_178 = arith.constant 0 : index
    %swap3A_179 = vector.load %arg5[%swap3A_175, %swap3A_176, %swap3A_177, %swap3A_178] : memref<1x128x4x2048xf32, #tpu.memory_space<vmem>>, vector<1x1x4x2048xf32>
    %swap3A_180 = vector.shape_cast %swap3A_179 : vector<1x1x4x2048xf32> to vector<4x2048xf32>
    %swap3A_181 = vector.shape_cast %add3A_174 : vector<4x2048xf32> to vector<1x1x4x2048xf32>
    tpu.vector_store %arg5[%swap3A_175, %swap3A_176, %swap3A_177, %swap3A_178], %swap3A_181 {strides = array<i32>} : memref<1x128x4x2048xf32, #tpu.memory_space<vmem>>, vector<1x1x4x2048xf32>,
    %add3A_182 = arith.constant 6 : i32
    %add3A_183 = arith.addi %mul3A_9, %add3A_182 : i32
    %get3A_184 = arith.index_cast %arg1 : i32 to index
    %get3A_185 = arith.index_cast %add3A_183 : i32 to index
    %get3A_186 = memref.load %arg3[%get3A_184, %get3A_185] : memref<4x1024xf32, #tpu.memory_space<smem>>
    %get3A_187 = arith.constant 0 : index
    %get3A_188 = arith.constant 6 : index
    %get3A_189 = arith.constant 0 : index
    %get3A_190 = arith.constant 0 : index
    %get3A_191 = vector.load %arg4[%get3A_187, %get3A_188, %get3A_189, %get3A_190] : memref<1x128x4x2048xf32, #tpu.memory_space<vmem>>, vector<1x1x4x2048xf32>
    %get3A_192 = vector.shape_cast %get3A_191 : vector<1x1x4x2048xf32> to vector<4x2048xf32>
    %get3A_193 = arith.index_cast %select_n3A_21 : i32 to index
    %get3A_194 = arith.constant 6 : index
    %get3A_195 = arith.constant 0 : index
    %get3A_196 = arith.constant 0 : index
    %get3A_197 = vector.load %arg6[%get3A_193, %get3A_194, %get3A_195, %get3A_196] : memref<2x128x4x2048xf32, #tpu.memory_space<vmem>>, vector<1x1x4x2048xf32>
    %get3A_198 = vector.shape_cast %get3A_197 : vector<1x1x4x2048xf32> to vector<4x2048xf32>
    %add3A_199 = arith.addf %get3A_192, %get3A_198 : vector<4x2048xf32>
    %add3A_200 = vector.broadcast %get3A_186 : f32 to vector<4x2048xf32>
    %add3A_201 = arith.addf %add3A_199, %add3A_200 : vector<4x2048xf32>
    %swap3A_202 = arith.constant 0 : index
    %swap3A_203 = arith.constant 6 : index
    %swap3A_204 = arith.constant 0 : index
    %swap3A_205 = arith.constant 0 : index
    %swap3A_206 = vector.load %arg5[%swap3A_202, %swap3A_203, %swap3A_204, %swap3A_205] : memref<1x128x4x2048xf32, #tpu.memory_space<vmem>>, vector<1x1x4x2048xf32>
    %swap3A_207 = vector.shape_cast %swap3A_206 : vector<1x1x4x2048xf32> to vector<4x2048xf32>
    %swap3A_208 = vector.shape_cast %add3A_201 : vector<4x2048xf32> to vector<1x1x4x2048xf32>
    tpu.vector_store %arg5[%swap3A_202, %swap3A_203, %swap3A_204, %swap3A_205], %swap3A_208 {strides = array<i32>} : memref<1x128x4x2048xf32, #tpu.memory_space<vmem>>, vector<1x1x4x2048xf32>,
    %add3A_209 = arith.constant 7 : i32
    %add3A_210 = arith.addi %mul3A_9, %add3A_209 : i32
    %get3A_211 = arith.index_cast %arg1 : i32 to index
    %get3A_212 = arith.index_cast %add3A_210 : i32 to index
    %get3A_213 = memref.load %arg3[%get3A_211, %get3A_212] : memref<4x1024xf32, #tpu.memory_space<smem>>
    %get3A_214 = arith.constant 0 : index
    %get3A_215 = arith.constant 7 : index
    %get3A_216 = arith.constant 0 : index
    %get3A_217 = arith.constant 0 : index
    %get3A_218 = vector.load %arg4[%get3A_214, %get3A_215, %get3A_216, %get3A_217] : memref<1x128x4x2048xf32, #tpu.memory_space<vmem>>, vector<1x1x4x2048xf32>
    %get3A_219 = vector.shape_cast %get3A_218 : vector<1x1x4x2048xf32> to vector<4x2048xf32>
    %get3A_220 = arith.index_cast %select_n3A_21 : i32 to index
    %get3A_221 = arith.constant 7 : index
    %get3A_222 = arith.constant 0 : index
    %get3A_223 = arith.constant 0 : index
    %get3A_224 = vector.load %arg6[%get3A_220, %get3A_221, %get3A_222, %get3A_223] : memref<2x128x4x2048xf32, #tpu.memory_space<vmem>>, vector<1x1x4x2048xf32>
    %get3A_225 = vector.shape_cast %get3A_224 : vector<1x1x4x2048xf32> to vector<4x2048xf32>
    %add3A_226 = arith.addf %get3A_219, %get3A_225 : vector<4x2048xf32>
    %add3A_227 = vector.broadcast %get3A_213 : f32 to vector<4x2048xf32>
    %add3A_228 = arith.addf %add3A_226, %add3A_227 : vector<4x2048xf32>
    %swap3A_229 = arith.constant 0 : index
    %swap3A_230 = arith.constant 7 : index
    %swap3A_231 = arith.constant 0 : index
    %swap3A_232 = arith.constant 0 : index
    %swap3A_233 = vector.load %arg5[%swap3A_229, %swap3A_230, %swap3A_231, %swap3A_232] : memref<1x128x4x2048xf32, #tpu.memory_space<vmem>>, vector<1x1x4x2048xf32>
    %swap3A_234 = vector.shape_cast %swap3A_233 : vector<1x1x4x2048xf32> to vector<4x2048xf32>
    %swap3A_235 = vector.shape_cast %add3A_228 : vector<4x2048xf32> to vector<1x1x4x2048xf32>
    tpu.vector_store %arg5[%swap3A_229, %swap3A_230, %swap3A_231, %swap3A_232], %swap3A_235 {strides = array<i32>} : memref<1x128x4x2048xf32, #tpu.memory_space<vmem>>, vector<1x1x4x2048xf32>,
    %add3A_236 = arith.constant 8 : i32
    %add3A_237 = arith.addi %mul3A_9, %add3A_236 : i32
    %get3A_238 = arith.index_cast %arg1 : i32 to index
    %get3A_239 = arith.index_cast %add3A_237 : i32 to index
    %get3A_240 = memref.load %arg3[%get3A_238, %get3A_239] : memref<4x1024xf32, #tpu.memory_space<smem>>
    %get3A_241 = arith.constant 0 : index
    %get3A_242 = arith.constant 8 : index
    %get3A_243 = arith.constant 0 : index
    %get3A_244 = arith.constant 0 : index
    %get3A_245 = vector.load %arg4[%get3A_241, %get3A_242, %get3A_243, %get3A_244] : memref<1x128x4x2048xf32, #tpu.memory_space<vmem>>, vector<1x1x4x2048xf32>
    %get3A_246 = vector.shape_cast %get3A_245 : vector<1x1x4x2048xf32> to vector<4x2048xf32>
    %get3A_247 = arith.index_cast %select_n3A_21 : i32 to index
    %get3A_248 = arith.constant 8 : index
    %get3A_249 = arith.constant 0 : index
    %get3A_250 = arith.constant 0 : index
    %get3A_251 = vector.load %arg6[%get3A_247, %get3A_248, %get3A_249, %get3A_250] : memref<2x128x4x2048xf32, #tpu.memory_space<vmem>>, vector<1x1x4x2048xf32>
    %get3A_252 = vector.shape_cast %get3A_251 : vector<1x1x4x2048xf32> to vector<4x2048xf32>
    %add3A_253 = arith.addf %get3A_246, %get3A_252 : vector<4x2048xf32>
    %add3A_254 = vector.broadcast %get3A_240 : f32 to vector<4x2048xf32>
    %add3A_255 = arith.addf %add3A_253, %add3A_254 : vector<4x2048xf32>
    %swap3A_256 = arith.constant 0 : index
    %swap3A_257 = arith.constant 8 : index
    %swap3A_258 = arith.constant 0 : index
    %swap3A_259 = arith.constant 0 : index
    %swap3A_260 = vector.load %arg5[%swap3A_256, %swap3A_257, %swap3A_258, %swap3A_259] : memref<1x128x4x2048xf32, #tpu.memory_space<vmem>>, vector<1x1x4x2048xf32>
    %swap3A_261 = vector.shape_cast %swap3A_260 : vector<1x1x4x2048xf32> to vector<4x2048xf32>
    %swap3A_262 = vector.shape_cast %add3A_255 : vector<4x2048xf32> to vector<1x1x4x2048xf32>
    tpu.vector_store %arg5[%swap3A_256, %swap3A_257, %swap3A_258, %swap3A_259], %swap3A_262 {strides = array<i32>} : memref<1x128x4x2048xf32, #tpu.memory_space<vmem>>, vector<1x1x4x2048xf32>,
    %add3A_263 = arith.constant 9 : i32
    %add3A_264 = arith.addi %mul3A_9, %add3A_263 : i32
    %get3A_265 = arith.index_cast %arg1 : i32 to index
    %get3A_266 = arith.index_cast %add3A_264 : i32 to index
    %get3A_267 = memref.load %arg3[%get3A_265, %get3A_266] : memref<4x1024xf32, #tpu.memory_space<smem>>
    %get3A_268 = arith.constant 0 : index
    %get3A_269 = arith.constant 9 : index
    %get3A_270 = arith.constant 0 : index
    %get3A_271 = arith.constant 0 : index
    %get3A_272 = vector.load %arg4[%get3A_268, %get3A_269, %get3A_270, %get3A_271] : memref<1x128x4x2048xf32, #tpu.memory_space<vmem>>, vector<1x1x4x2048xf32>
    %get3A_273 = vector.shape_cast %get3A_272 : vector<1x1x4x2048xf32> to vector<4x2048xf32>
    %get3A_274 = arith.index_cast %select_n3A_21 : i32 to index
    %get3A_275 = arith.constant 9 : index
    %get3A_276 = arith.constant 0 : index
    %get3A_277 = arith.constant 0 : index
    %get3A_278 = vector.load %arg6[%get3A_274, %get3A_275, %get3A_276, %get3A_277] : memref<2x128x4x2048xf32, #tpu.memory_space<vmem>>, vector<1x1x4x2048xf32>
    %get3A_279 = vector.shape_cast %get3A_278 : vector<1x1x4x2048xf32> to vector<4x2048xf32>
    %add3A_280 = arith.addf %get3A_273, %get3A_279 : vector<4x2048xf32>
    %add3A_281 = vector.broadcast %get3A_267 : f32 to vector<4x2048xf32>
    %add3A_282 = arith.addf %add3A_280, %add3A_281 : vector<4x2048xf32>
    %swap3A_283 = arith.constant 0 : index
    %swap3A_284 = arith.constant 9 : index
    %swap3A_285 = arith.constant 0 : index
    %swap3A_286 = arith.constant 0 : index
    %swap3A_287 = vector.load %arg5[%swap3A_283, %swap3A_284, %swap3A_285, %swap3A_286] : memref<1x128x4x2048xf32, #tpu.memory_space<vmem>>, vector<1x1x4x2048xf32>
    %swap3A_288 = vector.shape_cast %swap3A_287 : vector<1x1x4x2048xf32> to vector<4x2048xf32>
    %swap3A_289 = vector.shape_cast %add3A_282 : vector<4x2048xf32> to vector<1x1x4x2048xf32>
    tpu.vector_store %arg5[%swap3A_283, %swap3A_284, %swap3A_285, %swap3A_286], %swap3A_289 {strides = array<i32>} : memref<1x128x4x2048xf32, #tpu.memory_space<vmem>>, vector<1x1x4x2048xf32>,
    %add3A_290 = arith.constant 10 : i32
    %add3A_291 = arith.addi %mul3A_9, %add3A_290 : i32
    %get3A_292 = arith.index_cast %arg1 : i32 to index
    %get3A_293 = arith.index_cast %add3A_291 : i32 to index
    %get3A_294 = memref.load %arg3[%get3A_292, %get3A_293] : memref<4x1024xf32, #tpu.memory_space<smem>>
    %get3A_295 = arith.constant 0 : index
    %get3A_296 = arith.constant 10 : index
    %get3A_297 = arith.constant 0 : index
    %get3A_298 = arith.constant 0 : index
    %get3A_299 = vector.load %arg4[%get3A_295, %get3A_296, %get3A_297, %get3A_298] : memref<1x128x4x2048xf32, #tpu.memory_space<vmem>>, vector<1x1x4x2048xf32>
    %get3A_300 = vector.shape_cast %get3A_299 : vector<1x1x4x2048xf32> to vector<4x2048xf32>
    %get3A_301 = arith.index_cast %select_n3A_21 : i32 to index
    %get3A_302 = arith.constant 10 : index
    %get3A_303 = arith.constant 0 : index
    %get3A_304 = arith.constant 0 : index
    %get3A_305 = vector.load %arg6[%get3A_301, %get3A_302, %get3A_303, %get3A_304] : memref<2x128x4x2048xf32, #tpu.memory_space<vmem>>, vector<1x1x4x2048xf32>
    %get3A_306 = vector.shape_cast %get3A_305 : vector<1x1x4x2048xf32> to vector<4x2048xf32>
    %add3A_307 = arith.addf %get3A_300, %get3A_306 : vector<4x2048xf32>
    %add3A_308 = vector.broadcast %get3A_294 : f32 to vector<4x2048xf32>
    %add3A_309 = arith.addf %add3A_307, %add3A_308 : vector<4x2048xf32>
    %swap3A_310 = arith.constant 0 : index
    %swap3A_311 = arith.constant 10 : index
    %swap3A_312 = arith.constant 0 : index
    %swap3A_313 = arith.constant 0 : index
    %swap3A_314 = vector.load %arg5[%swap3A_310, %swap3A_311, %swap3A_312, %swap3A_313] : memref<1x128x4x2048xf32, #tpu.memory_space<vmem>>, vector<1x1x4x2048xf32>
    %swap3A_315 = vector.shape_cast %swap3A_314 : vector<1x1x4x2048xf32> to vector<4x2048xf32>
    %swap3A_316 = vector.shape_cast %add3A_309 : vector<4x2048xf32> to vector<1x1x4x2048xf32>
    tpu.vector_store %arg5[%swap3A_310, %swap3A_311, %swap3A_312, %swap3A_313], %swap3A_316 {strides = array<i32>} : memref<1x128x4x2048xf32, #tpu.memory_space<vmem>>, vector<1x1x4x2048xf32>,
    %add3A_317 = arith.constant 11 : i32
    %add3A_318 = arith.addi %mul3A_9, %add3A_317 : i32
    %get3A_319 = arith.index_cast %arg1 : i32 to index
    %get3A_320 = arith.index_cast %add3A_318 : i32 to index
    %get3A_321 = memref.load %arg3[%get3A_319, %get3A_320] : memref<4x1024xf32, #tpu.memory_space<smem>>
    %get3A_322 = arith.constant 0 : index
    %get3A_323 = arith.constant 11 : index
    %get3A_324 = arith.constant 0 : index
    %get3A_325 = arith.constant 0 : index
    %get3A_326 = vector.load %arg4[%get3A_322, %get3A_323, %get3A_324, %get3A_325] : memref<1x128x4x2048xf32, #tpu.memory_space<vmem>>, vector<1x1x4x2048xf32>
    %get3A_327 = vector.shape_cast %get3A_326 : vector<1x1x4x2048xf32> to vector<4x2048xf32>
    %get3A_328 = arith.index_cast %select_n3A_21 : i32 to index
    %get3A_329 = arith.constant 11 : index
    %get3A_330 = arith.constant 0 : index
    %get3A_331 = arith.constant 0 : index
    %get3A_332 = vector.load %arg6[%get3A_328, %get3A_329, %get3A_330, %get3A_331] : memref<2x128x4x2048xf32, #tpu.memory_space<vmem>>, vector<1x1x4x2048xf32>
    %get3A_333 = vector.shape_cast %get3A_332 : vector<1x1x4x2048xf32> to vector<4x2048xf32>
    %add3A_334 = arith.addf %get3A_327, %get3A_333 : vector<4x2048xf32>
    %add3A_335 = vector.broadcast %get3A_321 : f32 to vector<4x2048xf32>
    %add3A_336 = arith.addf %add3A_334, %add3A_335 : vector<4x2048xf32>
    %swap3A_337 = arith.constant 0 : index
    %swap3A_338 = arith.constant 11 : index
    %swap3A_339 = arith.constant 0 : index
    %swap3A_340 = arith.constant 0 : index
    %swap3A_341 = vector.load %arg5[%swap3A_337, %swap3A_338, %swap3A_339, %swap3A_340] : memref<1x128x4x2048xf32, #tpu.memory_space<vmem>>, vector<1x1x4x2048xf32>
    %swap3A_342 = vector.shape_cast %swap3A_341 : vector<1x1x4x2048xf32> to vector<4x2048xf32>
    %swap3A_343 = vector.shape_cast %add3A_336 : vector<4x2048xf32> to vector<1x1x4x2048xf32>
    tpu.vector_store %arg5[%swap3A_337, %swap3A_338, %swap3A_339, %swap3A_340], %swap3A_343 {strides = array<i32>} : memref<1x128x4x2048xf32, #tpu.memory_space<vmem>>, vector<1x1x4x2048xf32>,
    %add3A_344 = arith.constant 12 : i32
    %add3A_345 = arith.addi %mul3A_9, %add3A_344 : i32
    %get3A_346 = arith.index_cast %arg1 : i32 to index
    %get3A_347 = arith.index_cast %add3A_345 : i32 to index
    %get3A_348 = memref.load %arg3[%get3A_346, %get3A_347] : memref<4x1024xf32, #tpu.memory_space<smem>>
    %get3A_349 = arith.constant 0 : index
    %get3A_350 = arith.constant 12 : index
    %get3A_351 = arith.constant 0 : index
    %get3A_352 = arith.constant 0 : index
    %get3A_353 = vector.load %arg4[%get3A_349, %get3A_350, %get3A_351, %get3A_352] : memref<1x128x4x2048xf32, #tpu.memory_space<vmem>>, vector<1x1x4x2048xf32>
    %get3A_354 = vector.shape_cast %get3A_353 : vector<1x1x4x2048xf32> to vector<4x2048xf32>
    %get3A_355 = arith.index_cast %select_n3A_21 : i32 to index
    %get3A_356 = arith.constant 12 : index
    %get3A_357 = arith.constant 0 : index
    %get3A_358 = arith.constant 0 : index
    %get3A_359 = vector.load %arg6[%get3A_355, %get3A_356, %get3A_357, %get3A_358] : memref<2x128x4x2048xf32, #tpu.memory_space<vmem>>, vector<1x1x4x2048xf32>
    %get3A_360 = vector.shape_cast %get3A_359 : vector<1x1x4x2048xf32> to vector<4x2048xf32>
    %add3A_361 = arith.addf %get3A_354, %get3A_360 : vector<4x2048xf32>
    %add3A_362 = vector.broadcast %get3A_348 : f32 to vector<4x2048xf32>
    %add3A_363 = arith.addf %add3A_361, %add3A_362 : vector<4x2048xf32>
    %swap3A_364 = arith.constant 0 : index
    %swap3A_365 = arith.constant 12 : index
    %swap3A_366 = arith.constant 0 : index
    %swap3A_367 = arith.constant 0 : index
    %swap3A_368 = vector.load %arg5[%swap3A_364, %swap3A_365, %swap3A_366, %swap3A_367] : memref<1x128x4x2048xf32, #tpu.memory_space<vmem>>, vector<1x1x4x2048xf32>
    %swap3A_369 = vector.shape_cast %swap3A_368 : vector<1x1x4x2048xf32> to vector<4x2048xf32>
    %swap3A_370 = vector.shape_cast %add3A_363 : vector<4x2048xf32> to vector<1x1x4x2048xf32>
    tpu.vector_store %arg5[%swap3A_364, %swap3A_365, %swap3A_366, %swap3A_367], %swap3A_370 {strides = array<i32>} : memref<1x128x4x2048xf32, #tpu.memory_space<vmem>>, vector<1x1x4x2048xf32>,
    %add3A_371 = arith.constant 13 : i32
    %add3A_372 = arith.addi %mul3A_9, %add3A_371 : i32
    %get3A_373 = arith.index_cast %arg1 : i32 to index
    %get3A_374 = arith.index_cast %add3A_372 : i32 to index
    %get3A_375 = memref.load %arg3[%get3A_373, %get3A_374] : memref<4x1024xf32, #tpu.memory_space<smem>>
    %get3A_376 = arith.constant 0 : index
    %get3A_377 = arith.constant 13 : index
    %get3A_378 = arith.constant 0 : index
    %get3A_379 = arith.constant 0 : index
    %get3A_380 = vector.load %arg4[%get3A_376, %get3A_377, %get3A_378, %get3A_379] : memref<1x128x4x2048xf32, #tpu.memory_space<vmem>>, vector<1x1x4x2048xf32>
    %get3A_381 = vector.shape_cast %get3A_380 : vector<1x1x4x2048xf32> to vector<4x2048xf32>
    %get3A_382 = arith.index_cast %select_n3A_21 : i32 to index
    %get3A_383 = arith.constant 13 : index
    %get3A_384 = arith.constant 0 : index
    %get3A_385 = arith.constant 0 : index
    %get3A_386 = vector.load %arg6[%get3A_382, %get3A_383, %get3A_384, %get3A_385] : memref<2x128x4x2048xf32, #tpu.memory_space<vmem>>, vector<1x1x4x2048xf32>
    %get3A_387 = vector.shape_cast %get3A_386 : vector<1x1x4x2048xf32> to vector<4x2048xf32>
    %add3A_388 = arith.addf %get3A_381, %get3A_387 : vector<4x2048xf32>
    %add3A_389 = vector.broadcast %get3A_375 : f32 to vector<4x2048xf32>
    %add3A_390 = arith.addf %add3A_388, %add3A_389 : vector<4x2048xf32>
    %swap3A_391 = arith.constant 0 : index
    %swap3A_392 = arith.constant 13 : index
    %swap3A_393 = arith.constant 0 : index
    %swap3A_394 = arith.constant 0 : index
    %swap3A_395 = vector.load %arg5[%swap3A_391, %swap3A_392, %swap3A_393, %swap3A_394] : memref<1x128x4x2048xf32, #tpu.memory_space<vmem>>, vector<1x1x4x2048xf32>
    %swap3A_396 = vector.shape_cast %swap3A_395 : vector<1x1x4x2048xf32> to vector<4x2048xf32>
    %swap3A_397 = vector.shape_cast %add3A_390 : vector<4x2048xf32> to vector<1x1x4x2048xf32>
    tpu.vector_store %arg5[%swap3A_391, %swap3A_392, %swap3A_393, %swap3A_394], %swap3A_397 {strides = array<i32>} : memref<1x128x4x2048xf32, #tpu.memory_space<vmem>>, vector<1x1x4x2048xf32>,
    %add3A_398 = arith.constant 14 : i32
    %add3A_399 = arith.addi %mul3A_9, %add3A_398 : i32
    %get3A_400 = arith.index_cast %arg1 : i32 to index
    %get3A_401 = arith.index_cast %add3A_399 : i32 to index
    %get3A_402 = memref.load %arg3[%get3A_400, %get3A_401] : memref<4x1024xf32, #tpu.memory_space<smem>>
    %get3A_403 = arith.constant 0 : index
    %get3A_404 = arith.constant 14 : index
    %get3A_405 = arith.constant 0 : index
    %get3A_406 = arith.constant 0 : index
    %get3A_407 = vector.load %arg4[%get3A_403, %get3A_404, %get3A_405, %get3A_406] : memref<1x128x4x2048xf32, #tpu.memory_space<vmem>>, vector<1x1x4x2048xf32>
    %get3A_408 = vector.shape_cast %get3A_407 : vector<1x1x4x2048xf32> to vector<4x2048xf32>
    %get3A_409 = arith.index_cast %select_n3A_21 : i32 to index
    %get3A_410 = arith.constant 14 : index
    %get3A_411 = arith.constant 0 : index
    %get3A_412 = arith.constant 0 : index
    %get3A_413 = vector.load %arg6[%get3A_409, %get3A_410, %get3A_411, %get3A_412] : memref<2x128x4x2048xf32, #tpu.memory_space<vmem>>, vector<1x1x4x2048xf32>
    %get3A_414 = vector.shape_cast %get3A_413 : vector<1x1x4x2048xf32> to vector<4x2048xf32>
    %add3A_415 = arith.addf %get3A_408, %get3A_414 : vector<4x2048xf32>
    %add3A_416 = vector.broadcast %get3A_402 : f32 to vector<4x2048xf32>
    %add3A_417 = arith.addf %add3A_415, %add3A_416 : vector<4x2048xf32>
    %swap3A_418 = arith.constant 0 : index
    %swap3A_419 = arith.constant 14 : index
    %swap3A_420 = arith.constant 0 : index
    %swap3A_421 = arith.constant 0 : index
    %swap3A_422 = vector.load %arg5[%swap3A_418, %swap3A_419, %swap3A_420, %swap3A_421] : memref<1x128x4x2048xf32, #tpu.memory_space<vmem>>, vector<1x1x4x2048xf32>
    %swap3A_423 = vector.shape_cast %swap3A_422 : vector<1x1x4x2048xf32> to vector<4x2048xf32>
    %swap3A_424 = vector.shape_cast %add3A_417 : vector<4x2048xf32> to vector<1x1x4x2048xf32>
    tpu.vector_store %arg5[%swap3A_418, %swap3A_419, %swap3A_420, %swap3A_421], %swap3A_424 {strides = array<i32>} : memref<1x128x4x2048xf32, #tpu.memory_space<vmem>>, vector<1x1x4x2048xf32>,
    %add3A_425 = arith.constant 15 : i32
    %add3A_426 = arith.addi %mul3A_9, %add3A_425 : i32
    %get3A_427 = arith.index_cast %arg1 : i32 to index
    %get3A_428 = arith.index_cast %add3A_426 : i32 to index
    %get3A_429 = memref.load %arg3[%get3A_427, %get3A_428] : memref<4x1024xf32, #tpu.memory_space<smem>>
    %get3A_430 = arith.constant 0 : index
    %get3A_431 = arith.constant 15 : index
    %get3A_432 = arith.constant 0 : index
    %get3A_433 = arith.constant 0 : index
    %get3A_434 = vector.load %arg4[%get3A_430, %get3A_431, %get3A_432, %get3A_433] : memref<1x128x4x2048xf32, #tpu.memory_space<vmem>>, vector<1x1x4x2048xf32>
    %get3A_435 = vector.shape_cast %get3A_434 : vector<1x1x4x2048xf32> to vector<4x2048xf32>
    %get3A_436 = arith.index_cast %select_n3A_21 : i32 to index
    %get3A_437 = arith.constant 15 : index
    %get3A_438 = arith.constant 0 : index
    %get3A_439 = arith.constant 0 : index
    %get3A_440 = vector.load %arg6[%get3A_436, %get3A_437, %get3A_438, %get3A_439] : memref<2x128x4x2048xf32, #tpu.memory_space<vmem>>, vector<1x1x4x2048xf32>
    %get3A_441 = vector.shape_cast %get3A_440 : vector<1x1x4x2048xf32> to vector<4x2048xf32>
    %add3A_442 = arith.addf %get3A_435, %get3A_441 : vector<4x2048xf32>
    %add3A_443 = vector.broadcast %get3A_429 : f32 to vector<4x2048xf32>
    %add3A_444 = arith.addf %add3A_442, %add3A_443 : vector<4x2048xf32>
    %swap3A_445 = arith.constant 0 : index
    %swap3A_446 = arith.constant 15 : index
    %swap3A_447 = arith.constant 0 : index
    %swap3A_448 = arith.constant 0 : index
    %swap3A_449 = vector.load %arg5[%swap3A_445, %swap3A_446, %swap3A_447, %swap3A_448] : memref<1x128x4x2048xf32, #tpu.memory_space<vmem>>, vector<1x1x4x2048xf32>
    %swap3A_450 = vector.shape_cast %swap3A_449 : vector<1x1x4x2048xf32> to vector<4x2048xf32>
    %swap3A_451 = vector.shape_cast %add3A_444 : vector<4x2048xf32> to vector<1x1x4x2048xf32>
    tpu.vector_store %arg5[%swap3A_445, %swap3A_446, %swap3A_447, %swap3A_448], %swap3A_451 {strides = array<i32>} : memref<1x128x4x2048xf32, #tpu.memory_space<vmem>>, vector<1x1x4x2048xf32>,
    %add3A_452 = arith.constant 16 : i32
    %add3A_453 = arith.addi %mul3A_9, %add3A_452 : i32
    %get3A_454 = arith.index_cast %arg1 : i32 to index
    %get3A_455 = arith.index_cast %add3A_453 : i32 to index
    %get3A_456 = memref.load %arg3[%get3A_454, %get3A_455] : memref<4x1024xf32, #tpu.memory_space<smem>>
    %get3A_457 = arith.constant 0 : index
    %get3A_458 = arith.constant 16 : index
    %get3A_459 = arith.constant 0 : index
    %get3A_460 = arith.constant 0 : index
    %get3A_461 = vector.load %arg4[%get3A_457, %get3A_458, %get3A_459, %get3A_460] : memref<1x128x4x2048xf32, #tpu.memory_space<vmem>>, vector<1x1x4x2048xf32>
    %get3A_462 = vector.shape_cast %get3A_461 : vector<1x1x4x2048xf32> to vector<4x2048xf32>
    %get3A_463 = arith.index_cast %select_n3A_21 : i32 to index
    %get3A_464 = arith.constant 16 : index
    %get3A_465 = arith.constant 0 : index
    %get3A_466 = arith.constant 0 : index
    %get3A_467 = vector.load %arg6[%get3A_463, %get3A_464, %get3A_465, %get3A_466] : memref<2x128x4x2048xf32, #tpu.memory_space<vmem>>, vector<1x1x4x2048xf32>
    %get3A_468 = vector.shape_cast %get3A_467 : vector<1x1x4x2048xf32> to vector<4x2048xf32>
    %add3A_469 = arith.addf %get3A_462, %get3A_468 : vector<4x2048xf32>
    %add3A_470 = vector.broadcast %get3A_456 : f32 to vector<4x2048xf32>
    %add3A_471 = arith.addf %add3A_469, %add3A_470 : vector<4x2048xf32>
    %swap3A_472 = arith.constant 0 : index
    %swap3A_473 = arith.constant 16 : index
    %swap3A_474 = arith.constant 0 : index
    %swap3A_475 = arith.constant 0 : index
    %swap3A_476 = vector.load %arg5[%swap3A_472, %swap3A_473, %swap3A_474, %swap3A_475] : memref<1x128x4x2048xf32, #tpu.memory_space<vmem>>, vector<1x1x4x2048xf32>
    %swap3A_477 = vector.shape_cast %swap3A_476 : vector<1x1x4x2048xf32> to vector<4x2048xf32>
    %swap3A_478 = vector.shape_cast %add3A_471 : vector<4x2048xf32> to vector<1x1x4x2048xf32>
    tpu.vector_store %arg5[%swap3A_472, %swap3A_473, %swap3A_474, %swap3A_475], %swap3A_478 {strides = array<i32>} : memref<1x128x4x2048xf32, #tpu.memory_space<vmem>>, vector<1x1x4x2048xf32>,
    %add3A_479 = arith.constant 17 : i32
    %add3A_480 = arith.addi %mul3A_9, %add3A_479 : i32
    %get3A_481 = arith.index_cast %arg1 : i32 to index
    %get3A_482 = arith.index_cast %add3A_480 : i32 to index
    %get3A_483 = memref.load %arg3[%get3A_481, %get3A_482] : memref<4x1024xf32, #tpu.memory_space<smem>>
    %get3A_484 = arith.constant 0 : index
    %get3A_485 = arith.constant 17 : index
    %get3A_486 = arith.constant 0 : index
    %get3A_487 = arith.constant 0 : index
    %get3A_488 = vector.load %arg4[%get3A_484, %get3A_485, %get3A_486, %get3A_487] : memref<1x128x4x2048xf32, #tpu.memory_space<vmem>>, vector<1x1x4x2048xf32>
    %get3A_489 = vector.shape_cast %get3A_488 : vector<1x1x4x2048xf32> to vector<4x2048xf32>
    %get3A_490 = arith.index_cast %select_n3A_21 : i32 to index
    %get3A_491 = arith.constant 17 : index
    %get3A_492 = arith.constant 0 : index
    %get3A_493 = arith.constant 0 : index
    %get3A_494 = vector.load %arg6[%get3A_490, %get3A_491, %get3A_492, %get3A_493] : memref<2x128x4x2048xf32, #tpu.memory_space<vmem>>, vector<1x1x4x2048xf32>
    %get3A_495 = vector.shape_cast %get3A_494 : vector<1x1x4x2048xf32> to vector<4x2048xf32>
    %add3A_496 = arith.addf %get3A_489, %get3A_495 : vector<4x2048xf32>
    %add3A_497 = vector.broadcast %get3A_483 : f32 to vector<4x2048xf32>
    %add3A_498 = arith.addf %add3A_496, %add3A_497 : vector<4x2048xf32>
    %swap3A_499 = arith.constant 0 : index
    %swap3A_500 = arith.constant 17 : index
    %swap3A_501 = arith.constant 0 : index
    %swap3A_502 = arith.constant 0 : index
    %swap3A_503 = vector.load %arg5[%swap3A_499, %swap3A_500, %swap3A_501, %swap3A_502] : memref<1x128x4x2048xf32, #tpu.memory_space<vmem>>, vector<1x1x4x2048xf32>
    %swap3A_504 = vector.shape_cast %swap3A_503 : vector<1x1x4x2048xf32> to vector<4x2048xf32>
    %swap3A_505 = vector.shape_cast %add3A_498 : vector<4x2048xf32> to vector<1x1x4x2048xf32>
    tpu.vector_store %arg5[%swap3A_499, %swap3A_500, %swap3A_501, %swap3A_502], %swap3A_505 {strides = array<i32>} : memref<1x128x4x2048xf32, #tpu.memory_space<vmem>>, vector<1x1x4x2048xf32>,
    %add3A_506 = arith.constant 18 : i32
    %add3A_507 = arith.addi %mul3A_9, %add3A_506 : i32
    %get3A_508 = arith.index_cast %arg1 : i32 to index
    %get3A_509 = arith.index_cast %add3A_507 : i32 to index
    %get3A_510 = memref.load %arg3[%get3A_508, %get3A_509] : memref<4x1024xf32, #tpu.memory_space<smem>>
    %get3A_511 = arith.constant 0 : index
    %get3A_512 = arith.constant 18 : index
    %get3A_513 = arith.constant 0 : index
    %get3A_514 = arith.constant 0 : index
    %get3A_515 = vector.load %arg4[%get3A_511, %get3A_512, %get3A_513, %get3A_514] : memref<1x128x4x2048xf32, #tpu.memory_space<vmem>>, vector<1x1x4x2048xf32>
    %get3A_516 = vector.shape_cast %get3A_515 : vector<1x1x4x2048xf32> to vector<4x2048xf32>
    %get3A_517 = arith.index_cast %select_n3A_21 : i32 to index
    %get3A_518 = arith.constant 18 : index
    %get3A_519 = arith.constant 0 : index
    %get3A_520 = arith.constant 0 : index
    %get3A_521 = vector.load %arg6[%get3A_517, %get3A_518, %get3A_519, %get3A_520] : memref<2x128x4x2048xf32, #tpu.memory_space<vmem>>, vector<1x1x4x2048xf32>
    %get3A_522 = vector.shape_cast %get3A_521 : vector<1x1x4x2048xf32> to vector<4x2048xf32>
    %add3A_523 = arith.addf %get3A_516, %get3A_522 : vector<4x2048xf32>
    %add3A_524 = vector.broadcast %get3A_510 : f32 to vector<4x2048xf32>
    %add3A_525 = arith.addf %add3A_523, %add3A_524 : vector<4x2048xf32>
    %swap3A_526 = arith.constant 0 : index
    %swap3A_527 = arith.constant 18 : index
    %swap3A_528 = arith.constant 0 : index
    %swap3A_529 = arith.constant 0 : index
    %swap3A_530 = vector.load %arg5[%swap3A_526, %swap3A_527, %swap3A_528, %swap3A_529] : memref<1x128x4x2048xf32, #tpu.memory_space<vmem>>, vector<1x1x4x2048xf32>
    %swap3A_531 = vector.shape_cast %swap3A_530 : vector<1x1x4x2048xf32> to vector<4x2048xf32>
    %swap3A_532 = vector.shape_cast %add3A_525 : vector<4x2048xf32> to vector<1x1x4x2048xf32>
    tpu.vector_store %arg5[%swap3A_526, %swap3A_527, %swap3A_528, %swap3A_529], %swap3A_532 {strides = array<i32>} : memref<1x128x4x2048xf32, #tpu.memory_space<vmem>>, vector<1x1x4x2048xf32>,
    %add3A_533 = arith.constant 19 : i32
    %add3A_534 = arith.addi %mul3A_9, %add3A_533 : i32
    %get3A_535 = arith.index_cast %arg1 : i32 to index
    %get3A_536 = arith.index_cast %add3A_534 : i32 to index
    %get3A_537 = memref.load %arg3[%get3A_535, %get3A_536] : memref<4x1024xf32, #tpu.memory_space<smem>>
    %get3A_538 = arith.constant 0 : index
    %get3A_539 = arith.constant 19 : index
    %get3A_540 = arith.constant 0 : index
    %get3A_541 = arith.constant 0 : index
    %get3A_542 = vector.load %arg4[%get3A_538, %get3A_539, %get3A_540, %get3A_541] : memref<1x128x4x2048xf32, #tpu.memory_space<vmem>>, vector<1x1x4x2048xf32>
    %get3A_543 = vector.shape_cast %get3A_542 : vector<1x1x4x2048xf32> to vector<4x2048xf32>
    %get3A_544 = arith.index_cast %select_n3A_21 : i32 to index
    %get3A_545 = arith.constant 19 : index
    %get3A_546 = arith.constant 0 : index
    %get3A_547 = arith.constant 0 : index
    %get3A_548 = vector.load %arg6[%get3A_544, %get3A_545, %get3A_546, %get3A_547] : memref<2x128x4x2048xf32, #tpu.memory_space<vmem>>, vector<1x1x4x2048xf32>
    %get3A_549 = vector.shape_cast %get3A_548 : vector<1x1x4x2048xf32> to vector<4x2048xf32>
    %add3A_550 = arith.addf %get3A_543, %get3A_549 : vector<4x2048xf32>
    %add3A_551 = vector.broadcast %get3A_537 : f32 to vector<4x2048xf32>
    %add3A_552 = arith.addf %add3A_550, %add3A_551 : vector<4x2048xf32>
    %swap3A_553 = arith.constant 0 : index
    %swap3A_554 = arith.constant 19 : index
    %swap3A_555 = arith.constant 0 : index
    %swap3A_556 = arith.constant 0 : index
    %swap3A_557 = vector.load %arg5[%swap3A_553, %swap3A_554, %swap3A_555, %swap3A_556] : memref<1x128x4x2048xf32, #tpu.memory_space<vmem>>, vector<1x1x4x2048xf32>
    %swap3A_558 = vector.shape_cast %swap3A_557 : vector<1x1x4x2048xf32> to vector<4x2048xf32>
    %swap3A_559 = vector.shape_cast %add3A_552 : vector<4x2048xf32> to vector<1x1x4x2048xf32>
    tpu.vector_store %arg5[%swap3A_553, %swap3A_554, %swap3A_555, %swap3A_556], %swap3A_559 {strides = array<i32>} : memref<1x128x4x2048xf32, #tpu.memory_space<vmem>>, vector<1x1x4x2048xf32>,
    %add3A_560 = arith.constant 20 : i32
    %add3A_561 = arith.addi %mul3A_9, %add3A_560 : i32
    %get3A_562 = arith.index_cast %arg1 : i32 to index
    %get3A_563 = arith.index_cast %add3A_561 : i32 to index
    %get3A_564 = memref.load %arg3[%get3A_562, %get3A_563] : memref<4x1024xf32, #tpu.memory_space<smem>>
    %get3A_565 = arith.constant 0 : index
    %get3A_566 = arith.constant 20 : index
    %get3A_567 = arith.constant 0 : index
    %get3A_568 = arith.constant 0 : index
    %get3A_569 = vector.load %arg4[%get3A_565, %get3A_566, %get3A_567, %get3A_568] : memref<1x128x4x2048xf32, #tpu.memory_space<vmem>>, vector<1x1x4x2048xf32>
    %get3A_570 = vector.shape_cast %get3A_569 : vector<1x1x4x2048xf32> to vector<4x2048xf32>
    %get3A_571 = arith.index_cast %select_n3A_21 : i32 to index
    %get3A_572 = arith.constant 20 : index
    %get3A_573 = arith.constant 0 : index
    %get3A_574 = arith.constant 0 : index
    %get3A_575 = vector.load %arg6[%get3A_571, %get3A_572, %get3A_573, %get3A_574] : memref<2x128x4x2048xf32, #tpu.memory_space<vmem>>, vector<1x1x4x2048xf32>
    %get3A_576 = vector.shape_cast %get3A_575 : vector<1x1x4x2048xf32> to vector<4x2048xf32>
    %add3A_577 = arith.addf %get3A_570, %get3A_576 : vector<4x2048xf32>
    %add3A_578 = vector.broadcast %get3A_564 : f32 to vector<4x2048xf32>
    %add3A_579 = arith.addf %add3A_577, %add3A_578 : vector<4x2048xf32>
    %swap3A_580 = arith.constant 0 : index
    %swap3A_581 = arith.constant 20 : index
    %swap3A_582 = arith.constant 0 : index
    %swap3A_583 = arith.constant 0 : index
    %swap3A_584 = vector.load %arg5[%swap3A_580, %swap3A_581, %swap3A_582, %swap3A_583] : memref<1x128x4x2048xf32, #tpu.memory_space<vmem>>, vector<1x1x4x2048xf32>
    %swap3A_585 = vector.shape_cast %swap3A_584 : vector<1x1x4x2048xf32> to vector<4x2048xf32>
    %swap3A_586 = vector.shape_cast %add3A_579 : vector<4x2048xf32> to vector<1x1x4x2048xf32>
    tpu.vector_store %arg5[%swap3A_580, %swap3A_581, %swap3A_582, %swap3A_583], %swap3A_586 {strides = array<i32>} : memref<1x128x4x2048xf32, #tpu.memory_space<vmem>>, vector<1x1x4x2048xf32>,
    %add3A_587 = arith.constant 21 : i32
    %add3A_588 = arith.addi %mul3A_9, %add3A_587 : i32
    %get3A_589 = arith.index_cast %arg1 : i32 to index
    %get3A_590 = arith.index_cast %add3A_588 : i32 to index
    %get3A_591 = memref.load %arg3[%get3A_589, %get3A_590] : memref<4x1024xf32, #tpu.memory_space<smem>>
    %get3A_592 = arith.constant 0 : index
    %get3A_593 = arith.constant 21 : index
    %get3A_594 = arith.constant 0 : index
    %get3A_595 = arith.constant 0 : index
    %get3A_596 = vector.load %arg4[%get3A_592, %get3A_593, %get3A_594, %get3A_595] : memref<1x128x4x2048xf32, #tpu.memory_space<vmem>>, vector<1x1x4x2048xf32>
    %get3A_597 = vector.shape_cast %get3A_596 : vector<1x1x4x2048xf32> to vector<4x2048xf32>
    %get3A_598 = arith.index_cast %select_n3A_21 : i32 to index
    %get3A_599 = arith.constant 21 : index
    %get3A_600 = arith.constant 0 : index
    %get3A_601 = arith.constant 0 : index
    %get3A_602 = vector.load %arg6[%get3A_598, %get3A_599, %get3A_600, %get3A_601] : memref<2x128x4x2048xf32, #tpu.memory_space<vmem>>, vector<1x1x4x2048xf32>
    %get3A_603 = vector.shape_cast %get3A_602 : vector<1x1x4x2048xf32> to vector<4x2048xf32>
    %add3A_604 = arith.addf %get3A_597, %get3A_603 : vector<4x2048xf32>
    %add3A_605 = vector.broadcast %get3A_591 : f32 to vector<4x2048xf32>
    %add3A_606 = arith.addf %add3A_604, %add3A_605 : vector<4x2048xf32>
    %swap3A_607 = arith.constant 0 : index
    %swap3A_608 = arith.constant 21 : index
    %swap3A_609 = arith.constant 0 : index
    %swap3A_610 = arith.constant 0 : index
    %swap3A_611 = vector.load %arg5[%swap3A_607, %swap3A_608, %swap3A_609, %swap3A_610] : memref<1x128x4x2048xf32, #tpu.memory_space<vmem>>, vector<1x1x4x2048xf32>
    %swap3A_612 = vector.shape_cast %swap3A_611 : vector<1x1x4x2048xf32> to vector<4x2048xf32>
    %swap3A_613 = vector.shape_cast %add3A_606 : vector<4x2048xf32> to vector<1x1x4x2048xf32>
    tpu.vector_store %arg5[%swap3A_607, %swap3A_608, %swap3A_609, %swap3A_610], %swap3A_613 {strides = array<i32>} : memref<1x128x4x2048xf32, #tpu.memory_space<vmem>>, vector<1x1x4x2048xf32>,
    %add3A_614 = arith.constant 22 : i32
    %add3A_615 = arith.addi %mul3A_9, %add3A_614 : i32
    %get3A_616 = arith.index_cast %arg1 : i32 to index
    %get3A_617 = arith.index_cast %add3A_615 : i32 to index
    %get3A_618 = memref.load %arg3[%get3A_616, %get3A_617] : memref<4x1024xf32, #tpu.memory_space<smem>>
    %get3A_619 = arith.constant 0 : index
    %get3A_620 = arith.constant 22 : index
    %get3A_621 = arith.constant 0 : index
    %get3A_622 = arith.constant 0 : index
    %get3A_623 = vector.load %arg4[%get3A_619, %get3A_620, %get3A_621, %get3A_622] : memref<1x128x4x2048xf32, #tpu.memory_space<vmem>>, vector<1x1x4x2048xf32>
    %get3A_624 = vector.shape_cast %get3A_623 : vector<1x1x4x2048xf32> to vector<4x2048xf32>
    %get3A_625 = arith.index_cast %select_n3A_21 : i32 to index
    %get3A_626 = arith.constant 22 : index
    %get3A_627 = arith.constant 0 : index
    %get3A_628 = arith.constant 0 : index
    %get3A_629 = vector.load %arg6[%get3A_625, %get3A_626, %get3A_627, %get3A_628] : memref<2x128x4x2048xf32, #tpu.memory_space<vmem>>, vector<1x1x4x2048xf32>
    %get3A_630 = vector.shape_cast %get3A_629 : vector<1x1x4x2048xf32> to vector<4x2048xf32>
    %add3A_631 = arith.addf %get3A_624, %get3A_630 : vector<4x2048xf32>
    %add3A_632 = vector.broadcast %get3A_618 : f32 to vector<4x2048xf32>
    %add3A_633 = arith.addf %add3A_631, %add3A_632 : vector<4x2048xf32>
    %swap3A_634 = arith.constant 0 : index
    %swap3A_635 = arith.constant 22 : index
    %swap3A_636 = arith.constant 0 : index
    %swap3A_637 = arith.constant 0 : index
    %swap3A_638 = vector.load %arg5[%swap3A_634, %swap3A_635, %swap3A_636, %swap3A_637] : memref<1x128x4x2048xf32, #tpu.memory_space<vmem>>, vector<1x1x4x2048xf32>
    %swap3A_639 = vector.shape_cast %swap3A_638 : vector<1x1x4x2048xf32> to vector<4x2048xf32>
    %swap3A_640 = vector.shape_cast %add3A_633 : vector<4x2048xf32> to vector<1x1x4x2048xf32>
    tpu.vector_store %arg5[%swap3A_634, %swap3A_635, %swap3A_636, %swap3A_637], %swap3A_640 {strides = array<i32>} : memref<1x128x4x2048xf32, #tpu.memory_space<vmem>>, vector<1x1x4x2048xf32>,
    %add3A_641 = arith.constant 23 : i32
    %add3A_642 = arith.addi %mul3A_9, %add3A_641 : i32
    %get3A_643 = arith.index_cast %arg1 : i32 to index
    %get3A_644 = arith.index_cast %add3A_642 : i32 to index
    %get3A_645 = memref.load %arg3[%get3A_643, %get3A_644] : memref<4x1024xf32, #tpu.memory_space<smem>>
    %get3A_646 = arith.constant 0 : index
    %get3A_647 = arith.constant 23 : index
    %get3A_648 = arith.constant 0 : index
    %get3A_649 = arith.constant 0 : index
    %get3A_650 = vector.load %arg4[%get3A_646, %get3A_647, %get3A_648, %get3A_649] : memref<1x128x4x2048xf32, #tpu.memory_space<vmem>>, vector<1x1x4x2048xf32>
    %get3A_651 = vector.shape_cast %get3A_650 : vector<1x1x4x2048xf32> to vector<4x2048xf32>
    %get3A_652 = arith.index_cast %select_n3A_21 : i32 to index
    %get3A_653 = arith.constant 23 : index
    %get3A_654 = arith.constant 0 : index
    %get3A_655 = arith.constant 0 : index
    %get3A_656 = vector.load %arg6[%get3A_652, %get3A_653, %get3A_654, %get3A_655] : memref<2x128x4x2048xf32, #tpu.memory_space<vmem>>, vector<1x1x4x2048xf32>
    %get3A_657 = vector.shape_cast %get3A_656 : vector<1x1x4x2048xf32> to vector<4x2048xf32>
    %add3A_658 = arith.addf %get3A_651, %get3A_657 : vector<4x2048xf32>
    %add3A_659 = vector.broadcast %get3A_645 : f32 to vector<4x2048xf32>
    %add3A_660 = arith.addf %add3A_658, %add3A_659 : vector<4x2048xf32>
    %swap3A_661 = arith.constant 0 : index
    %swap3A_662 = arith.constant 23 : index
    %swap3A_663 = arith.constant 0 : index
    %swap3A_664 = arith.constant 0 : index
    %swap3A_665 = vector.load %arg5[%swap3A_661, %swap3A_662, %swap3A_663, %swap3A_664] : memref<1x128x4x2048xf32, #tpu.memory_space<vmem>>, vector<1x1x4x2048xf32>
    %swap3A_666 = vector.shape_cast %swap3A_665 : vector<1x1x4x2048xf32> to vector<4x2048xf32>
    %swap3A_667 = vector.shape_cast %add3A_660 : vector<4x2048xf32> to vector<1x1x4x2048xf32>
    tpu.vector_store %arg5[%swap3A_661, %swap3A_662, %swap3A_663, %swap3A_664], %swap3A_667 {strides = array<i32>} : memref<1x128x4x2048xf32, #tpu.memory_space<vmem>>, vector<1x1x4x2048xf32>,
    %add3A_668 = arith.constant 24 : i32
    %add3A_669 = arith.addi %mul3A_9, %add3A_668 : i32
    %get3A_670 = arith.index_cast %arg1 : i32 to index
    %get3A_671 = arith.index_cast %add3A_669 : i32 to index
    %get3A_672 = memref.load %arg3[%get3A_670, %get3A_671] : memref<4x1024xf32, #tpu.memory_space<smem>>
    %get3A_673 = arith.constant 0 : index
    %get3A_674 = arith.constant 24 : index
    %get3A_675 = arith.constant 0 : index
    %get3A_676 = arith.constant 0 : index
    %get3A_677 = vector.load %arg4[%get3A_673, %get3A_674, %get3A_675, %get3A_676] : memref<1x128x4x2048xf32, #tpu.memory_space<vmem>>, vector<1x1x4x2048xf32>
    %get3A_678 = vector.shape_cast %get3A_677 : vector<1x1x4x2048xf32> to vector<4x2048xf32>
    %get3A_679 = arith.index_cast %select_n3A_21 : i32 to index
    %get3A_680 = arith.constant 24 : index
    %get3A_681 = arith.constant 0 : index
    %get3A_682 = arith.constant 0 : index
    %get3A_683 = vector.load %arg6[%get3A_679, %get3A_680, %get3A_681, %get3A_682] : memref<2x128x4x2048xf32, #tpu.memory_space<vmem>>, vector<1x1x4x2048xf32>
    %get3A_684 = vector.shape_cast %get3A_683 : vector<1x1x4x2048xf32> to vector<4x2048xf32>
    %add3A_685 = arith.addf %get3A_678, %get3A_684 : vector<4x2048xf32>
    %add3A_686 = vector.broadcast %get3A_672 : f32 to vector<4x2048xf32>
    %add3A_687 = arith.addf %add3A_685, %add3A_686 : vector<4x2048xf32>
    %swap3A_688 = arith.constant 0 : index
    %swap3A_689 = arith.constant 24 : index
    %swap3A_690 = arith.constant 0 : index
    %swap3A_691 = arith.constant 0 : index
    %swap3A_692 = vector.load %arg5[%swap3A_688, %swap3A_689, %swap3A_690, %swap3A_691] : memref<1x128x4x2048xf32, #tpu.memory_space<vmem>>, vector<1x1x4x2048xf32>
    %swap3A_693 = vector.shape_cast %swap3A_692 : vector<1x1x4x2048xf32> to vector<4x2048xf32>
    %swap3A_694 = vector.shape_cast %add3A_687 : vector<4x2048xf32> to vector<1x1x4x2048xf32>
    tpu.vector_store %arg5[%swap3A_688, %swap3A_689, %swap3A_690, %swap3A_691], %swap3A_694 {strides = array<i32>} : memref<1x128x4x2048xf32, #tpu.memory_space<vmem>>, vector<1x1x4x2048xf32>,
    %add3A_695 = arith.constant 25 : i32
    %add3A_696 = arith.addi %mul3A_9, %add3A_695 : i32
    %get3A_697 = arith.index_cast %arg1 : i32 to index
    %get3A_698 = arith.index_cast %add3A_696 : i32 to index
    %get3A_699 = memref.load %arg3[%get3A_697, %get3A_698] : memref<4x1024xf32, #tpu.memory_space<smem>>
    %get3A_700 = arith.constant 0 : index
    %get3A_701 = arith.constant 25 : index
    %get3A_702 = arith.constant 0 : index
    %get3A_703 = arith.constant 0 : index
    %get3A_704 = vector.load %arg4[%get3A_700, %get3A_701, %get3A_702, %get3A_703] : memref<1x128x4x2048xf32, #tpu.memory_space<vmem>>, vector<1x1x4x2048xf32>
    %get3A_705 = vector.shape_cast %get3A_704 : vector<1x1x4x2048xf32> to vector<4x2048xf32>
    %get3A_706 = arith.index_cast %select_n3A_21 : i32 to index
    %get3A_707 = arith.constant 25 : index
    %get3A_708 = arith.constant 0 : index
    %get3A_709 = arith.constant 0 : index
    %get3A_710 = vector.load %arg6[%get3A_706, %get3A_707, %get3A_708, %get3A_709] : memref<2x128x4x2048xf32, #tpu.memory_space<vmem>>, vector<1x1x4x2048xf32>
    %get3A_711 = vector.shape_cast %get3A_710 : vector<1x1x4x2048xf32> to vector<4x2048xf32>
    %add3A_712 = arith.addf %get3A_705, %get3A_711 : vector<4x2048xf32>
    %add3A_713 = vector.broadcast %get3A_699 : f32 to vector<4x2048xf32>
    %add3A_714 = arith.addf %add3A_712, %add3A_713 : vector<4x2048xf32>
    %swap3A_715 = arith.constant 0 : index
    %swap3A_716 = arith.constant 25 : index
    %swap3A_717 = arith.constant 0 : index
    %swap3A_718 = arith.constant 0 : index
    %swap3A_719 = vector.load %arg5[%swap3A_715, %swap3A_716, %swap3A_717, %swap3A_718] : memref<1x128x4x2048xf32, #tpu.memory_space<vmem>>, vector<1x1x4x2048xf32>
    %swap3A_720 = vector.shape_cast %swap3A_719 : vector<1x1x4x2048xf32> to vector<4x2048xf32>
    %swap3A_721 = vector.shape_cast %add3A_714 : vector<4x2048xf32> to vector<1x1x4x2048xf32>
    tpu.vector_store %arg5[%swap3A_715, %swap3A_716, %swap3A_717, %swap3A_718], %swap3A_721 {strides = array<i32>} : memref<1x128x4x2048xf32, #tpu.memory_space<vmem>>, vector<1x1x4x2048xf32>,
    %add3A_722 = arith.constant 26 : i32
    %add3A_723 = arith.addi %mul3A_9, %add3A_722 : i32
    %get3A_724 = arith.index_cast %arg1 : i32 to index
    %get3A_725 = arith.index_cast %add3A_723 : i32 to index
    %get3A_726 = memref.load %arg3[%get3A_724, %get3A_725] : memref<4x1024xf32, #tpu.memory_space<smem>>
    %get3A_727 = arith.constant 0 : index
    %get3A_728 = arith.constant 26 : index
    %get3A_729 = arith.constant 0 : index
    %get3A_730 = arith.constant 0 : index
    %get3A_731 = vector.load %arg4[%get3A_727, %get3A_728, %get3A_729, %get3A_730] : memref<1x128x4x2048xf32, #tpu.memory_space<vmem>>, vector<1x1x4x2048xf32>
    %get3A_732 = vector.shape_cast %get3A_731 : vector<1x1x4x2048xf32> to vector<4x2048xf32>
    %get3A_733 = arith.index_cast %select_n3A_21 : i32 to index
    %get3A_734 = arith.constant 26 : index
    %get3A_735 = arith.constant 0 : index
    %get3A_736 = arith.constant 0 : index
    %get3A_737 = vector.load %arg6[%get3A_733, %get3A_734, %get3A_735, %get3A_736] : memref<2x128x4x2048xf32, #tpu.memory_space<vmem>>, vector<1x1x4x2048xf32>
    %get3A_738 = vector.shape_cast %get3A_737 : vector<1x1x4x2048xf32> to vector<4x2048xf32>
    %add3A_739 = arith.addf %get3A_732, %get3A_738 : vector<4x2048xf32>
    %add3A_740 = vector.broadcast %get3A_726 : f32 to vector<4x2048xf32>
    %add3A_741 = arith.addf %add3A_739, %add3A_740 : vector<4x2048xf32>
    %swap3A_742 = arith.constant 0 : index
    %swap3A_743 = arith.constant 26 : index
    %swap3A_744 = arith.constant 0 : index
    %swap3A_745 = arith.constant 0 : index
    %swap3A_746 = vector.load %arg5[%swap3A_742, %swap3A_743, %swap3A_744, %swap3A_745] : memref<1x128x4x2048xf32, #tpu.memory_space<vmem>>, vector<1x1x4x2048xf32>
    %swap3A_747 = vector.shape_cast %swap3A_746 : vector<1x1x4x2048xf32> to vector<4x2048xf32>
    %swap3A_748 = vector.shape_cast %add3A_741 : vector<4x2048xf32> to vector<1x1x4x2048xf32>
    tpu.vector_store %arg5[%swap3A_742, %swap3A_743, %swap3A_744, %swap3A_745], %swap3A_748 {strides = array<i32>} : memref<1x128x4x2048xf32, #tpu.memory_space<vmem>>, vector<1x1x4x2048xf32>,
    %add3A_749 = arith.constant 27 : i32
    %add3A_750 = arith.addi %mul3A_9, %add3A_749 : i32
    %get3A_751 = arith.index_cast %arg1 : i32 to index
    %get3A_752 = arith.index_cast %add3A_750 : i32 to index
    %get3A_753 = memref.load %arg3[%get3A_751, %get3A_752] : memref<4x1024xf32, #tpu.memory_space<smem>>
    %get3A_754 = arith.constant 0 : index
    %get3A_755 = arith.constant 27 : index
    %get3A_756 = arith.constant 0 : index
    %get3A_757 = arith.constant 0 : index
    %get3A_758 = vector.load %arg4[%get3A_754, %get3A_755, %get3A_756, %get3A_757] : memref<1x128x4x2048xf32, #tpu.memory_space<vmem>>, vector<1x1x4x2048xf32>
    %get3A_759 = vector.shape_cast %get3A_758 : vector<1x1x4x2048xf32> to vector<4x2048xf32>
    %get3A_760 = arith.index_cast %select_n3A_21 : i32 to index
    %get3A_761 = arith.constant 27 : index
    %get3A_762 = arith.constant 0 : index
    %get3A_763 = arith.constant 0 : index
    %get3A_764 = vector.load %arg6[%get3A_760, %get3A_761, %get3A_762, %get3A_763] : memref<2x128x4x2048xf32, #tpu.memory_space<vmem>>, vector<1x1x4x2048xf32>
    %get3A_765 = vector.shape_cast %get3A_764 : vector<1x1x4x2048xf32> to vector<4x2048xf32>
    %add3A_766 = arith.addf %get3A_759, %get3A_765 : vector<4x2048xf32>
    %add3A_767 = vector.broadcast %get3A_753 : f32 to vector<4x2048xf32>
    %add3A_768 = arith.addf %add3A_766, %add3A_767 : vector<4x2048xf32>
    %swap3A_769 = arith.constant 0 : index
    %swap3A_770 = arith.constant 27 : index
    %swap3A_771 = arith.constant 0 : index
    %swap3A_772 = arith.constant 0 : index
    %swap3A_773 = vector.load %arg5[%swap3A_769, %swap3A_770, %swap3A_771, %swap3A_772] : memref<1x128x4x2048xf32, #tpu.memory_space<vmem>>, vector<1x1x4x2048xf32>
    %swap3A_774 = vector.shape_cast %swap3A_773 : vector<1x1x4x2048xf32> to vector<4x2048xf32>
    %swap3A_775 = vector.shape_cast %add3A_768 : vector<4x2048xf32> to vector<1x1x4x2048xf32>
    tpu.vector_store %arg5[%swap3A_769, %swap3A_770, %swap3A_771, %swap3A_772], %swap3A_775 {strides = array<i32>} : memref<1x128x4x2048xf32, #tpu.memory_space<vmem>>, vector<1x1x4x2048xf32>,
    %add3A_776 = arith.constant 28 : i32
    %add3A_777 = arith.addi %mul3A_9, %add3A_776 : i32
    %get3A_778 = arith.index_cast %arg1 : i32 to index
    %get3A_779 = arith.index_cast %add3A_777 : i32 to index
    %get3A_780 = memref.load %arg3[%get3A_778, %get3A_779] : memref<4x1024xf32, #tpu.memory_space<smem>>
    %get3A_781 = arith.constant 0 : index
    %get3A_782 = arith.constant 28 : index
    %get3A_783 = arith.constant 0 : index
    %get3A_784 = arith.constant 0 : index
    %get3A_785 = vector.load %arg4[%get3A_781, %get3A_782, %get3A_783, %get3A_784] : memref<1x128x4x2048xf32, #tpu.memory_space<vmem>>, vector<1x1x4x2048xf32>
    %get3A_786 = vector.shape_cast %get3A_785 : vector<1x1x4x2048xf32> to vector<4x2048xf32>
    %get3A_787 = arith.index_cast %select_n3A_21 : i32 to index
    %get3A_788 = arith.constant 28 : index
    %get3A_789 = arith.constant 0 : index
    %get3A_790 = arith.constant 0 : index
    %get3A_791 = vector.load %arg6[%get3A_787, %get3A_788, %get3A_789, %get3A_790] : memref<2x128x4x2048xf32, #tpu.memory_space<vmem>>, vector<1x1x4x2048xf32>
    %get3A_792 = vector.shape_cast %get3A_791 : vector<1x1x4x2048xf32> to vector<4x2048xf32>
    %add3A_793 = arith.addf %get3A_786, %get3A_792 : vector<4x2048xf32>
    %add3A_794 = vector.broadcast %get3A_780 : f32 to vector<4x2048xf32>
    %add3A_795 = arith.addf %add3A_793, %add3A_794 : vector<4x2048xf32>
    %swap3A_796 = arith.constant 0 : index
    %swap3A_797 = arith.constant 28 : index
    %swap3A_798 = arith.constant 0 : index
    %swap3A_799 = arith.constant 0 : index
    %swap3A_800 = vector.load %arg5[%swap3A_796, %swap3A_797, %swap3A_798, %swap3A_799] : memref<1x128x4x2048xf32, #tpu.memory_space<vmem>>, vector<1x1x4x2048xf32>
    %swap3A_801 = vector.shape_cast %swap3A_800 : vector<1x1x4x2048xf32> to vector<4x2048xf32>
    %swap3A_802 = vector.shape_cast %add3A_795 : vector<4x2048xf32> to vector<1x1x4x2048xf32>
    tpu.vector_store %arg5[%swap3A_796, %swap3A_797, %swap3A_798, %swap3A_799], %swap3A_802 {strides = array<i32>} : memref<1x128x4x2048xf32, #tpu.memory_space<vmem>>, vector<1x1x4x2048xf32>,
    %add3A_803 = arith.constant 29 : i32
    %add3A_804 = arith.addi %mul3A_9, %add3A_803 : i32
    %get3A_805 = arith.index_cast %arg1 : i32 to index
    %get3A_806 = arith.index_cast %add3A_804 : i32 to index
    %get3A_807 = memref.load %arg3[%get3A_805, %get3A_806] : memref<4x1024xf32, #tpu.memory_space<smem>>
    %get3A_808 = arith.constant 0 : index
    %get3A_809 = arith.constant 29 : index
    %get3A_810 = arith.constant 0 : index
    %get3A_811 = arith.constant 0 : index
    %get3A_812 = vector.load %arg4[%get3A_808, %get3A_809, %get3A_810, %get3A_811] : memref<1x128x4x2048xf32, #tpu.memory_space<vmem>>, vector<1x1x4x2048xf32>
    %get3A_813 = vector.shape_cast %get3A_812 : vector<1x1x4x2048xf32> to vector<4x2048xf32>
    %get3A_814 = arith.index_cast %select_n3A_21 : i32 to index
    %get3A_815 = arith.constant 29 : index
    %get3A_816 = arith.constant 0 : index
    %get3A_817 = arith.constant 0 : index
    %get3A_818 = vector.load %arg6[%get3A_814, %get3A_815, %get3A_816, %get3A_817] : memref<2x128x4x2048xf32, #tpu.memory_space<vmem>>, vector<1x1x4x2048xf32>
    %get3A_819 = vector.shape_cast %get3A_818 : vector<1x1x4x2048xf32> to vector<4x2048xf32>
    %add3A_820 = arith.addf %get3A_813, %get3A_819 : vector<4x2048xf32>
    %add3A_821 = vector.broadcast %get3A_807 : f32 to vector<4x2048xf32>
    %add3A_822 = arith.addf %add3A_820, %add3A_821 : vector<4x2048xf32>
    %swap3A_823 = arith.constant 0 : index
    %swap3A_824 = arith.constant 29 : index
    %swap3A_825 = arith.constant 0 : index
    %swap3A_826 = arith.constant 0 : index
    %swap3A_827 = vector.load %arg5[%swap3A_823, %swap3A_824, %swap3A_825, %swap3A_826] : memref<1x128x4x2048xf32, #tpu.memory_space<vmem>>, vector<1x1x4x2048xf32>
    %swap3A_828 = vector.shape_cast %swap3A_827 : vector<1x1x4x2048xf32> to vector<4x2048xf32>
    %swap3A_829 = vector.shape_cast %add3A_822 : vector<4x2048xf32> to vector<1x1x4x2048xf32>
    tpu.vector_store %arg5[%swap3A_823, %swap3A_824, %swap3A_825, %swap3A_826], %swap3A_829 {strides = array<i32>} : memref<1x128x4x2048xf32, #tpu.memory_space<vmem>>, vector<1x1x4x2048xf32>,
    %add3A_830 = arith.constant 30 : i32
    %add3A_831 = arith.addi %mul3A_9, %add3A_830 : i32
    %get3A_832 = arith.index_cast %arg1 : i32 to index
    %get3A_833 = arith.index_cast %add3A_831 : i32 to index
    %get3A_834 = memref.load %arg3[%get3A_832, %get3A_833] : memref<4x1024xf32, #tpu.memory_space<smem>>
    %get3A_835 = arith.constant 0 : index
    %get3A_836 = arith.constant 30 : index
    %get3A_837 = arith.constant 0 : index
    %get3A_838 = arith.constant 0 : index
    %get3A_839 = vector.load %arg4[%get3A_835, %get3A_836, %get3A_837, %get3A_838] : memref<1x128x4x2048xf32, #tpu.memory_space<vmem>>, vector<1x1x4x2048xf32>
    %get3A_840 = vector.shape_cast %get3A_839 : vector<1x1x4x2048xf32> to vector<4x2048xf32>
    %get3A_841 = arith.index_cast %select_n3A_21 : i32 to index
    %get3A_842 = arith.constant 30 : index
    %get3A_843 = arith.constant 0 : index
    %get3A_844 = arith.constant 0 : index
    %get3A_845 = vector.load %arg6[%get3A_841, %get3A_842, %get3A_843, %get3A_844] : memref<2x128x4x2048xf32, #tpu.memory_space<vmem>>, vector<1x1x4x2048xf32>
    %get3A_846 = vector.shape_cast %get3A_845 : vector<1x1x4x2048xf32> to vector<4x2048xf32>
    %add3A_847 = arith.addf %get3A_840, %get3A_846 : vector<4x2048xf32>
    %add3A_848 = vector.broadcast %get3A_834 : f32 to vector<4x2048xf32>
    %add3A_849 = arith.addf %add3A_847, %add3A_848 : vector<4x2048xf32>
    %swap3A_850 = arith.constant 0 : index
    %swap3A_851 = arith.constant 30 : index
    %swap3A_852 = arith.constant 0 : index
    %swap3A_853 = arith.constant 0 : index
    %swap3A_854 = vector.load %arg5[%swap3A_850, %swap3A_851, %swap3A_852, %swap3A_853] : memref<1x128x4x2048xf32, #tpu.memory_space<vmem>>, vector<1x1x4x2048xf32>
    %swap3A_855 = vector.shape_cast %swap3A_854 : vector<1x1x4x2048xf32> to vector<4x2048xf32>
    %swap3A_856 = vector.shape_cast %add3A_849 : vector<4x2048xf32> to vector<1x1x4x2048xf32>
    tpu.vector_store %arg5[%swap3A_850, %swap3A_851, %swap3A_852, %swap3A_853], %swap3A_856 {strides = array<i32>} : memref<1x128x4x2048xf32, #tpu.memory_space<vmem>>, vector<1x1x4x2048xf32>,
    %add3A_857 = arith.constant 31 : i32
    %add3A_858 = arith.addi %mul3A_9, %add3A_857 : i32
    %get3A_859 = arith.index_cast %arg1 : i32 to index
    %get3A_860 = arith.index_cast %add3A_858 : i32 to index
    %get3A_861 = memref.load %arg3[%get3A_859, %get3A_860] : memref<4x1024xf32, #tpu.memory_space<smem>>
    %get3A_862 = arith.constant 0 : index
    %get3A_863 = arith.constant 31 : index
    %get3A_864 = arith.constant 0 : index
    %get3A_865 = arith.constant 0 : index
    %get3A_866 = vector.load %arg4[%get3A_862, %get3A_863, %get3A_864, %get3A_865] : memref<1x128x4x2048xf32, #tpu.memory_space<vmem>>, vector<1x1x4x2048xf32>
    %get3A_867 = vector.shape_cast %get3A_866 : vector<1x1x4x2048xf32> to vector<4x2048xf32>
    %get3A_868 = arith.index_cast %select_n3A_21 : i32 to index
    %get3A_869 = arith.constant 31 : index
    %get3A_870 = arith.constant 0 : index
    %get3A_871 = arith.constant 0 : index
    %get3A_872 = vector.load %arg6[%get3A_868, %get3A_869, %get3A_870, %get3A_871] : memref<2x128x4x2048xf32, #tpu.memory_space<vmem>>, vector<1x1x4x2048xf32>
    %get3A_873 = vector.shape_cast %get3A_872 : vector<1x1x4x2048xf32> to vector<4x2048xf32>
    %add3A_874 = arith.addf %get3A_867, %get3A_873 : vector<4x2048xf32>
    %add3A_875 = vector.broadcast %get3A_861 : f32 to vector<4x2048xf32>
    %add3A_876 = arith.addf %add3A_874, %add3A_875 : vector<4x2048xf32>
    %swap3A_877 = arith.constant 0 : index
    %swap3A_878 = arith.constant 31 : index
    %swap3A_879 = arith.constant 0 : index
    %swap3A_880 = arith.constant 0 : index
    %swap3A_881 = vector.load %arg5[%swap3A_877, %swap3A_878, %swap3A_879, %swap3A_880] : memref<1x128x4x2048xf32, #tpu.memory_space<vmem>>, vector<1x1x4x2048xf32>
    %swap3A_882 = vector.shape_cast %swap3A_881 : vector<1x1x4x2048xf32> to vector<4x2048xf32>
    %swap3A_883 = vector.shape_cast %add3A_876 : vector<4x2048xf32> to vector<1x1x4x2048xf32>
    tpu.vector_store %arg5[%swap3A_877, %swap3A_878, %swap3A_879, %swap3A_880], %swap3A_883 {strides = array<i32>} : memref<1x128x4x2048xf32, #tpu.memory_space<vmem>>, vector<1x1x4x2048xf32>,
    %add3A_884 = arith.constant 32 : i32
    %add3A_885 = arith.addi %mul3A_9, %add3A_884 : i32
    %get3A_886 = arith.index_cast %arg1 : i32 to index
    %get3A_887 = arith.index_cast %add3A_885 : i32 to index
    %get3A_888 = memref.load %arg3[%get3A_886, %get3A_887] : memref<4x1024xf32, #tpu.memory_space<smem>>
    %get3A_889 = arith.constant 0 : index
    %get3A_890 = arith.constant 32 : index
    %get3A_891 = arith.constant 0 : index
    %get3A_892 = arith.constant 0 : index
    %get3A_893 = vector.load %arg4[%get3A_889, %get3A_890, %get3A_891, %get3A_892] : memref<1x128x4x2048xf32, #tpu.memory_space<vmem>>, vector<1x1x4x2048xf32>
    %get3A_894 = vector.shape_cast %get3A_893 : vector<1x1x4x2048xf32> to vector<4x2048xf32>
    %get3A_895 = arith.index_cast %select_n3A_21 : i32 to index
    %get3A_896 = arith.constant 32 : index
    %get3A_897 = arith.constant 0 : index
    %get3A_898 = arith.constant 0 : index
    %get3A_899 = vector.load %arg6[%get3A_895, %get3A_896, %get3A_897, %get3A_898] : memref<2x128x4x2048xf32, #tpu.memory_space<vmem>>, vector<1x1x4x2048xf32>
    %get3A_900 = vector.shape_cast %get3A_899 : vector<1x1x4x2048xf32> to vector<4x2048xf32>
    %add3A_901 = arith.addf %get3A_894, %get3A_900 : vector<4x2048xf32>
    %add3A_902 = vector.broadcast %get3A_888 : f32 to vector<4x2048xf32>
    %add3A_903 = arith.addf %add3A_901, %add3A_902 : vector<4x2048xf32>
    %swap3A_904 = arith.constant 0 : index
    %swap3A_905 = arith.constant 32 : index
    %swap3A_906 = arith.constant 0 : index
    %swap3A_907 = arith.constant 0 : index
    %swap3A_908 = vector.load %arg5[%swap3A_904, %swap3A_905, %swap3A_906, %swap3A_907] : memref<1x128x4x2048xf32, #tpu.memory_space<vmem>>, vector<1x1x4x2048xf32>
    %swap3A_909 = vector.shape_cast %swap3A_908 : vector<1x1x4x2048xf32> to vector<4x2048xf32>
    %swap3A_910 = vector.shape_cast %add3A_903 : vector<4x2048xf32> to vector<1x1x4x2048xf32>
    tpu.vector_store %arg5[%swap3A_904, %swap3A_905, %swap3A_906, %swap3A_907], %swap3A_910 {strides = array<i32>} : memref<1x128x4x2048xf32, #tpu.memory_space<vmem>>, vector<1x1x4x2048xf32>,
    %add3A_911 = arith.constant 33 : i32
    %add3A_912 = arith.addi %mul3A_9, %add3A_911 : i32
    %get3A_913 = arith.index_cast %arg1 : i32 to index
    %get3A_914 = arith.index_cast %add3A_912 : i32 to index
    %get3A_915 = memref.load %arg3[%get3A_913, %get3A_914] : memref<4x1024xf32, #tpu.memory_space<smem>>
    %get3A_916 = arith.constant 0 : index
    %get3A_917 = arith.constant 33 : index
    %get3A_918 = arith.constant 0 : index
    %get3A_919 = arith.constant 0 : index
    %get3A_920 = vector.load %arg4[%get3A_916, %get3A_917, %get3A_918, %get3A_919] : memref<1x128x4x2048xf32, #tpu.memory_space<vmem>>, vector<1x1x4x2048xf32>
    %get3A_921 = vector.shape_cast %get3A_920 : vector<1x1x4x2048xf32> to vector<4x2048xf32>
    %get3A_922 = arith.index_cast %select_n3A_21 : i32 to index
    %get3A_923 = arith.constant 33 : index
    %get3A_924 = arith.constant 0 : index
    %get3A_925 = arith.constant 0 : index
    %get3A_926 = vector.load %arg6[%get3A_922, %get3A_923, %get3A_924, %get3A_925] : memref<2x128x4x2048xf32, #tpu.memory_space<vmem>>, vector<1x1x4x2048xf32>
    %get3A_927 = vector.shape_cast %get3A_926 : vector<1x1x4x2048xf32> to vector<4x2048xf32>
    %add3A_928 = arith.addf %get3A_921, %get3A_927 : vector<4x2048xf32>
    %add3A_929 = vector.broadcast %get3A_915 : f32 to vector<4x2048xf32>
    %add3A_930 = arith.addf %add3A_928, %add3A_929 : vector<4x2048xf32>
    %swap3A_931 = arith.constant 0 : index
    %swap3A_932 = arith.constant 33 : index
    %swap3A_933 = arith.constant 0 : index
    %swap3A_934 = arith.constant 0 : index
    %swap3A_935 = vector.load %arg5[%swap3A_931, %swap3A_932, %swap3A_933, %swap3A_934] : memref<1x128x4x2048xf32, #tpu.memory_space<vmem>>, vector<1x1x4x2048xf32>
    %swap3A_936 = vector.shape_cast %swap3A_935 : vector<1x1x4x2048xf32> to vector<4x2048xf32>
    %swap3A_937 = vector.shape_cast %add3A_930 : vector<4x2048xf32> to vector<1x1x4x2048xf32>
    tpu.vector_store %arg5[%swap3A_931, %swap3A_932, %swap3A_933, %swap3A_934], %swap3A_937 {strides = array<i32>} : memref<1x128x4x2048xf32, #tpu.memory_space<vmem>>, vector<1x1x4x2048xf32>,
    %add3A_938 = arith.constant 34 : i32
    %add3A_939 = arith.addi %mul3A_9, %add3A_938 : i32
    %get3A_940 = arith.index_cast %arg1 : i32 to index
    %get3A_941 = arith.index_cast %add3A_939 : i32 to index
    %get3A_942 = memref.load %arg3[%get3A_940, %get3A_941] : memref<4x1024xf32, #tpu.memory_space<smem>>
    %get3A_943 = arith.constant 0 : index
    %get3A_944 = arith.constant 34 : index
    %get3A_945 = arith.constant 0 : index
    %get3A_946 = arith.constant 0 : index
    %get3A_947 = vector.load %arg4[%get3A_943, %get3A_944, %get3A_945, %get3A_946] : memref<1x128x4x2048xf32, #tpu.memory_space<vmem>>, vector<1x1x4x2048xf32>
    %get3A_948 = vector.shape_cast %get3A_947 : vector<1x1x4x2048xf32> to vector<4x2048xf32>
    %get3A_949 = arith.index_cast %select_n3A_21 : i32 to index
    %get3A_950 = arith.constant 34 : index
    %get3A_951 = arith.constant 0 : index
    %get3A_952 = arith.constant 0 : index
    %get3A_953 = vector.load %arg6[%get3A_949, %get3A_950, %get3A_951, %get3A_952] : memref<2x128x4x2048xf32, #tpu.memory_space<vmem>>, vector<1x1x4x2048xf32>
    %get3A_954 = vector.shape_cast %get3A_953 : vector<1x1x4x2048xf32> to vector<4x2048xf32>
    %add3A_955 = arith.addf %get3A_948, %get3A_954 : vector<4x2048xf32>
    %add3A_956 = vector.broadcast %get3A_942 : f32 to vector<4x2048xf32>
    %add3A_957 = arith.addf %add3A_955, %add3A_956 : vector<4x2048xf32>
    %swap3A_958 = arith.constant 0 : index
    %swap3A_959 = arith.constant 34 : index
    %swap3A_960 = arith.constant 0 : index
    %swap3A_961 = arith.constant 0 : index
    %swap3A_962 = vector.load %arg5[%swap3A_958, %swap3A_959, %swap3A_960, %swap3A_961] : memref<1x128x4x2048xf32, #tpu.memory_space<vmem>>, vector<1x1x4x2048xf32>
    %swap3A_963 = vector.shape_cast %swap3A_962 : vector<1x1x4x2048xf32> to vector<4x2048xf32>
    %swap3A_964 = vector.shape_cast %add3A_957 : vector<4x2048xf32> to vector<1x1x4x2048xf32>
    tpu.vector_store %arg5[%swap3A_958, %swap3A_959, %swap3A_960, %swap3A_961], %swap3A_964 {strides = array<i32>} : memref<1x128x4x2048xf32, #tpu.memory_space<vmem>>, vector<1x1x4x2048xf32>,
    %add3A_965 = arith.constant 35 : i32
    %add3A_966 = arith.addi %mul3A_9, %add3A_965 : i32
    %get3A_967 = arith.index_cast %arg1 : i32 to index
    %get3A_968 = arith.index_cast %add3A_966 : i32 to index
    %get3A_969 = memref.load %arg3[%get3A_967, %get3A_968] : memref<4x1024xf32, #tpu.memory_space<smem>>
    %get3A_970 = arith.constant 0 : index
    %get3A_971 = arith.constant 35 : index
    %get3A_972 = arith.constant 0 : index
    %get3A_973 = arith.constant 0 : index
    %get3A_974 = vector.load %arg4[%get3A_970, %get3A_971, %get3A_972, %get3A_973] : memref<1x128x4x2048xf32, #tpu.memory_space<vmem>>, vector<1x1x4x2048xf32>
    %get3A_975 = vector.shape_cast %get3A_974 : vector<1x1x4x2048xf32> to vector<4x2048xf32>
    %get3A_976 = arith.index_cast %select_n3A_21 : i32 to index
    %get3A_977 = arith.constant 35 : index
    %get3A_978 = arith.constant 0 : index
    %get3A_979 = arith.constant 0 : index
    %get3A_980 = vector.load %arg6[%get3A_976, %get3A_977, %get3A_978, %get3A_979] : memref<2x128x4x2048xf32, #tpu.memory_space<vmem>>, vector<1x1x4x2048xf32>
    %get3A_981 = vector.shape_cast %get3A_980 : vector<1x1x4x2048xf32> to vector<4x2048xf32>
    %add3A_982 = arith.addf %get3A_975, %get3A_981 : vector<4x2048xf32>
    %add3A_983 = vector.broadcast %get3A_969 : f32 to vector<4x2048xf32>
    %add3A_984 = arith.addf %add3A_982, %add3A_983 : vector<4x2048xf32>
    %swap3A_985 = arith.constant 0 : index
    %swap3A_986 = arith.constant 35 : index
    %swap3A_987 = arith.constant 0 : index
    %swap3A_988 = arith.constant 0 : index
    %swap3A_989 = vector.load %arg5[%swap3A_985, %swap3A_986, %swap3A_987, %swap3A_988] : memref<1x128x4x2048xf32, #tpu.memory_space<vmem>>, vector<1x1x4x2048xf32>
    %swap3A_990 = vector.shape_cast %swap3A_989 : vector<1x1x4x2048xf32> to vector<4x2048xf32>
    %swap3A_991 = vector.shape_cast %add3A_984 : vector<4x2048xf32> to vector<1x1x4x2048xf32>
    tpu.vector_store %arg5[%swap3A_985, %swap3A_986, %swap3A_987, %swap3A_988], %swap3A_991 {strides = array<i32>} : memref<1x128x4x2048xf32, #tpu.memory_space<vmem>>, vector<1x1x4x2048xf32>,
    %add3A_992 = arith.constant 36 : i32
    %add3A_993 = arith.addi %mul3A_9, %add3A_992 : i32
    %get3A_994 = arith.index_cast %arg1 : i32 to index
    %get3A_995 = arith.index_cast %add3A_993 : i32 to index
    %get3A_996 = memref.load %arg3[%get3A_994, %get3A_995] : memref<4x1024xf32, #tpu.memory_space<smem>>
    %get3A_997 = arith.constant 0 : index
    %get3A_998 = arith.constant 36 : index
    %get3A_999 = arith.constant 0 : index
    %get3A_1000 = arith.constant 0 : index
    %get3A_1001 = vector.load %arg4[%get3A_997, %get3A_998, %get3A_999, %get3A_1000] : memref<1x128x4x2048xf32, #tpu.memory_space<vmem>>, vector<1x1x4x2048xf32>
    %get3A_1002 = vector.shape_cast %get3A_1001 : vector<1x1x4x2048xf32> to vector<4x2048xf32>
    %get3A_1003 = arith.index_cast %select_n3A_21 : i32 to index
    %get3A_1004 = arith.constant 36 : index
    %get3A_1005 = arith.constant 0 : index
    %get3A_1006 = arith.constant 0 : index
    %get3A_1007 = vector.load %arg6[%get3A_1003, %get3A_1004, %get3A_1005, %get3A_1006] : memref<2x128x4x2048xf32, #tpu.memory_space<vmem>>, vector<1x1x4x2048xf32>
    %get3A_1008 = vector.shape_cast %get3A_1007 : vector<1x1x4x2048xf32> to vector<4x2048xf32>
    %add3A_1009 = arith.addf %get3A_1002, %get3A_1008 : vector<4x2048xf32>
    %add3A_1010 = vector.broadcast %get3A_996 : f32 to vector<4x2048xf32>
    %add3A_1011 = arith.addf %add3A_1009, %add3A_1010 : vector<4x2048xf32>
    %swap3A_1012 = arith.constant 0 : index
    %swap3A_1013 = arith.constant 36 : index
    %swap3A_1014 = arith.constant 0 : index
    %swap3A_1015 = arith.constant 0 : index
    %swap3A_1016 = vector.load %arg5[%swap3A_1012, %swap3A_1013, %swap3A_1014, %swap3A_1015] : memref<1x128x4x2048xf32, #tpu.memory_space<vmem>>, vector<1x1x4x2048xf32>
    %swap3A_1017 = vector.shape_cast %swap3A_1016 : vector<1x1x4x2048xf32> to vector<4x2048xf32>
    %swap3A_1018 = vector.shape_cast %add3A_1011 : vector<4x2048xf32> to vector<1x1x4x2048xf32>
    tpu.vector_store %arg5[%swap3A_1012, %swap3A_1013, %swap3A_1014, %swap3A_1015], %swap3A_1018 {strides = array<i32>} : memref<1x128x4x2048xf32, #tpu.memory_space<vmem>>, vector<1x1x4x2048xf32>,
    %add3A_1019 = arith.constant 37 : i32
    %add3A_1020 = arith.addi %mul3A_9, %add3A_1019 : i32
    %get3A_1021 = arith.index_cast %arg1 : i32 to index
    %get3A_1022 = arith.index_cast %add3A_1020 : i32 to index
    %get3A_1023 = memref.load %arg3[%get3A_1021, %get3A_1022] : memref<4x1024xf32, #tpu.memory_space<smem>>
    %get3A_1024 = arith.constant 0 : index
    %get3A_1025 = arith.constant 37 : index
    %get3A_1026 = arith.constant 0 : index
    %get3A_1027 = arith.constant 0 : index
    %get3A_1028 = vector.load %arg4[%get3A_1024, %get3A_1025, %get3A_1026, %get3A_1027] : memref<1x128x4x2048xf32, #tpu.memory_space<vmem>>, vector<1x1x4x2048xf32>
    %get3A_1029 = vector.shape_cast %get3A_1028 : vector<1x1x4x2048xf32> to vector<4x2048xf32>
    %get3A_1030 = arith.index_cast %select_n3A_21 : i32 to index
    %get3A_1031 = arith.constant 37 : index
    %get3A_1032 = arith.constant 0 : index
    %get3A_1033 = arith.constant 0 : index
    %get3A_1034 = vector.load %arg6[%get3A_1030, %get3A_1031, %get3A_1032, %get3A_1033] : memref<2x128x4x2048xf32, #tpu.memory_space<vmem>>, vector<1x1x4x2048xf32>
    %get3A_1035 = vector.shape_cast %get3A_1034 : vector<1x1x4x2048xf32> to vector<4x2048xf32>
    %add3A_1036 = arith.addf %get3A_1029, %get3A_1035 : vector<4x2048xf32>
    %add3A_1037 = vector.broadcast %get3A_1023 : f32 to vector<4x2048xf32>
    %add3A_1038 = arith.addf %add3A_1036, %add3A_1037 : vector<4x2048xf32>
    %swap3A_1039 = arith.constant 0 : index
    %swap3A_1040 = arith.constant 37 : index
    %swap3A_1041 = arith.constant 0 : index
    %swap3A_1042 = arith.constant 0 : index
    %swap3A_1043 = vector.load %arg5[%swap3A_1039, %swap3A_1040, %swap3A_1041, %swap3A_1042] : memref<1x128x4x2048xf32, #tpu.memory_space<vmem>>, vector<1x1x4x2048xf32>
    %swap3A_1044 = vector.shape_cast %swap3A_1043 : vector<1x1x4x2048xf32> to vector<4x2048xf32>
    %swap3A_1045 = vector.shape_cast %add3A_1038 : vector<4x2048xf32> to vector<1x1x4x2048xf32>
    tpu.vector_store %arg5[%swap3A_1039, %swap3A_1040, %swap3A_1041, %swap3A_1042], %swap3A_1045 {strides = array<i32>} : memref<1x128x4x2048xf32, #tpu.memory_space<vmem>>, vector<1x1x4x2048xf32>,
    %add3A_1046 = arith.constant 38 : i32
    %add3A_1047 = arith.addi %mul3A_9, %add3A_1046 : i32
    %get3A_1048 = arith.index_cast %arg1 : i32 to index
    %get3A_1049 = arith.index_cast %add3A_1047 : i32 to index
    %get3A_1050 = memref.load %arg3[%get3A_1048, %get3A_1049] : memref<4x1024xf32, #tpu.memory_space<smem>>
    %get3A_1051 = arith.constant 0 : index
    %get3A_1052 = arith.constant 38 : index
    %get3A_1053 = arith.constant 0 : index
    %get3A_1054 = arith.constant 0 : index
    %get3A_1055 = vector.load %arg4[%get3A_1051, %get3A_1052, %get3A_1053, %get3A_1054] : memref<1x128x4x2048xf32, #tpu.memory_space<vmem>>, vector<1x1x4x2048xf32>
    %get3A_1056 = vector.shape_cast %get3A_1055 : vector<1x1x4x2048xf32> to vector<4x2048xf32>
    %get3A_1057 = arith.index_cast %select_n3A_21 : i32 to index
    %get3A_1058 = arith.constant 38 : index
    %get3A_1059 = arith.constant 0 : index
    %get3A_1060 = arith.constant 0 : index
    %get3A_1061 = vector.load %arg6[%get3A_1057, %get3A_1058, %get3A_1059, %get3A_1060] : memref<2x128x4x2048xf32, #tpu.memory_space<vmem>>, vector<1x1x4x2048xf32>
    %get3A_1062 = vector.shape_cast %get3A_1061 : vector<1x1x4x2048xf32> to vector<4x2048xf32>
    %add3A_1063 = arith.addf %get3A_1056, %get3A_1062 : vector<4x2048xf32>
    %add3A_1064 = vector.broadcast %get3A_1050 : f32 to vector<4x2048xf32>
    %add3A_1065 = arith.addf %add3A_1063, %add3A_1064 : vector<4x2048xf32>
    %swap3A_1066 = arith.constant 0 : index
    %swap3A_1067 = arith.constant 38 : index
    %swap3A_1068 = arith.constant 0 : index
    %swap3A_1069 = arith.constant 0 : index
    %swap3A_1070 = vector.load %arg5[%swap3A_1066, %swap3A_1067, %swap3A_1068, %swap3A_1069] : memref<1x128x4x2048xf32, #tpu.memory_space<vmem>>, vector<1x1x4x2048xf32>
    %swap3A_1071 = vector.shape_cast %swap3A_1070 : vector<1x1x4x2048xf32> to vector<4x2048xf32>
    %swap3A_1072 = vector.shape_cast %add3A_1065 : vector<4x2048xf32> to vector<1x1x4x2048xf32>
    tpu.vector_store %arg5[%swap3A_1066, %swap3A_1067, %swap3A_1068, %swap3A_1069], %swap3A_1072 {strides = array<i32>} : memref<1x128x4x2048xf32, #tpu.memory_space<vmem>>, vector<1x1x4x2048xf32>,
    %add3A_1073 = arith.constant 39 : i32
    %add3A_1074 = arith.addi %mul3A_9, %add3A_1073 : i32
    %get3A_1075 = arith.index_cast %arg1 : i32 to index
    %get3A_1076 = arith.index_cast %add3A_1074 : i32 to index
    %get3A_1077 = memref.load %arg3[%get3A_1075, %get3A_1076] : memref<4x1024xf32, #tpu.memory_space<smem>>
    %get3A_1078 = arith.constant 0 : index
    %get3A_1079 = arith.constant 39 : index
    %get3A_1080 = arith.constant 0 : index
    %get3A_1081 = arith.constant 0 : index
    %get3A_1082 = vector.load %arg4[%get3A_1078, %get3A_1079, %get3A_1080, %get3A_1081] : memref<1x128x4x2048xf32, #tpu.memory_space<vmem>>, vector<1x1x4x2048xf32>
    %get3A_1083 = vector.shape_cast %get3A_1082 : vector<1x1x4x2048xf32> to vector<4x2048xf32>
    %get3A_1084 = arith.index_cast %select_n3A_21 : i32 to index
    %get3A_1085 = arith.constant 39 : index
    %get3A_1086 = arith.constant 0 : index
    %get3A_1087 = arith.constant 0 : index
    %get3A_1088 = vector.load %arg6[%get3A_1084, %get3A_1085, %get3A_1086, %get3A_1087] : memref<2x128x4x2048xf32, #tpu.memory_space<vmem>>, vector<1x1x4x2048xf32>
    %get3A_1089 = vector.shape_cast %get3A_1088 : vector<1x1x4x2048xf32> to vector<4x2048xf32>
    %add3A_1090 = arith.addf %get3A_1083, %get3A_1089 : vector<4x2048xf32>
    %add3A_1091 = vector.broadcast %get3A_1077 : f32 to vector<4x2048xf32>
    %add3A_1092 = arith.addf %add3A_1090, %add3A_1091 : vector<4x2048xf32>
    %swap3A_1093 = arith.constant 0 : index
    %swap3A_1094 = arith.constant 39 : index
    %swap3A_1095 = arith.constant 0 : index
    %swap3A_1096 = arith.constant 0 : index
    %swap3A_1097 = vector.load %arg5[%swap3A_1093, %swap3A_1094, %swap3A_1095, %swap3A_1096] : memref<1x128x4x2048xf32, #tpu.memory_space<vmem>>, vector<1x1x4x2048xf32>
    %swap3A_1098 = vector.shape_cast %swap3A_1097 : vector<1x1x4x2048xf32> to vector<4x2048xf32>
    %swap3A_1099 = vector.shape_cast %add3A_1092 : vector<4x2048xf32> to vector<1x1x4x2048xf32>
    tpu.vector_store %arg5[%swap3A_1093, %swap3A_1094, %swap3A_1095, %swap3A_1096], %swap3A_1099 {strides = array<i32>} : memref<1x128x4x2048xf32, #tpu.memory_space<vmem>>, vector<1x1x4x2048xf32>,
    %add3A_1100 = arith.constant 40 : i32
    %add3A_1101 = arith.addi %mul3A_9, %add3A_1100 : i32
    %get3A_1102 = arith.index_cast %arg1 : i32 to index
    %get3A_1103 = arith.index_cast %add3A_1101 : i32 to index
    %get3A_1104 = memref.load %arg3[%get3A_1102, %get3A_1103] : memref<4x1024xf32, #tpu.memory_space<smem>>
    %get3A_1105 = arith.constant 0 : index
    %get3A_1106 = arith.constant 40 : index
    %get3A_1107 = arith.constant 0 : index
    %get3A_1108 = arith.constant 0 : index
    %get3A_1109 = vector.load %arg4[%get3A_1105, %get3A_1106, %get3A_1107, %get3A_1108] : memref<1x128x4x2048xf32, #tpu.memory_space<vmem>>, vector<1x1x4x2048xf32>
    %get3A_1110 = vector.shape_cast %get3A_1109 : vector<1x1x4x2048xf32> to vector<4x2048xf32>
    %get3A_1111 = arith.index_cast %select_n3A_21 : i32 to index
    %get3A_1112 = arith.constant 40 : index
    %get3A_1113 = arith.constant 0 : index
    %get3A_1114 = arith.constant 0 : index
    %get3A_1115 = vector.load %arg6[%get3A_1111, %get3A_1112, %get3A_1113, %get3A_1114] : memref<2x128x4x2048xf32, #tpu.memory_space<vmem>>, vector<1x1x4x2048xf32>
    %get3A_1116 = vector.shape_cast %get3A_1115 : vector<1x1x4x2048xf32> to vector<4x2048xf32>
    %add3A_1117 = arith.addf %get3A_1110, %get3A_1116 : vector<4x2048xf32>
    %add3A_1118 = vector.broadcast %get3A_1104 : f32 to vector<4x2048xf32>
    %add3A_1119 = arith.addf %add3A_1117, %add3A_1118 : vector<4x2048xf32>
    %swap3A_1120 = arith.constant 0 : index
    %swap3A_1121 = arith.constant 40 : index
    %swap3A_1122 = arith.constant 0 : index
    %swap3A_1123 = arith.constant 0 : index
    %swap3A_1124 = vector.load %arg5[%swap3A_1120, %swap3A_1121, %swap3A_1122, %swap3A_1123] : memref<1x128x4x2048xf32, #tpu.memory_space<vmem>>, vector<1x1x4x2048xf32>
    %swap3A_1125 = vector.shape_cast %swap3A_1124 : vector<1x1x4x2048xf32> to vector<4x2048xf32>
    %swap3A_1126 = vector.shape_cast %add3A_1119 : vector<4x2048xf32> to vector<1x1x4x2048xf32>
    tpu.vector_store %arg5[%swap3A_1120, %swap3A_1121, %swap3A_1122, %swap3A_1123], %swap3A_1126 {strides = array<i32>} : memref<1x128x4x2048xf32, #tpu.memory_space<vmem>>, vector<1x1x4x2048xf32>,
    %add3A_1127 = arith.constant 41 : i32
    %add3A_1128 = arith.addi %mul3A_9, %add3A_1127 : i32
    %get3A_1129 = arith.index_cast %arg1 : i32 to index
    %get3A_1130 = arith.index_cast %add3A_1128 : i32 to index
    %get3A_1131 = memref.load %arg3[%get3A_1129, %get3A_1130] : memref<4x1024xf32, #tpu.memory_space<smem>>
    %get3A_1132 = arith.constant 0 : index
    %get3A_1133 = arith.constant 41 : index
    %get3A_1134 = arith.constant 0 : index
    %get3A_1135 = arith.constant 0 : index
    %get3A_1136 = vector.load %arg4[%get3A_1132, %get3A_1133, %get3A_1134, %get3A_1135] : memref<1x128x4x2048xf32, #tpu.memory_space<vmem>>, vector<1x1x4x2048xf32>
    %get3A_1137 = vector.shape_cast %get3A_1136 : vector<1x1x4x2048xf32> to vector<4x2048xf32>
    %get3A_1138 = arith.index_cast %select_n3A_21 : i32 to index
    %get3A_1139 = arith.constant 41 : index
    %get3A_1140 = arith.constant 0 : index
    %get3A_1141 = arith.constant 0 : index
    %get3A_1142 = vector.load %arg6[%get3A_1138, %get3A_1139, %get3A_1140, %get3A_1141] : memref<2x128x4x2048xf32, #tpu.memory_space<vmem>>, vector<1x1x4x2048xf32>
    %get3A_1143 = vector.shape_cast %get3A_1142 : vector<1x1x4x2048xf32> to vector<4x2048xf32>
    %add3A_1144 = arith.addf %get3A_1137, %get3A_1143 : vector<4x2048xf32>
    %add3A_1145 = vector.broadcast %get3A_1131 : f32 to vector<4x2048xf32>
    %add3A_1146 = arith.addf %add3A_1144, %add3A_1145 : vector<4x2048xf32>
    %swap3A_1147 = arith.constant 0 : index
    %swap3A_1148 = arith.constant 41 : index
    %swap3A_1149 = arith.constant 0 : index
    %swap3A_1150 = arith.constant 0 : index
    %swap3A_1151 = vector.load %arg5[%swap3A_1147, %swap3A_1148, %swap3A_1149, %swap3A_1150] : memref<1x128x4x2048xf32, #tpu.memory_space<vmem>>, vector<1x1x4x2048xf32>
    %swap3A_1152 = vector.shape_cast %swap3A_1151 : vector<1x1x4x2048xf32> to vector<4x2048xf32>
    %swap3A_1153 = vector.shape_cast %add3A_1146 : vector<4x2048xf32> to vector<1x1x4x2048xf32>
    tpu.vector_store %arg5[%swap3A_1147, %swap3A_1148, %swap3A_1149, %swap3A_1150], %swap3A_1153 {strides = array<i32>} : memref<1x128x4x2048xf32, #tpu.memory_space<vmem>>, vector<1x1x4x2048xf32>,
    %add3A_1154 = arith.constant 42 : i32
    %add3A_1155 = arith.addi %mul3A_9, %add3A_1154 : i32
    %get3A_1156 = arith.index_cast %arg1 : i32 to index
    %get3A_1157 = arith.index_cast %add3A_1155 : i32 to index
    %get3A_1158 = memref.load %arg3[%get3A_1156, %get3A_1157] : memref<4x1024xf32, #tpu.memory_space<smem>>
    %get3A_1159 = arith.constant 0 : index
    %get3A_1160 = arith.constant 42 : index
    %get3A_1161 = arith.constant 0 : index
    %get3A_1162 = arith.constant 0 : index
    %get3A_1163 = vector.load %arg4[%get3A_1159, %get3A_1160, %get3A_1161, %get3A_1162] : memref<1x128x4x2048xf32, #tpu.memory_space<vmem>>, vector<1x1x4x2048xf32>
    %get3A_1164 = vector.shape_cast %get3A_1163 : vector<1x1x4x2048xf32> to vector<4x2048xf32>
    %get3A_1165 = arith.index_cast %select_n3A_21 : i32 to index
    %get3A_1166 = arith.constant 42 : index
    %get3A_1167 = arith.constant 0 : index
    %get3A_1168 = arith.constant 0 : index
    %get3A_1169 = vector.load %arg6[%get3A_1165, %get3A_1166, %get3A_1167, %get3A_1168] : memref<2x128x4x2048xf32, #tpu.memory_space<vmem>>, vector<1x1x4x2048xf32>
    %get3A_1170 = vector.shape_cast %get3A_1169 : vector<1x1x4x2048xf32> to vector<4x2048xf32>
    %add3A_1171 = arith.addf %get3A_1164, %get3A_1170 : vector<4x2048xf32>
    %add3A_1172 = vector.broadcast %get3A_1158 : f32 to vector<4x2048xf32>
    %add3A_1173 = arith.addf %add3A_1171, %add3A_1172 : vector<4x2048xf32>
    %swap3A_1174 = arith.constant 0 : index
    %swap3A_1175 = arith.constant 42 : index
    %swap3A_1176 = arith.constant 0 : index
    %swap3A_1177 = arith.constant 0 : index
    %swap3A_1178 = vector.load %arg5[%swap3A_1174, %swap3A_1175, %swap3A_1176, %swap3A_1177] : memref<1x128x4x2048xf32, #tpu.memory_space<vmem>>, vector<1x1x4x2048xf32>
    %swap3A_1179 = vector.shape_cast %swap3A_1178 : vector<1x1x4x2048xf32> to vector<4x2048xf32>
    %swap3A_1180 = vector.shape_cast %add3A_1173 : vector<4x2048xf32> to vector<1x1x4x2048xf32>
    tpu.vector_store %arg5[%swap3A_1174, %swap3A_1175, %swap3A_1176, %swap3A_1177], %swap3A_1180 {strides = array<i32>} : memref<1x128x4x2048xf32, #tpu.memory_space<vmem>>, vector<1x1x4x2048xf32>,
    %add3A_1181 = arith.constant 43 : i32
    %add3A_1182 = arith.addi %mul3A_9, %add3A_1181 : i32
    %get3A_1183 = arith.index_cast %arg1 : i32 to index
    %get3A_1184 = arith.index_cast %add3A_1182 : i32 to index
    %get3A_1185 = memref.load %arg3[%get3A_1183, %get3A_1184] : memref<4x1024xf32, #tpu.memory_space<smem>>
    %get3A_1186 = arith.constant 0 : index
    %get3A_1187 = arith.constant 43 : index
    %get3A_1188 = arith.constant 0 : index
    %get3A_1189 = arith.constant 0 : index
    %get3A_1190 = vector.load %arg4[%get3A_1186, %get3A_1187, %get3A_1188, %get3A_1189] : memref<1x128x4x2048xf32, #tpu.memory_space<vmem>>, vector<1x1x4x2048xf32>
    %get3A_1191 = vector.shape_cast %get3A_1190 : vector<1x1x4x2048xf32> to vector<4x2048xf32>
    %get3A_1192 = arith.index_cast %select_n3A_21 : i32 to index
    %get3A_1193 = arith.constant 43 : index
    %get3A_1194 = arith.constant 0 : index
    %get3A_1195 = arith.constant 0 : index
    %get3A_1196 = vector.load %arg6[%get3A_1192, %get3A_1193, %get3A_1194, %get3A_1195] : memref<2x128x4x2048xf32, #tpu.memory_space<vmem>>, vector<1x1x4x2048xf32>
    %get3A_1197 = vector.shape_cast %get3A_1196 : vector<1x1x4x2048xf32> to vector<4x2048xf32>
    %add3A_1198 = arith.addf %get3A_1191, %get3A_1197 : vector<4x2048xf32>
    %add3A_1199 = vector.broadcast %get3A_1185 : f32 to vector<4x2048xf32>
    %add3A_1200 = arith.addf %add3A_1198, %add3A_1199 : vector<4x2048xf32>
    %swap3A_1201 = arith.constant 0 : index
    %swap3A_1202 = arith.constant 43 : index
    %swap3A_1203 = arith.constant 0 : index
    %swap3A_1204 = arith.constant 0 : index
    %swap3A_1205 = vector.load %arg5[%swap3A_1201, %swap3A_1202, %swap3A_1203, %swap3A_1204] : memref<1x128x4x2048xf32, #tpu.memory_space<vmem>>, vector<1x1x4x2048xf32>
    %swap3A_1206 = vector.shape_cast %swap3A_1205 : vector<1x1x4x2048xf32> to vector<4x2048xf32>
    %swap3A_1207 = vector.shape_cast %add3A_1200 : vector<4x2048xf32> to vector<1x1x4x2048xf32>
    tpu.vector_store %arg5[%swap3A_1201, %swap3A_1202, %swap3A_1203, %swap3A_1204], %swap3A_1207 {strides = array<i32>} : memref<1x128x4x2048xf32, #tpu.memory_space<vmem>>, vector<1x1x4x2048xf32>,
    %add3A_1208 = arith.constant 44 : i32
    %add3A_1209 = arith.addi %mul3A_9, %add3A_1208 : i32
    %get3A_1210 = arith.index_cast %arg1 : i32 to index
    %get3A_1211 = arith.index_cast %add3A_1209 : i32 to index
    %get3A_1212 = memref.load %arg3[%get3A_1210, %get3A_1211] : memref<4x1024xf32, #tpu.memory_space<smem>>
    %get3A_1213 = arith.constant 0 : index
    %get3A_1214 = arith.constant 44 : index
    %get3A_1215 = arith.constant 0 : index
    %get3A_1216 = arith.constant 0 : index
    %get3A_1217 = vector.load %arg4[%get3A_1213, %get3A_1214, %get3A_1215, %get3A_1216] : memref<1x128x4x2048xf32, #tpu.memory_space<vmem>>, vector<1x1x4x2048xf32>
    %get3A_1218 = vector.shape_cast %get3A_1217 : vector<1x1x4x2048xf32> to vector<4x2048xf32>
    %get3A_1219 = arith.index_cast %select_n3A_21 : i32 to index
    %get3A_1220 = arith.constant 44 : index
    %get3A_1221 = arith.constant 0 : index
    %get3A_1222 = arith.constant 0 : index
    %get3A_1223 = vector.load %arg6[%get3A_1219, %get3A_1220, %get3A_1221, %get3A_1222] : memref<2x128x4x2048xf32, #tpu.memory_space<vmem>>, vector<1x1x4x2048xf32>
    %get3A_1224 = vector.shape_cast %get3A_1223 : vector<1x1x4x2048xf32> to vector<4x2048xf32>
    %add3A_1225 = arith.addf %get3A_1218, %get3A_1224 : vector<4x2048xf32>
    %add3A_1226 = vector.broadcast %get3A_1212 : f32 to vector<4x2048xf32>
    %add3A_1227 = arith.addf %add3A_1225, %add3A_1226 : vector<4x2048xf32>
    %swap3A_1228 = arith.constant 0 : index
    %swap3A_1229 = arith.constant 44 : index
    %swap3A_1230 = arith.constant 0 : index
    %swap3A_1231 = arith.constant 0 : index
    %swap3A_1232 = vector.load %arg5[%swap3A_1228, %swap3A_1229, %swap3A_1230, %swap3A_1231] : memref<1x128x4x2048xf32, #tpu.memory_space<vmem>>, vector<1x1x4x2048xf32>
    %swap3A_1233 = vector.shape_cast %swap3A_1232 : vector<1x1x4x2048xf32> to vector<4x2048xf32>
    %swap3A_1234 = vector.shape_cast %add3A_1227 : vector<4x2048xf32> to vector<1x1x4x2048xf32>
    tpu.vector_store %arg5[%swap3A_1228, %swap3A_1229, %swap3A_1230, %swap3A_1231], %swap3A_1234 {strides = array<i32>} : memref<1x128x4x2048xf32, #tpu.memory_space<vmem>>, vector<1x1x4x2048xf32>,
    %add3A_1235 = arith.constant 45 : i32
    %add3A_1236 = arith.addi %mul3A_9, %add3A_1235 : i32
    %get3A_1237 = arith.index_cast %arg1 : i32 to index
    %get3A_1238 = arith.index_cast %add3A_1236 : i32 to index
    %get3A_1239 = memref.load %arg3[%get3A_1237, %get3A_1238] : memref<4x1024xf32, #tpu.memory_space<smem>>
    %get3A_1240 = arith.constant 0 : index
    %get3A_1241 = arith.constant 45 : index
    %get3A_1242 = arith.constant 0 : index
    %get3A_1243 = arith.constant 0 : index
    %get3A_1244 = vector.load %arg4[%get3A_1240, %get3A_1241, %get3A_1242, %get3A_1243] : memref<1x128x4x2048xf32, #tpu.memory_space<vmem>>, vector<1x1x4x2048xf32>
    %get3A_1245 = vector.shape_cast %get3A_1244 : vector<1x1x4x2048xf32> to vector<4x2048xf32>
    %get3A_1246 = arith.index_cast %select_n3A_21 : i32 to index
    %get3A_1247 = arith.constant 45 : index
    %get3A_1248 = arith.constant 0 : index
    %get3A_1249 = arith.constant 0 : index
    %get3A_1250 = vector.load %arg6[%get3A_1246, %get3A_1247, %get3A_1248, %get3A_1249] : memref<2x128x4x2048xf32, #tpu.memory_space<vmem>>, vector<1x1x4x2048xf32>
    %get3A_1251 = vector.shape_cast %get3A_1250 : vector<1x1x4x2048xf32> to vector<4x2048xf32>
    %add3A_1252 = arith.addf %get3A_1245, %get3A_1251 : vector<4x2048xf32>
    %add3A_1253 = vector.broadcast %get3A_1239 : f32 to vector<4x2048xf32>
    %add3A_1254 = arith.addf %add3A_1252, %add3A_1253 : vector<4x2048xf32>
    %swap3A_1255 = arith.constant 0 : index
    %swap3A_1256 = arith.constant 45 : index
    %swap3A_1257 = arith.constant 0 : index
    %swap3A_1258 = arith.constant 0 : index
    %swap3A_1259 = vector.load %arg5[%swap3A_1255, %swap3A_1256, %swap3A_1257, %swap3A_1258] : memref<1x128x4x2048xf32, #tpu.memory_space<vmem>>, vector<1x1x4x2048xf32>
    %swap3A_1260 = vector.shape_cast %swap3A_1259 : vector<1x1x4x2048xf32> to vector<4x2048xf32>
    %swap3A_1261 = vector.shape_cast %add3A_1254 : vector<4x2048xf32> to vector<1x1x4x2048xf32>
    tpu.vector_store %arg5[%swap3A_1255, %swap3A_1256, %swap3A_1257, %swap3A_1258], %swap3A_1261 {strides = array<i32>} : memref<1x128x4x2048xf32, #tpu.memory_space<vmem>>, vector<1x1x4x2048xf32>,
    %add3A_1262 = arith.constant 46 : i32
    %add3A_1263 = arith.addi %mul3A_9, %add3A_1262 : i32
    %get3A_1264 = arith.index_cast %arg1 : i32 to index
    %get3A_1265 = arith.index_cast %add3A_1263 : i32 to index
    %get3A_1266 = memref.load %arg3[%get3A_1264, %get3A_1265] : memref<4x1024xf32, #tpu.memory_space<smem>>
    %get3A_1267 = arith.constant 0 : index
    %get3A_1268 = arith.constant 46 : index
    %get3A_1269 = arith.constant 0 : index
    %get3A_1270 = arith.constant 0 : index
    %get3A_1271 = vector.load %arg4[%get3A_1267, %get3A_1268, %get3A_1269, %get3A_1270] : memref<1x128x4x2048xf32, #tpu.memory_space<vmem>>, vector<1x1x4x2048xf32>
    %get3A_1272 = vector.shape_cast %get3A_1271 : vector<1x1x4x2048xf32> to vector<4x2048xf32>
    %get3A_1273 = arith.index_cast %select_n3A_21 : i32 to index
    %get3A_1274 = arith.constant 46 : index
    %get3A_1275 = arith.constant 0 : index
    %get3A_1276 = arith.constant 0 : index
    %get3A_1277 = vector.load %arg6[%get3A_1273, %get3A_1274, %get3A_1275, %get3A_1276] : memref<2x128x4x2048xf32, #tpu.memory_space<vmem>>, vector<1x1x4x2048xf32>
    %get3A_1278 = vector.shape_cast %get3A_1277 : vector<1x1x4x2048xf32> to vector<4x2048xf32>
    %add3A_1279 = arith.addf %get3A_1272, %get3A_1278 : vector<4x2048xf32>
    %add3A_1280 = vector.broadcast %get3A_1266 : f32 to vector<4x2048xf32>
    %add3A_1281 = arith.addf %add3A_1279, %add3A_1280 : vector<4x2048xf32>
    %swap3A_1282 = arith.constant 0 : index
    %swap3A_1283 = arith.constant 46 : index
    %swap3A_1284 = arith.constant 0 : index
    %swap3A_1285 = arith.constant 0 : index
    %swap3A_1286 = vector.load %arg5[%swap3A_1282, %swap3A_1283, %swap3A_1284, %swap3A_1285] : memref<1x128x4x2048xf32, #tpu.memory_space<vmem>>, vector<1x1x4x2048xf32>
    %swap3A_1287 = vector.shape_cast %swap3A_1286 : vector<1x1x4x2048xf32> to vector<4x2048xf32>
    %swap3A_1288 = vector.shape_cast %add3A_1281 : vector<4x2048xf32> to vector<1x1x4x2048xf32>
    tpu.vector_store %arg5[%swap3A_1282, %swap3A_1283, %swap3A_1284, %swap3A_1285], %swap3A_1288 {strides = array<i32>} : memref<1x128x4x2048xf32, #tpu.memory_space<vmem>>, vector<1x1x4x2048xf32>,
    %add3A_1289 = arith.constant 47 : i32
    %add3A_1290 = arith.addi %mul3A_9, %add3A_1289 : i32
    %get3A_1291 = arith.index_cast %arg1 : i32 to index
    %get3A_1292 = arith.index_cast %add3A_1290 : i32 to index
    %get3A_1293 = memref.load %arg3[%get3A_1291, %get3A_1292] : memref<4x1024xf32, #tpu.memory_space<smem>>
    %get3A_1294 = arith.constant 0 : index
    %get3A_1295 = arith.constant 47 : index
    %get3A_1296 = arith.constant 0 : index
    %get3A_1297 = arith.constant 0 : index
    %get3A_1298 = vector.load %arg4[%get3A_1294, %get3A_1295, %get3A_1296, %get3A_1297] : memref<1x128x4x2048xf32, #tpu.memory_space<vmem>>, vector<1x1x4x2048xf32>
    %get3A_1299 = vector.shape_cast %get3A_1298 : vector<1x1x4x2048xf32> to vector<4x2048xf32>
    %get3A_1300 = arith.index_cast %select_n3A_21 : i32 to index
    %get3A_1301 = arith.constant 47 : index
    %get3A_1302 = arith.constant 0 : index
    %get3A_1303 = arith.constant 0 : index
    %get3A_1304 = vector.load %arg6[%get3A_1300, %get3A_1301, %get3A_1302, %get3A_1303] : memref<2x128x4x2048xf32, #tpu.memory_space<vmem>>, vector<1x1x4x2048xf32>
    %get3A_1305 = vector.shape_cast %get3A_1304 : vector<1x1x4x2048xf32> to vector<4x2048xf32>
    %add3A_1306 = arith.addf %get3A_1299, %get3A_1305 : vector<4x2048xf32>
    %add3A_1307 = vector.broadcast %get3A_1293 : f32 to vector<4x2048xf32>
    %add3A_1308 = arith.addf %add3A_1306, %add3A_1307 : vector<4x2048xf32>
    %swap3A_1309 = arith.constant 0 : index
    %swap3A_1310 = arith.constant 47 : index
    %swap3A_1311 = arith.constant 0 : index
    %swap3A_1312 = arith.constant 0 : index
    %swap3A_1313 = vector.load %arg5[%swap3A_1309, %swap3A_1310, %swap3A_1311, %swap3A_1312] : memref<1x128x4x2048xf32, #tpu.memory_space<vmem>>, vector<1x1x4x2048xf32>
    %swap3A_1314 = vector.shape_cast %swap3A_1313 : vector<1x1x4x2048xf32> to vector<4x2048xf32>
    %swap3A_1315 = vector.shape_cast %add3A_1308 : vector<4x2048xf32> to vector<1x1x4x2048xf32>
    tpu.vector_store %arg5[%swap3A_1309, %swap3A_1310, %swap3A_1311, %swap3A_1312], %swap3A_1315 {strides = array<i32>} : memref<1x128x4x2048xf32, #tpu.memory_space<vmem>>, vector<1x1x4x2048xf32>,
    %add3A_1316 = arith.constant 48 : i32
    %add3A_1317 = arith.addi %mul3A_9, %add3A_1316 : i32
    %get3A_1318 = arith.index_cast %arg1 : i32 to index
    %get3A_1319 = arith.index_cast %add3A_1317 : i32 to index
    %get3A_1320 = memref.load %arg3[%get3A_1318, %get3A_1319] : memref<4x1024xf32, #tpu.memory_space<smem>>
    %get3A_1321 = arith.constant 0 : index
    %get3A_1322 = arith.constant 48 : index
    %get3A_1323 = arith.constant 0 : index
    %get3A_1324 = arith.constant 0 : index
    %get3A_1325 = vector.load %arg4[%get3A_1321, %get3A_1322, %get3A_1323, %get3A_1324] : memref<1x128x4x2048xf32, #tpu.memory_space<vmem>>, vector<1x1x4x2048xf32>
    %get3A_1326 = vector.shape_cast %get3A_1325 : vector<1x1x4x2048xf32> to vector<4x2048xf32>
    %get3A_1327 = arith.index_cast %select_n3A_21 : i32 to index
    %get3A_1328 = arith.constant 48 : index
    %get3A_1329 = arith.constant 0 : index
    %get3A_1330 = arith.constant 0 : index
    %get3A_1331 = vector.load %arg6[%get3A_1327, %get3A_1328, %get3A_1329, %get3A_1330] : memref<2x128x4x2048xf32, #tpu.memory_space<vmem>>, vector<1x1x4x2048xf32>
    %get3A_1332 = vector.shape_cast %get3A_1331 : vector<1x1x4x2048xf32> to vector<4x2048xf32>
    %add3A_1333 = arith.addf %get3A_1326, %get3A_1332 : vector<4x2048xf32>
    %add3A_1334 = vector.broadcast %get3A_1320 : f32 to vector<4x2048xf32>
    %add3A_1335 = arith.addf %add3A_1333, %add3A_1334 : vector<4x2048xf32>
    %swap3A_1336 = arith.constant 0 : index
    %swap3A_1337 = arith.constant 48 : index
    %swap3A_1338 = arith.constant 0 : index
    %swap3A_1339 = arith.constant 0 : index
    %swap3A_1340 = vector.load %arg5[%swap3A_1336, %swap3A_1337, %swap3A_1338, %swap3A_1339] : memref<1x128x4x2048xf32, #tpu.memory_space<vmem>>, vector<1x1x4x2048xf32>
    %swap3A_1341 = vector.shape_cast %swap3A_1340 : vector<1x1x4x2048xf32> to vector<4x2048xf32>
    %swap3A_1342 = vector.shape_cast %add3A_1335 : vector<4x2048xf32> to vector<1x1x4x2048xf32>
    tpu.vector_store %arg5[%swap3A_1336, %swap3A_1337, %swap3A_1338, %swap3A_1339], %swap3A_1342 {strides = array<i32>} : memref<1x128x4x2048xf32, #tpu.memory_space<vmem>>, vector<1x1x4x2048xf32>,
    %add3A_1343 = arith.constant 49 : i32
    %add3A_1344 = arith.addi %mul3A_9, %add3A_1343 : i32
    %get3A_1345 = arith.index_cast %arg1 : i32 to index
    %get3A_1346 = arith.index_cast %add3A_1344 : i32 to index
    %get3A_1347 = memref.load %arg3[%get3A_1345, %get3A_1346] : memref<4x1024xf32, #tpu.memory_space<smem>>
    %get3A_1348 = arith.constant 0 : index
    %get3A_1349 = arith.constant 49 : index
    %get3A_1350 = arith.constant 0 : index
    %get3A_1351 = arith.constant 0 : index
    %get3A_1352 = vector.load %arg4[%get3A_1348, %get3A_1349, %get3A_1350, %get3A_1351] : memref<1x128x4x2048xf32, #tpu.memory_space<vmem>>, vector<1x1x4x2048xf32>
    %get3A_1353 = vector.shape_cast %get3A_1352 : vector<1x1x4x2048xf32> to vector<4x2048xf32>
    %get3A_1354 = arith.index_cast %select_n3A_21 : i32 to index
    %get3A_1355 = arith.constant 49 : index
    %get3A_1356 = arith.constant 0 : index
    %get3A_1357 = arith.constant 0 : index
    %get3A_1358 = vector.load %arg6[%get3A_1354, %get3A_1355, %get3A_1356, %get3A_1357] : memref<2x128x4x2048xf32, #tpu.memory_space<vmem>>, vector<1x1x4x2048xf32>
    %get3A_1359 = vector.shape_cast %get3A_1358 : vector<1x1x4x2048xf32> to vector<4x2048xf32>
    %add3A_1360 = arith.addf %get3A_1353, %get3A_1359 : vector<4x2048xf32>
    %add3A_1361 = vector.broadcast %get3A_1347 : f32 to vector<4x2048xf32>
    %add3A_1362 = arith.addf %add3A_1360, %add3A_1361 : vector<4x2048xf32>
    %swap3A_1363 = arith.constant 0 : index
    %swap3A_1364 = arith.constant 49 : index
    %swap3A_1365 = arith.constant 0 : index
    %swap3A_1366 = arith.constant 0 : index
    %swap3A_1367 = vector.load %arg5[%swap3A_1363, %swap3A_1364, %swap3A_1365, %swap3A_1366] : memref<1x128x4x2048xf32, #tpu.memory_space<vmem>>, vector<1x1x4x2048xf32>
    %swap3A_1368 = vector.shape_cast %swap3A_1367 : vector<1x1x4x2048xf32> to vector<4x2048xf32>
    %swap3A_1369 = vector.shape_cast %add3A_1362 : vector<4x2048xf32> to vector<1x1x4x2048xf32>
    tpu.vector_store %arg5[%swap3A_1363, %swap3A_1364, %swap3A_1365, %swap3A_1366], %swap3A_1369 {strides = array<i32>} : memref<1x128x4x2048xf32, #tpu.memory_space<vmem>>, vector<1x1x4x2048xf32>,
    %add3A_1370 = arith.constant 50 : i32
    %add3A_1371 = arith.addi %mul3A_9, %add3A_1370 : i32
    %get3A_1372 = arith.index_cast %arg1 : i32 to index
    %get3A_1373 = arith.index_cast %add3A_1371 : i32 to index
    %get3A_1374 = memref.load %arg3[%get3A_1372, %get3A_1373] : memref<4x1024xf32, #tpu.memory_space<smem>>
    %get3A_1375 = arith.constant 0 : index
    %get3A_1376 = arith.constant 50 : index
    %get3A_1377 = arith.constant 0 : index
    %get3A_1378 = arith.constant 0 : index
    %get3A_1379 = vector.load %arg4[%get3A_1375, %get3A_1376, %get3A_1377, %get3A_1378] : memref<1x128x4x2048xf32, #tpu.memory_space<vmem>>, vector<1x1x4x2048xf32>
    %get3A_1380 = vector.shape_cast %get3A_1379 : vector<1x1x4x2048xf32> to vector<4x2048xf32>
    %get3A_1381 = arith.index_cast %select_n3A_21 : i32 to index
    %get3A_1382 = arith.constant 50 : index
    %get3A_1383 = arith.constant 0 : index
    %get3A_1384 = arith.constant 0 : index
    %get3A_1385 = vector.load %arg6[%get3A_1381, %get3A_1382, %get3A_1383, %get3A_1384] : memref<2x128x4x2048xf32, #tpu.memory_space<vmem>>, vector<1x1x4x2048xf32>
    %get3A_1386 = vector.shape_cast %get3A_1385 : vector<1x1x4x2048xf32> to vector<4x2048xf32>
    %add3A_1387 = arith.addf %get3A_1380, %get3A_1386 : vector<4x2048xf32>
    %add3A_1388 = vector.broadcast %get3A_1374 : f32 to vector<4x2048xf32>
    %add3A_1389 = arith.addf %add3A_1387, %add3A_1388 : vector<4x2048xf32>
    %swap3A_1390 = arith.constant 0 : index
    %swap3A_1391 = arith.constant 50 : index
    %swap3A_1392 = arith.constant 0 : index
    %swap3A_1393 = arith.constant 0 : index
    %swap3A_1394 = vector.load %arg5[%swap3A_1390, %swap3A_1391, %swap3A_1392, %swap3A_1393] : memref<1x128x4x2048xf32, #tpu.memory_space<vmem>>, vector<1x1x4x2048xf32>
    %swap3A_1395 = vector.shape_cast %swap3A_1394 : vector<1x1x4x2048xf32> to vector<4x2048xf32>
    %swap3A_1396 = vector.shape_cast %add3A_1389 : vector<4x2048xf32> to vector<1x1x4x2048xf32>
    tpu.vector_store %arg5[%swap3A_1390, %swap3A_1391, %swap3A_1392, %swap3A_1393], %swap3A_1396 {strides = array<i32>} : memref<1x128x4x2048xf32, #tpu.memory_space<vmem>>, vector<1x1x4x2048xf32>,
    %add3A_1397 = arith.constant 51 : i32
    %add3A_1398 = arith.addi %mul3A_9, %add3A_1397 : i32
    %get3A_1399 = arith.index_cast %arg1 : i32 to index
    %get3A_1400 = arith.index_cast %add3A_1398 : i32 to index
    %get3A_1401 = memref.load %arg3[%get3A_1399, %get3A_1400] : memref<4x1024xf32, #tpu.memory_space<smem>>
    %get3A_1402 = arith.constant 0 : index
    %get3A_1403 = arith.constant 51 : index
    %get3A_1404 = arith.constant 0 : index
    %get3A_1405 = arith.constant 0 : index
    %get3A_1406 = vector.load %arg4[%get3A_1402, %get3A_1403, %get3A_1404, %get3A_1405] : memref<1x128x4x2048xf32, #tpu.memory_space<vmem>>, vector<1x1x4x2048xf32>
    %get3A_1407 = vector.shape_cast %get3A_1406 : vector<1x1x4x2048xf32> to vector<4x2048xf32>
    %get3A_1408 = arith.index_cast %select_n3A_21 : i32 to index
    %get3A_1409 = arith.constant 51 : index
    %get3A_1410 = arith.constant 0 : index
    %get3A_1411 = arith.constant 0 : index
    %get3A_1412 = vector.load %arg6[%get3A_1408, %get3A_1409, %get3A_1410, %get3A_1411] : memref<2x128x4x2048xf32, #tpu.memory_space<vmem>>, vector<1x1x4x2048xf32>
    %get3A_1413 = vector.shape_cast %get3A_1412 : vector<1x1x4x2048xf32> to vector<4x2048xf32>
    %add3A_1414 = arith.addf %get3A_1407, %get3A_1413 : vector<4x2048xf32>
    %add3A_1415 = vector.broadcast %get3A_1401 : f32 to vector<4x2048xf32>
    %add3A_1416 = arith.addf %add3A_1414, %add3A_1415 : vector<4x2048xf32>
    %swap3A_1417 = arith.constant 0 : index
    %swap3A_1418 = arith.constant 51 : index
    %swap3A_1419 = arith.constant 0 : index
    %swap3A_1420 = arith.constant 0 : index
    %swap3A_1421 = vector.load %arg5[%swap3A_1417, %swap3A_1418, %swap3A_1419, %swap3A_1420] : memref<1x128x4x2048xf32, #tpu.memory_space<vmem>>, vector<1x1x4x2048xf32>
    %swap3A_1422 = vector.shape_cast %swap3A_1421 : vector<1x1x4x2048xf32> to vector<4x2048xf32>
    %swap3A_1423 = vector.shape_cast %add3A_1416 : vector<4x2048xf32> to vector<1x1x4x2048xf32>
    tpu.vector_store %arg5[%swap3A_1417, %swap3A_1418, %swap3A_1419, %swap3A_1420], %swap3A_1423 {strides = array<i32>} : memref<1x128x4x2048xf32, #tpu.memory_space<vmem>>, vector<1x1x4x2048xf32>,
    %add3A_1424 = arith.constant 52 : i32
    %add3A_1425 = arith.addi %mul3A_9, %add3A_1424 : i32
    %get3A_1426 = arith.index_cast %arg1 : i32 to index
    %get3A_1427 = arith.index_cast %add3A_1425 : i32 to index
    %get3A_1428 = memref.load %arg3[%get3A_1426, %get3A_1427] : memref<4x1024xf32, #tpu.memory_space<smem>>
    %get3A_1429 = arith.constant 0 : index
    %get3A_1430 = arith.constant 52 : index
    %get3A_1431 = arith.constant 0 : index
    %get3A_1432 = arith.constant 0 : index
    %get3A_1433 = vector.load %arg4[%get3A_1429, %get3A_1430, %get3A_1431, %get3A_1432] : memref<1x128x4x2048xf32, #tpu.memory_space<vmem>>, vector<1x1x4x2048xf32>
    %get3A_1434 = vector.shape_cast %get3A_1433 : vector<1x1x4x2048xf32> to vector<4x2048xf32>
    %get3A_1435 = arith.index_cast %select_n3A_21 : i32 to index
    %get3A_1436 = arith.constant 52 : index
    %get3A_1437 = arith.constant 0 : index
    %get3A_1438 = arith.constant 0 : index
    %get3A_1439 = vector.load %arg6[%get3A_1435, %get3A_1436, %get3A_1437, %get3A_1438] : memref<2x128x4x2048xf32, #tpu.memory_space<vmem>>, vector<1x1x4x2048xf32>
    %get3A_1440 = vector.shape_cast %get3A_1439 : vector<1x1x4x2048xf32> to vector<4x2048xf32>
    %add3A_1441 = arith.addf %get3A_1434, %get3A_1440 : vector<4x2048xf32>
    %add3A_1442 = vector.broadcast %get3A_1428 : f32 to vector<4x2048xf32>
    %add3A_1443 = arith.addf %add3A_1441, %add3A_1442 : vector<4x2048xf32>
    %swap3A_1444 = arith.constant 0 : index
    %swap3A_1445 = arith.constant 52 : index
    %swap3A_1446 = arith.constant 0 : index
    %swap3A_1447 = arith.constant 0 : index
    %swap3A_1448 = vector.load %arg5[%swap3A_1444, %swap3A_1445, %swap3A_1446, %swap3A_1447] : memref<1x128x4x2048xf32, #tpu.memory_space<vmem>>, vector<1x1x4x2048xf32>
    %swap3A_1449 = vector.shape_cast %swap3A_1448 : vector<1x1x4x2048xf32> to vector<4x2048xf32>
    %swap3A_1450 = vector.shape_cast %add3A_1443 : vector<4x2048xf32> to vector<1x1x4x2048xf32>
    tpu.vector_store %arg5[%swap3A_1444, %swap3A_1445, %swap3A_1446, %swap3A_1447], %swap3A_1450 {strides = array<i32>} : memref<1x128x4x2048xf32, #tpu.memory_space<vmem>>, vector<1x1x4x2048xf32>,
    %add3A_1451 = arith.constant 53 : i32
    %add3A_1452 = arith.addi %mul3A_9, %add3A_1451 : i32
    %get3A_1453 = arith.index_cast %arg1 : i32 to index
    %get3A_1454 = arith.index_cast %add3A_1452 : i32 to index
    %get3A_1455 = memref.load %arg3[%get3A_1453, %get3A_1454] : memref<4x1024xf32, #tpu.memory_space<smem>>
    %get3A_1456 = arith.constant 0 : index
    %get3A_1457 = arith.constant 53 : index
    %get3A_1458 = arith.constant 0 : index
    %get3A_1459 = arith.constant 0 : index
    %get3A_1460 = vector.load %arg4[%get3A_1456, %get3A_1457, %get3A_1458, %get3A_1459] : memref<1x128x4x2048xf32, #tpu.memory_space<vmem>>, vector<1x1x4x2048xf32>
    %get3A_1461 = vector.shape_cast %get3A_1460 : vector<1x1x4x2048xf32> to vector<4x2048xf32>
    %get3A_1462 = arith.index_cast %select_n3A_21 : i32 to index
    %get3A_1463 = arith.constant 53 : index
    %get3A_1464 = arith.constant 0 : index
    %get3A_1465 = arith.constant 0 : index
    %get3A_1466 = vector.load %arg6[%get3A_1462, %get3A_1463, %get3A_1464, %get3A_1465] : memref<2x128x4x2048xf32, #tpu.memory_space<vmem>>, vector<1x1x4x2048xf32>
    %get3A_1467 = vector.shape_cast %get3A_1466 : vector<1x1x4x2048xf32> to vector<4x2048xf32>
    %add3A_1468 = arith.addf %get3A_1461, %get3A_1467 : vector<4x2048xf32>
    %add3A_1469 = vector.broadcast %get3A_1455 : f32 to vector<4x2048xf32>
    %add3A_1470 = arith.addf %add3A_1468, %add3A_1469 : vector<4x2048xf32>
    %swap3A_1471 = arith.constant 0 : index
    %swap3A_1472 = arith.constant 53 : index
    %swap3A_1473 = arith.constant 0 : index
    %swap3A_1474 = arith.constant 0 : index
    %swap3A_1475 = vector.load %arg5[%swap3A_1471, %swap3A_1472, %swap3A_1473, %swap3A_1474] : memref<1x128x4x2048xf32, #tpu.memory_space<vmem>>, vector<1x1x4x2048xf32>
    %swap3A_1476 = vector.shape_cast %swap3A_1475 : vector<1x1x4x2048xf32> to vector<4x2048xf32>
    %swap3A_1477 = vector.shape_cast %add3A_1470 : vector<4x2048xf32> to vector<1x1x4x2048xf32>
    tpu.vector_store %arg5[%swap3A_1471, %swap3A_1472, %swap3A_1473, %swap3A_1474], %swap3A_1477 {strides = array<i32>} : memref<1x128x4x2048xf32, #tpu.memory_space<vmem>>, vector<1x1x4x2048xf32>,
    %add3A_1478 = arith.constant 54 : i32
    %add3A_1479 = arith.addi %mul3A_9, %add3A_1478 : i32
    %get3A_1480 = arith.index_cast %arg1 : i32 to index
    %get3A_1481 = arith.index_cast %add3A_1479 : i32 to index
    %get3A_1482 = memref.load %arg3[%get3A_1480, %get3A_1481] : memref<4x1024xf32, #tpu.memory_space<smem>>
    %get3A_1483 = arith.constant 0 : index
    %get3A_1484 = arith.constant 54 : index
    %get3A_1485 = arith.constant 0 : index
    %get3A_1486 = arith.constant 0 : index
    %get3A_1487 = vector.load %arg4[%get3A_1483, %get3A_1484, %get3A_1485, %get3A_1486] : memref<1x128x4x2048xf32, #tpu.memory_space<vmem>>, vector<1x1x4x2048xf32>
    %get3A_1488 = vector.shape_cast %get3A_1487 : vector<1x1x4x2048xf32> to vector<4x2048xf32>
    %get3A_1489 = arith.index_cast %select_n3A_21 : i32 to index
    %get3A_1490 = arith.constant 54 : index
    %get3A_1491 = arith.constant 0 : index
    %get3A_1492 = arith.constant 0 : index
    %get3A_1493 = vector.load %arg6[%get3A_1489, %get3A_1490, %get3A_1491, %get3A_1492] : memref<2x128x4x2048xf32, #tpu.memory_space<vmem>>, vector<1x1x4x2048xf32>
    %get3A_1494 = vector.shape_cast %get3A_1493 : vector<1x1x4x2048xf32> to vector<4x2048xf32>
    %add3A_1495 = arith.addf %get3A_1488, %get3A_1494 : vector<4x2048xf32>
    %add3A_1496 = vector.broadcast %get3A_1482 : f32 to vector<4x2048xf32>
    %add3A_1497 = arith.addf %add3A_1495, %add3A_1496 : vector<4x2048xf32>
    %swap3A_1498 = arith.constant 0 : index
    %swap3A_1499 = arith.constant 54 : index
    %swap3A_1500 = arith.constant 0 : index
    %swap3A_1501 = arith.constant 0 : index
    %swap3A_1502 = vector.load %arg5[%swap3A_1498, %swap3A_1499, %swap3A_1500, %swap3A_1501] : memref<1x128x4x2048xf32, #tpu.memory_space<vmem>>, vector<1x1x4x2048xf32>
    %swap3A_1503 = vector.shape_cast %swap3A_1502 : vector<1x1x4x2048xf32> to vector<4x2048xf32>
    %swap3A_1504 = vector.shape_cast %add3A_1497 : vector<4x2048xf32> to vector<1x1x4x2048xf32>
    tpu.vector_store %arg5[%swap3A_1498, %swap3A_1499, %swap3A_1500, %swap3A_1501], %swap3A_1504 {strides = array<i32>} : memref<1x128x4x2048xf32, #tpu.memory_space<vmem>>, vector<1x1x4x2048xf32>,
    %add3A_1505 = arith.constant 55 : i32
    %add3A_1506 = arith.addi %mul3A_9, %add3A_1505 : i32
    %get3A_1507 = arith.index_cast %arg1 : i32 to index
    %get3A_1508 = arith.index_cast %add3A_1506 : i32 to index
    %get3A_1509 = memref.load %arg3[%get3A_1507, %get3A_1508] : memref<4x1024xf32, #tpu.memory_space<smem>>
    %get3A_1510 = arith.constant 0 : index
    %get3A_1511 = arith.constant 55 : index
    %get3A_1512 = arith.constant 0 : index
    %get3A_1513 = arith.constant 0 : index
    %get3A_1514 = vector.load %arg4[%get3A_1510, %get3A_1511, %get3A_1512, %get3A_1513] : memref<1x128x4x2048xf32, #tpu.memory_space<vmem>>, vector<1x1x4x2048xf32>
    %get3A_1515 = vector.shape_cast %get3A_1514 : vector<1x1x4x2048xf32> to vector<4x2048xf32>
    %get3A_1516 = arith.index_cast %select_n3A_21 : i32 to index
    %get3A_1517 = arith.constant 55 : index
    %get3A_1518 = arith.constant 0 : index
    %get3A_1519 = arith.constant 0 : index
    %get3A_1520 = vector.load %arg6[%get3A_1516, %get3A_1517, %get3A_1518, %get3A_1519] : memref<2x128x4x2048xf32, #tpu.memory_space<vmem>>, vector<1x1x4x2048xf32>
    %get3A_1521 = vector.shape_cast %get3A_1520 : vector<1x1x4x2048xf32> to vector<4x2048xf32>
    %add3A_1522 = arith.addf %get3A_1515, %get3A_1521 : vector<4x2048xf32>
    %add3A_1523 = vector.broadcast %get3A_1509 : f32 to vector<4x2048xf32>
    %add3A_1524 = arith.addf %add3A_1522, %add3A_1523 : vector<4x2048xf32>
    %swap3A_1525 = arith.constant 0 : index
    %swap3A_1526 = arith.constant 55 : index
    %swap3A_1527 = arith.constant 0 : index
    %swap3A_1528 = arith.constant 0 : index
    %swap3A_1529 = vector.load %arg5[%swap3A_1525, %swap3A_1526, %swap3A_1527, %swap3A_1528] : memref<1x128x4x2048xf32, #tpu.memory_space<vmem>>, vector<1x1x4x2048xf32>
    %swap3A_1530 = vector.shape_cast %swap3A_1529 : vector<1x1x4x2048xf32> to vector<4x2048xf32>
    %swap3A_1531 = vector.shape_cast %add3A_1524 : vector<4x2048xf32> to vector<1x1x4x2048xf32>
    tpu.vector_store %arg5[%swap3A_1525, %swap3A_1526, %swap3A_1527, %swap3A_1528], %swap3A_1531 {strides = array<i32>} : memref<1x128x4x2048xf32, #tpu.memory_space<vmem>>, vector<1x1x4x2048xf32>,
    %add3A_1532 = arith.constant 56 : i32
    %add3A_1533 = arith.addi %mul3A_9, %add3A_1532 : i32
    %get3A_1534 = arith.index_cast %arg1 : i32 to index
    %get3A_1535 = arith.index_cast %add3A_1533 : i32 to index
    %get3A_1536 = memref.load %arg3[%get3A_1534, %get3A_1535] : memref<4x1024xf32, #tpu.memory_space<smem>>
    %get3A_1537 = arith.constant 0 : index
    %get3A_1538 = arith.constant 56 : index
    %get3A_1539 = arith.constant 0 : index
    %get3A_1540 = arith.constant 0 : index
    %get3A_1541 = vector.load %arg4[%get3A_1537, %get3A_1538, %get3A_1539, %get3A_1540] : memref<1x128x4x2048xf32, #tpu.memory_space<vmem>>, vector<1x1x4x2048xf32>
    %get3A_1542 = vector.shape_cast %get3A_1541 : vector<1x1x4x2048xf32> to vector<4x2048xf32>
    %get3A_1543 = arith.index_cast %select_n3A_21 : i32 to index
    %get3A_1544 = arith.constant 56 : index
    %get3A_1545 = arith.constant 0 : index
    %get3A_1546 = arith.constant 0 : index
    %get3A_1547 = vector.load %arg6[%get3A_1543, %get3A_1544, %get3A_1545, %get3A_1546] : memref<2x128x4x2048xf32, #tpu.memory_space<vmem>>, vector<1x1x4x2048xf32>
    %get3A_1548 = vector.shape_cast %get3A_1547 : vector<1x1x4x2048xf32> to vector<4x2048xf32>
    %add3A_1549 = arith.addf %get3A_1542, %get3A_1548 : vector<4x2048xf32>
    %add3A_1550 = vector.broadcast %get3A_1536 : f32 to vector<4x2048xf32>
    %add3A_1551 = arith.addf %add3A_1549, %add3A_1550 : vector<4x2048xf32>
    %swap3A_1552 = arith.constant 0 : index
    %swap3A_1553 = arith.constant 56 : index
    %swap3A_1554 = arith.constant 0 : index
    %swap3A_1555 = arith.constant 0 : index
    %swap3A_1556 = vector.load %arg5[%swap3A_1552, %swap3A_1553, %swap3A_1554, %swap3A_1555] : memref<1x128x4x2048xf32, #tpu.memory_space<vmem>>, vector<1x1x4x2048xf32>
    %swap3A_1557 = vector.shape_cast %swap3A_1556 : vector<1x1x4x2048xf32> to vector<4x2048xf32>
    %swap3A_1558 = vector.shape_cast %add3A_1551 : vector<4x2048xf32> to vector<1x1x4x2048xf32>
    tpu.vector_store %arg5[%swap3A_1552, %swap3A_1553, %swap3A_1554, %swap3A_1555], %swap3A_1558 {strides = array<i32>} : memref<1x128x4x2048xf32, #tpu.memory_space<vmem>>, vector<1x1x4x2048xf32>,
    %add3A_1559 = arith.constant 57 : i32
    %add3A_1560 = arith.addi %mul3A_9, %add3A_1559 : i32
    %get3A_1561 = arith.index_cast %arg1 : i32 to index
    %get3A_1562 = arith.index_cast %add3A_1560 : i32 to index
    %get3A_1563 = memref.load %arg3[%get3A_1561, %get3A_1562] : memref<4x1024xf32, #tpu.memory_space<smem>>
    %get3A_1564 = arith.constant 0 : index
    %get3A_1565 = arith.constant 57 : index
    %get3A_1566 = arith.constant 0 : index
    %get3A_1567 = arith.constant 0 : index
    %get3A_1568 = vector.load %arg4[%get3A_1564, %get3A_1565, %get3A_1566, %get3A_1567] : memref<1x128x4x2048xf32, #tpu.memory_space<vmem>>, vector<1x1x4x2048xf32>
    %get3A_1569 = vector.shape_cast %get3A_1568 : vector<1x1x4x2048xf32> to vector<4x2048xf32>
    %get3A_1570 = arith.index_cast %select_n3A_21 : i32 to index
    %get3A_1571 = arith.constant 57 : index
    %get3A_1572 = arith.constant 0 : index
    %get3A_1573 = arith.constant 0 : index
    %get3A_1574 = vector.load %arg6[%get3A_1570, %get3A_1571, %get3A_1572, %get3A_1573] : memref<2x128x4x2048xf32, #tpu.memory_space<vmem>>, vector<1x1x4x2048xf32>
    %get3A_1575 = vector.shape_cast %get3A_1574 : vector<1x1x4x2048xf32> to vector<4x2048xf32>
    %add3A_1576 = arith.addf %get3A_1569, %get3A_1575 : vector<4x2048xf32>
    %add3A_1577 = vector.broadcast %get3A_1563 : f32 to vector<4x2048xf32>
    %add3A_1578 = arith.addf %add3A_1576, %add3A_1577 : vector<4x2048xf32>
    %swap3A_1579 = arith.constant 0 : index
    %swap3A_1580 = arith.constant 57 : index
    %swap3A_1581 = arith.constant 0 : index
    %swap3A_1582 = arith.constant 0 : index
    %swap3A_1583 = vector.load %arg5[%swap3A_1579, %swap3A_1580, %swap3A_1581, %swap3A_1582] : memref<1x128x4x2048xf32, #tpu.memory_space<vmem>>, vector<1x1x4x2048xf32>
    %swap3A_1584 = vector.shape_cast %swap3A_1583 : vector<1x1x4x2048xf32> to vector<4x2048xf32>
    %swap3A_1585 = vector.shape_cast %add3A_1578 : vector<4x2048xf32> to vector<1x1x4x2048xf32>
    tpu.vector_store %arg5[%swap3A_1579, %swap3A_1580, %swap3A_1581, %swap3A_1582], %swap3A_1585 {strides = array<i32>} : memref<1x128x4x2048xf32, #tpu.memory_space<vmem>>, vector<1x1x4x2048xf32>,
    %add3A_1586 = arith.constant 58 : i32
    %add3A_1587 = arith.addi %mul3A_9, %add3A_1586 : i32
    %get3A_1588 = arith.index_cast %arg1 : i32 to index
    %get3A_1589 = arith.index_cast %add3A_1587 : i32 to index
    %get3A_1590 = memref.load %arg3[%get3A_1588, %get3A_1589] : memref<4x1024xf32, #tpu.memory_space<smem>>
    %get3A_1591 = arith.constant 0 : index
    %get3A_1592 = arith.constant 58 : index
    %get3A_1593 = arith.constant 0 : index
    %get3A_1594 = arith.constant 0 : index
    %get3A_1595 = vector.load %arg4[%get3A_1591, %get3A_1592, %get3A_1593, %get3A_1594] : memref<1x128x4x2048xf32, #tpu.memory_space<vmem>>, vector<1x1x4x2048xf32>
    %get3A_1596 = vector.shape_cast %get3A_1595 : vector<1x1x4x2048xf32> to vector<4x2048xf32>
    %get3A_1597 = arith.index_cast %select_n3A_21 : i32 to index
    %get3A_1598 = arith.constant 58 : index
    %get3A_1599 = arith.constant 0 : index
    %get3A_1600 = arith.constant 0 : index
    %get3A_1601 = vector.load %arg6[%get3A_1597, %get3A_1598, %get3A_1599, %get3A_1600] : memref<2x128x4x2048xf32, #tpu.memory_space<vmem>>, vector<1x1x4x2048xf32>
    %get3A_1602 = vector.shape_cast %get3A_1601 : vector<1x1x4x2048xf32> to vector<4x2048xf32>
    %add3A_1603 = arith.addf %get3A_1596, %get3A_1602 : vector<4x2048xf32>
    %add3A_1604 = vector.broadcast %get3A_1590 : f32 to vector<4x2048xf32>
    %add3A_1605 = arith.addf %add3A_1603, %add3A_1604 : vector<4x2048xf32>
    %swap3A_1606 = arith.constant 0 : index
    %swap3A_1607 = arith.constant 58 : index
    %swap3A_1608 = arith.constant 0 : index
    %swap3A_1609 = arith.constant 0 : index
    %swap3A_1610 = vector.load %arg5[%swap3A_1606, %swap3A_1607, %swap3A_1608, %swap3A_1609] : memref<1x128x4x2048xf32, #tpu.memory_space<vmem>>, vector<1x1x4x2048xf32>
    %swap3A_1611 = vector.shape_cast %swap3A_1610 : vector<1x1x4x2048xf32> to vector<4x2048xf32>
    %swap3A_1612 = vector.shape_cast %add3A_1605 : vector<4x2048xf32> to vector<1x1x4x2048xf32>
    tpu.vector_store %arg5[%swap3A_1606, %swap3A_1607, %swap3A_1608, %swap3A_1609], %swap3A_1612 {strides = array<i32>} : memref<1x128x4x2048xf32, #tpu.memory_space<vmem>>, vector<1x1x4x2048xf32>,
    %add3A_1613 = arith.constant 59 : i32
    %add3A_1614 = arith.addi %mul3A_9, %add3A_1613 : i32
    %get3A_1615 = arith.index_cast %arg1 : i32 to index
    %get3A_1616 = arith.index_cast %add3A_1614 : i32 to index
    %get3A_1617 = memref.load %arg3[%get3A_1615, %get3A_1616] : memref<4x1024xf32, #tpu.memory_space<smem>>
    %get3A_1618 = arith.constant 0 : index
    %get3A_1619 = arith.constant 59 : index
    %get3A_1620 = arith.constant 0 : index
    %get3A_1621 = arith.constant 0 : index
    %get3A_1622 = vector.load %arg4[%get3A_1618, %get3A_1619, %get3A_1620, %get3A_1621] : memref<1x128x4x2048xf32, #tpu.memory_space<vmem>>, vector<1x1x4x2048xf32>
    %get3A_1623 = vector.shape_cast %get3A_1622 : vector<1x1x4x2048xf32> to vector<4x2048xf32>
    %get3A_1624 = arith.index_cast %select_n3A_21 : i32 to index
    %get3A_1625 = arith.constant 59 : index
    %get3A_1626 = arith.constant 0 : index
    %get3A_1627 = arith.constant 0 : index
    %get3A_1628 = vector.load %arg6[%get3A_1624, %get3A_1625, %get3A_1626, %get3A_1627] : memref<2x128x4x2048xf32, #tpu.memory_space<vmem>>, vector<1x1x4x2048xf32>
    %get3A_1629 = vector.shape_cast %get3A_1628 : vector<1x1x4x2048xf32> to vector<4x2048xf32>
    %add3A_1630 = arith.addf %get3A_1623, %get3A_1629 : vector<4x2048xf32>
    %add3A_1631 = vector.broadcast %get3A_1617 : f32 to vector<4x2048xf32>
    %add3A_1632 = arith.addf %add3A_1630, %add3A_1631 : vector<4x2048xf32>
    %swap3A_1633 = arith.constant 0 : index
    %swap3A_1634 = arith.constant 59 : index
    %swap3A_1635 = arith.constant 0 : index
    %swap3A_1636 = arith.constant 0 : index
    %swap3A_1637 = vector.load %arg5[%swap3A_1633, %swap3A_1634, %swap3A_1635, %swap3A_1636] : memref<1x128x4x2048xf32, #tpu.memory_space<vmem>>, vector<1x1x4x2048xf32>
    %swap3A_1638 = vector.shape_cast %swap3A_1637 : vector<1x1x4x2048xf32> to vector<4x2048xf32>
    %swap3A_1639 = vector.shape_cast %add3A_1632 : vector<4x2048xf32> to vector<1x1x4x2048xf32>
    tpu.vector_store %arg5[%swap3A_1633, %swap3A_1634, %swap3A_1635, %swap3A_1636], %swap3A_1639 {strides = array<i32>} : memref<1x128x4x2048xf32, #tpu.memory_space<vmem>>, vector<1x1x4x2048xf32>,
    %add3A_1640 = arith.constant 60 : i32
    %add3A_1641 = arith.addi %mul3A_9, %add3A_1640 : i32
    %get3A_1642 = arith.index_cast %arg1 : i32 to index
    %get3A_1643 = arith.index_cast %add3A_1641 : i32 to index
    %get3A_1644 = memref.load %arg3[%get3A_1642, %get3A_1643] : memref<4x1024xf32, #tpu.memory_space<smem>>
    %get3A_1645 = arith.constant 0 : index
    %get3A_1646 = arith.constant 60 : index
    %get3A_1647 = arith.constant 0 : index
    %get3A_1648 = arith.constant 0 : index
    %get3A_1649 = vector.load %arg4[%get3A_1645, %get3A_1646, %get3A_1647, %get3A_1648] : memref<1x128x4x2048xf32, #tpu.memory_space<vmem>>, vector<1x1x4x2048xf32>
    %get3A_1650 = vector.shape_cast %get3A_1649 : vector<1x1x4x2048xf32> to vector<4x2048xf32>
    %get3A_1651 = arith.index_cast %select_n3A_21 : i32 to index
    %get3A_1652 = arith.constant 60 : index
    %get3A_1653 = arith.constant 0 : index
    %get3A_1654 = arith.constant 0 : index
    %get3A_1655 = vector.load %arg6[%get3A_1651, %get3A_1652, %get3A_1653, %get3A_1654] : memref<2x128x4x2048xf32, #tpu.memory_space<vmem>>, vector<1x1x4x2048xf32>
    %get3A_1656 = vector.shape_cast %get3A_1655 : vector<1x1x4x2048xf32> to vector<4x2048xf32>
    %add3A_1657 = arith.addf %get3A_1650, %get3A_1656 : vector<4x2048xf32>
    %add3A_1658 = vector.broadcast %get3A_1644 : f32 to vector<4x2048xf32>
    %add3A_1659 = arith.addf %add3A_1657, %add3A_1658 : vector<4x2048xf32>
    %swap3A_1660 = arith.constant 0 : index
    %swap3A_1661 = arith.constant 60 : index
    %swap3A_1662 = arith.constant 0 : index
    %swap3A_1663 = arith.constant 0 : index
    %swap3A_1664 = vector.load %arg5[%swap3A_1660, %swap3A_1661, %swap3A_1662, %swap3A_1663] : memref<1x128x4x2048xf32, #tpu.memory_space<vmem>>, vector<1x1x4x2048xf32>
    %swap3A_1665 = vector.shape_cast %swap3A_1664 : vector<1x1x4x2048xf32> to vector<4x2048xf32>
    %swap3A_1666 = vector.shape_cast %add3A_1659 : vector<4x2048xf32> to vector<1x1x4x2048xf32>
    tpu.vector_store %arg5[%swap3A_1660, %swap3A_1661, %swap3A_1662, %swap3A_1663], %swap3A_1666 {strides = array<i32>} : memref<1x128x4x2048xf32, #tpu.memory_space<vmem>>, vector<1x1x4x2048xf32>,
    %add3A_1667 = arith.constant 61 : i32
    %add3A_1668 = arith.addi %mul3A_9, %add3A_1667 : i32
    %get3A_1669 = arith.index_cast %arg1 : i32 to index
    %get3A_1670 = arith.index_cast %add3A_1668 : i32 to index
    %get3A_1671 = memref.load %arg3[%get3A_1669, %get3A_1670] : memref<4x1024xf32, #tpu.memory_space<smem>>
    %get3A_1672 = arith.constant 0 : index
    %get3A_1673 = arith.constant 61 : index
    %get3A_1674 = arith.constant 0 : index
    %get3A_1675 = arith.constant 0 : index
    %get3A_1676 = vector.load %arg4[%get3A_1672, %get3A_1673, %get3A_1674, %get3A_1675] : memref<1x128x4x2048xf32, #tpu.memory_space<vmem>>, vector<1x1x4x2048xf32>
    %get3A_1677 = vector.shape_cast %get3A_1676 : vector<1x1x4x2048xf32> to vector<4x2048xf32>
    %get3A_1678 = arith.index_cast %select_n3A_21 : i32 to index
    %get3A_1679 = arith.constant 61 : index
    %get3A_1680 = arith.constant 0 : index
    %get3A_1681 = arith.constant 0 : index
    %get3A_1682 = vector.load %arg6[%get3A_1678, %get3A_1679, %get3A_1680, %get3A_1681] : memref<2x128x4x2048xf32, #tpu.memory_space<vmem>>, vector<1x1x4x2048xf32>
    %get3A_1683 = vector.shape_cast %get3A_1682 : vector<1x1x4x2048xf32> to vector<4x2048xf32>
    %add3A_1684 = arith.addf %get3A_1677, %get3A_1683 : vector<4x2048xf32>
    %add3A_1685 = vector.broadcast %get3A_1671 : f32 to vector<4x2048xf32>
    %add3A_1686 = arith.addf %add3A_1684, %add3A_1685 : vector<4x2048xf32>
    %swap3A_1687 = arith.constant 0 : index
    %swap3A_1688 = arith.constant 61 : index
    %swap3A_1689 = arith.constant 0 : index
    %swap3A_1690 = arith.constant 0 : index
    %swap3A_1691 = vector.load %arg5[%swap3A_1687, %swap3A_1688, %swap3A_1689, %swap3A_1690] : memref<1x128x4x2048xf32, #tpu.memory_space<vmem>>, vector<1x1x4x2048xf32>
    %swap3A_1692 = vector.shape_cast %swap3A_1691 : vector<1x1x4x2048xf32> to vector<4x2048xf32>
    %swap3A_1693 = vector.shape_cast %add3A_1686 : vector<4x2048xf32> to vector<1x1x4x2048xf32>
    tpu.vector_store %arg5[%swap3A_1687, %swap3A_1688, %swap3A_1689, %swap3A_1690], %swap3A_1693 {strides = array<i32>} : memref<1x128x4x2048xf32, #tpu.memory_space<vmem>>, vector<1x1x4x2048xf32>,
    %add3A_1694 = arith.constant 62 : i32
    %add3A_1695 = arith.addi %mul3A_9, %add3A_1694 : i32
    %get3A_1696 = arith.index_cast %arg1 : i32 to index
    %get3A_1697 = arith.index_cast %add3A_1695 : i32 to index
    %get3A_1698 = memref.load %arg3[%get3A_1696, %get3A_1697] : memref<4x1024xf32, #tpu.memory_space<smem>>
    %get3A_1699 = arith.constant 0 : index
    %get3A_1700 = arith.constant 62 : index
    %get3A_1701 = arith.constant 0 : index
    %get3A_1702 = arith.constant 0 : index
    %get3A_1703 = vector.load %arg4[%get3A_1699, %get3A_1700, %get3A_1701, %get3A_1702] : memref<1x128x4x2048xf32, #tpu.memory_space<vmem>>, vector<1x1x4x2048xf32>
    %get3A_1704 = vector.shape_cast %get3A_1703 : vector<1x1x4x2048xf32> to vector<4x2048xf32>
    %get3A_1705 = arith.index_cast %select_n3A_21 : i32 to index
    %get3A_1706 = arith.constant 62 : index
    %get3A_1707 = arith.constant 0 : index
    %get3A_1708 = arith.constant 0 : index
    %get3A_1709 = vector.load %arg6[%get3A_1705, %get3A_1706, %get3A_1707, %get3A_1708] : memref<2x128x4x2048xf32, #tpu.memory_space<vmem>>, vector<1x1x4x2048xf32>
    %get3A_1710 = vector.shape_cast %get3A_1709 : vector<1x1x4x2048xf32> to vector<4x2048xf32>
    %add3A_1711 = arith.addf %get3A_1704, %get3A_1710 : vector<4x2048xf32>
    %add3A_1712 = vector.broadcast %get3A_1698 : f32 to vector<4x2048xf32>
    %add3A_1713 = arith.addf %add3A_1711, %add3A_1712 : vector<4x2048xf32>
    %swap3A_1714 = arith.constant 0 : index
    %swap3A_1715 = arith.constant 62 : index
    %swap3A_1716 = arith.constant 0 : index
    %swap3A_1717 = arith.constant 0 : index
    %swap3A_1718 = vector.load %arg5[%swap3A_1714, %swap3A_1715, %swap3A_1716, %swap3A_1717] : memref<1x128x4x2048xf32, #tpu.memory_space<vmem>>, vector<1x1x4x2048xf32>
    %swap3A_1719 = vector.shape_cast %swap3A_1718 : vector<1x1x4x2048xf32> to vector<4x2048xf32>
    %swap3A_1720 = vector.shape_cast %add3A_1713 : vector<4x2048xf32> to vector<1x1x4x2048xf32>
    tpu.vector_store %arg5[%swap3A_1714, %swap3A_1715, %swap3A_1716, %swap3A_1717], %swap3A_1720 {strides = array<i32>} : memref<1x128x4x2048xf32, #tpu.memory_space<vmem>>, vector<1x1x4x2048xf32>,
    %add3A_1721 = arith.constant 63 : i32
    %add3A_1722 = arith.addi %mul3A_9, %add3A_1721 : i32
    %get3A_1723 = arith.index_cast %arg1 : i32 to index
    %get3A_1724 = arith.index_cast %add3A_1722 : i32 to index
    %get3A_1725 = memref.load %arg3[%get3A_1723, %get3A_1724] : memref<4x1024xf32, #tpu.memory_space<smem>>
    %get3A_1726 = arith.constant 0 : index
    %get3A_1727 = arith.constant 63 : index
    %get3A_1728 = arith.constant 0 : index
    %get3A_1729 = arith.constant 0 : index
    %get3A_1730 = vector.load %arg4[%get3A_1726, %get3A_1727, %get3A_1728, %get3A_1729] : memref<1x128x4x2048xf32, #tpu.memory_space<vmem>>, vector<1x1x4x2048xf32>
    %get3A_1731 = vector.shape_cast %get3A_1730 : vector<1x1x4x2048xf32> to vector<4x2048xf32>
    %get3A_1732 = arith.index_cast %select_n3A_21 : i32 to index
    %get3A_1733 = arith.constant 63 : index
    %get3A_1734 = arith.constant 0 : index
    %get3A_1735 = arith.constant 0 : index
    %get3A_1736 = vector.load %arg6[%get3A_1732, %get3A_1733, %get3A_1734, %get3A_1735] : memref<2x128x4x2048xf32, #tpu.memory_space<vmem>>, vector<1x1x4x2048xf32>
    %get3A_1737 = vector.shape_cast %get3A_1736 : vector<1x1x4x2048xf32> to vector<4x2048xf32>
    %add3A_1738 = arith.addf %get3A_1731, %get3A_1737 : vector<4x2048xf32>
    %add3A_1739 = vector.broadcast %get3A_1725 : f32 to vector<4x2048xf32>
    %add3A_1740 = arith.addf %add3A_1738, %add3A_1739 : vector<4x2048xf32>
    %swap3A_1741 = arith.constant 0 : index
    %swap3A_1742 = arith.constant 63 : index
    %swap3A_1743 = arith.constant 0 : index
    %swap3A_1744 = arith.constant 0 : index
    %swap3A_1745 = vector.load %arg5[%swap3A_1741, %swap3A_1742, %swap3A_1743, %swap3A_1744] : memref<1x128x4x2048xf32, #tpu.memory_space<vmem>>, vector<1x1x4x2048xf32>
    %swap3A_1746 = vector.shape_cast %swap3A_1745 : vector<1x1x4x2048xf32> to vector<4x2048xf32>
    %swap3A_1747 = vector.shape_cast %add3A_1740 : vector<4x2048xf32> to vector<1x1x4x2048xf32>
    tpu.vector_store %arg5[%swap3A_1741, %swap3A_1742, %swap3A_1743, %swap3A_1744], %swap3A_1747 {strides = array<i32>} : memref<1x128x4x2048xf32, #tpu.memory_space<vmem>>, vector<1x1x4x2048xf32>,
    %add3A_1748 = arith.constant 64 : i32
    %add3A_1749 = arith.addi %mul3A_9, %add3A_1748 : i32
    %get3A_1750 = arith.index_cast %arg1 : i32 to index
    %get3A_1751 = arith.index_cast %add3A_1749 : i32 to index
    %get3A_1752 = memref.load %arg3[%get3A_1750, %get3A_1751] : memref<4x1024xf32, #tpu.memory_space<smem>>
    %get3A_1753 = arith.constant 0 : index
    %get3A_1754 = arith.constant 64 : index
    %get3A_1755 = arith.constant 0 : index
    %get3A_1756 = arith.constant 0 : index
    %get3A_1757 = vector.load %arg4[%get3A_1753, %get3A_1754, %get3A_1755, %get3A_1756] : memref<1x128x4x2048xf32, #tpu.memory_space<vmem>>, vector<1x1x4x2048xf32>
    %get3A_1758 = vector.shape_cast %get3A_1757 : vector<1x1x4x2048xf32> to vector<4x2048xf32>
    %get3A_1759 = arith.index_cast %select_n3A_21 : i32 to index
    %get3A_1760 = arith.constant 64 : index
    %get3A_1761 = arith.constant 0 : index
    %get3A_1762 = arith.constant 0 : index
    %get3A_1763 = vector.load %arg6[%get3A_1759, %get3A_1760, %get3A_1761, %get3A_1762] : memref<2x128x4x2048xf32, #tpu.memory_space<vmem>>, vector<1x1x4x2048xf32>
    %get3A_1764 = vector.shape_cast %get3A_1763 : vector<1x1x4x2048xf32> to vector<4x2048xf32>
    %add3A_1765 = arith.addf %get3A_1758, %get3A_1764 : vector<4x2048xf32>
    %add3A_1766 = vector.broadcast %get3A_1752 : f32 to vector<4x2048xf32>
    %add3A_1767 = arith.addf %add3A_1765, %add3A_1766 : vector<4x2048xf32>
    %swap3A_1768 = arith.constant 0 : index
    %swap3A_1769 = arith.constant 64 : index
    %swap3A_1770 = arith.constant 0 : index
    %swap3A_1771 = arith.constant 0 : index
    %swap3A_1772 = vector.load %arg5[%swap3A_1768, %swap3A_1769, %swap3A_1770, %swap3A_1771] : memref<1x128x4x2048xf32, #tpu.memory_space<vmem>>, vector<1x1x4x2048xf32>
    %swap3A_1773 = vector.shape_cast %swap3A_1772 : vector<1x1x4x2048xf32> to vector<4x2048xf32>
    %swap3A_1774 = vector.shape_cast %add3A_1767 : vector<4x2048xf32> to vector<1x1x4x2048xf32>
    tpu.vector_store %arg5[%swap3A_1768, %swap3A_1769, %swap3A_1770, %swap3A_1771], %swap3A_1774 {strides = array<i32>} : memref<1x128x4x2048xf32, #tpu.memory_space<vmem>>, vector<1x1x4x2048xf32>,
    %add3A_1775 = arith.constant 65 : i32
    %add3A_1776 = arith.addi %mul3A_9, %add3A_1775 : i32
    %get3A_1777 = arith.index_cast %arg1 : i32 to index
    %get3A_1778 = arith.index_cast %add3A_1776 : i32 to index
    %get3A_1779 = memref.load %arg3[%get3A_1777, %get3A_1778] : memref<4x1024xf32, #tpu.memory_space<smem>>
    %get3A_1780 = arith.constant 0 : index
    %get3A_1781 = arith.constant 65 : index
    %get3A_1782 = arith.constant 0 : index
    %get3A_1783 = arith.constant 0 : index
    %get3A_1784 = vector.load %arg4[%get3A_1780, %get3A_1781, %get3A_1782, %get3A_1783] : memref<1x128x4x2048xf32, #tpu.memory_space<vmem>>, vector<1x1x4x2048xf32>
    %get3A_1785 = vector.shape_cast %get3A_1784 : vector<1x1x4x2048xf32> to vector<4x2048xf32>
    %get3A_1786 = arith.index_cast %select_n3A_21 : i32 to index
    %get3A_1787 = arith.constant 65 : index
    %get3A_1788 = arith.constant 0 : index
    %get3A_1789 = arith.constant 0 : index
    %get3A_1790 = vector.load %arg6[%get3A_1786, %get3A_1787, %get3A_1788, %get3A_1789] : memref<2x128x4x2048xf32, #tpu.memory_space<vmem>>, vector<1x1x4x2048xf32>
    %get3A_1791 = vector.shape_cast %get3A_1790 : vector<1x1x4x2048xf32> to vector<4x2048xf32>
    %add3A_1792 = arith.addf %get3A_1785, %get3A_1791 : vector<4x2048xf32>
    %add3A_1793 = vector.broadcast %get3A_1779 : f32 to vector<4x2048xf32>
    %add3A_1794 = arith.addf %add3A_1792, %add3A_1793 : vector<4x2048xf32>
    %swap3A_1795 = arith.constant 0 : index
    %swap3A_1796 = arith.constant 65 : index
    %swap3A_1797 = arith.constant 0 : index
    %swap3A_1798 = arith.constant 0 : index
    %swap3A_1799 = vector.load %arg5[%swap3A_1795, %swap3A_1796, %swap3A_1797, %swap3A_1798] : memref<1x128x4x2048xf32, #tpu.memory_space<vmem>>, vector<1x1x4x2048xf32>
    %swap3A_1800 = vector.shape_cast %swap3A_1799 : vector<1x1x4x2048xf32> to vector<4x2048xf32>
    %swap3A_1801 = vector.shape_cast %add3A_1794 : vector<4x2048xf32> to vector<1x1x4x2048xf32>
    tpu.vector_store %arg5[%swap3A_1795, %swap3A_1796, %swap3A_1797, %swap3A_1798], %swap3A_1801 {strides = array<i32>} : memref<1x128x4x2048xf32, #tpu.memory_space<vmem>>, vector<1x1x4x2048xf32>,
    %add3A_1802 = arith.constant 66 : i32
    %add3A_1803 = arith.addi %mul3A_9, %add3A_1802 : i32
    %get3A_1804 = arith.index_cast %arg1 : i32 to index
    %get3A_1805 = arith.index_cast %add3A_1803 : i32 to index
    %get3A_1806 = memref.load %arg3[%get3A_1804, %get3A_1805] : memref<4x1024xf32, #tpu.memory_space<smem>>
    %get3A_1807 = arith.constant 0 : index
    %get3A_1808 = arith.constant 66 : index
    %get3A_1809 = arith.constant 0 : index
    %get3A_1810 = arith.constant 0 : index
    %get3A_1811 = vector.load %arg4[%get3A_1807, %get3A_1808, %get3A_1809, %get3A_1810] : memref<1x128x4x2048xf32, #tpu.memory_space<vmem>>, vector<1x1x4x2048xf32>
    %get3A_1812 = vector.shape_cast %get3A_1811 : vector<1x1x4x2048xf32> to vector<4x2048xf32>
    %get3A_1813 = arith.index_cast %select_n3A_21 : i32 to index
    %get3A_1814 = arith.constant 66 : index
    %get3A_1815 = arith.constant 0 : index
    %get3A_1816 = arith.constant 0 : index
    %get3A_1817 = vector.load %arg6[%get3A_1813, %get3A_1814, %get3A_1815, %get3A_1816] : memref<2x128x4x2048xf32, #tpu.memory_space<vmem>>, vector<1x1x4x2048xf32>
    %get3A_1818 = vector.shape_cast %get3A_1817 : vector<1x1x4x2048xf32> to vector<4x2048xf32>
    %add3A_1819 = arith.addf %get3A_1812, %get3A_1818 : vector<4x2048xf32>
    %add3A_1820 = vector.broadcast %get3A_1806 : f32 to vector<4x2048xf32>
    %add3A_1821 = arith.addf %add3A_1819, %add3A_1820 : vector<4x2048xf32>
    %swap3A_1822 = arith.constant 0 : index
    %swap3A_1823 = arith.constant 66 : index
    %swap3A_1824 = arith.constant 0 : index
    %swap3A_1825 = arith.constant 0 : index
    %swap3A_1826 = vector.load %arg5[%swap3A_1822, %swap3A_1823, %swap3A_1824, %swap3A_1825] : memref<1x128x4x2048xf32, #tpu.memory_space<vmem>>, vector<1x1x4x2048xf32>
    %swap3A_1827 = vector.shape_cast %swap3A_1826 : vector<1x1x4x2048xf32> to vector<4x2048xf32>
    %swap3A_1828 = vector.shape_cast %add3A_1821 : vector<4x2048xf32> to vector<1x1x4x2048xf32>
    tpu.vector_store %arg5[%swap3A_1822, %swap3A_1823, %swap3A_1824, %swap3A_1825], %swap3A_1828 {strides = array<i32>} : memref<1x128x4x2048xf32, #tpu.memory_space<vmem>>, vector<1x1x4x2048xf32>,
    %add3A_1829 = arith.constant 67 : i32
    %add3A_1830 = arith.addi %mul3A_9, %add3A_1829 : i32
    %get3A_1831 = arith.index_cast %arg1 : i32 to index
    %get3A_1832 = arith.index_cast %add3A_1830 : i32 to index
    %get3A_1833 = memref.load %arg3[%get3A_1831, %get3A_1832] : memref<4x1024xf32, #tpu.memory_space<smem>>
    %get3A_1834 = arith.constant 0 : index
    %get3A_1835 = arith.constant 67 : index
    %get3A_1836 = arith.constant 0 : index
    %get3A_1837 = arith.constant 0 : index
    %get3A_1838 = vector.load %arg4[%get3A_1834, %get3A_1835, %get3A_1836, %get3A_1837] : memref<1x128x4x2048xf32, #tpu.memory_space<vmem>>, vector<1x1x4x2048xf32>
    %get3A_1839 = vector.shape_cast %get3A_1838 : vector<1x1x4x2048xf32> to vector<4x2048xf32>
    %get3A_1840 = arith.index_cast %select_n3A_21 : i32 to index
    %get3A_1841 = arith.constant 67 : index
    %get3A_1842 = arith.constant 0 : index
    %get3A_1843 = arith.constant 0 : index
    %get3A_1844 = vector.load %arg6[%get3A_1840, %get3A_1841, %get3A_1842, %get3A_1843] : memref<2x128x4x2048xf32, #tpu.memory_space<vmem>>, vector<1x1x4x2048xf32>
    %get3A_1845 = vector.shape_cast %get3A_1844 : vector<1x1x4x2048xf32> to vector<4x2048xf32>
    %add3A_1846 = arith.addf %get3A_1839, %get3A_1845 : vector<4x2048xf32>
    %add3A_1847 = vector.broadcast %get3A_1833 : f32 to vector<4x2048xf32>
    %add3A_1848 = arith.addf %add3A_1846, %add3A_1847 : vector<4x2048xf32>
    %swap3A_1849 = arith.constant 0 : index
    %swap3A_1850 = arith.constant 67 : index
    %swap3A_1851 = arith.constant 0 : index
    %swap3A_1852 = arith.constant 0 : index
    %swap3A_1853 = vector.load %arg5[%swap3A_1849, %swap3A_1850, %swap3A_1851, %swap3A_1852] : memref<1x128x4x2048xf32, #tpu.memory_space<vmem>>, vector<1x1x4x2048xf32>
    %swap3A_1854 = vector.shape_cast %swap3A_1853 : vector<1x1x4x2048xf32> to vector<4x2048xf32>
    %swap3A_1855 = vector.shape_cast %add3A_1848 : vector<4x2048xf32> to vector<1x1x4x2048xf32>
    tpu.vector_store %arg5[%swap3A_1849, %swap3A_1850, %swap3A_1851, %swap3A_1852], %swap3A_1855 {strides = array<i32>} : memref<1x128x4x2048xf32, #tpu.memory_space<vmem>>, vector<1x1x4x2048xf32>,
    %add3A_1856 = arith.constant 68 : i32
    %add3A_1857 = arith.addi %mul3A_9, %add3A_1856 : i32
    %get3A_1858 = arith.index_cast %arg1 : i32 to index
    %get3A_1859 = arith.index_cast %add3A_1857 : i32 to index
    %get3A_1860 = memref.load %arg3[%get3A_1858, %get3A_1859] : memref<4x1024xf32, #tpu.memory_space<smem>>
    %get3A_1861 = arith.constant 0 : index
    %get3A_1862 = arith.constant 68 : index
    %get3A_1863 = arith.constant 0 : index
    %get3A_1864 = arith.constant 0 : index
    %get3A_1865 = vector.load %arg4[%get3A_1861, %get3A_1862, %get3A_1863, %get3A_1864] : memref<1x128x4x2048xf32, #tpu.memory_space<vmem>>, vector<1x1x4x2048xf32>
    %get3A_1866 = vector.shape_cast %get3A_1865 : vector<1x1x4x2048xf32> to vector<4x2048xf32>
    %get3A_1867 = arith.index_cast %select_n3A_21 : i32 to index
    %get3A_1868 = arith.constant 68 : index
    %get3A_1869 = arith.constant 0 : index
    %get3A_1870 = arith.constant 0 : index
    %get3A_1871 = vector.load %arg6[%get3A_1867, %get3A_1868, %get3A_1869, %get3A_1870] : memref<2x128x4x2048xf32, #tpu.memory_space<vmem>>, vector<1x1x4x2048xf32>
    %get3A_1872 = vector.shape_cast %get3A_1871 : vector<1x1x4x2048xf32> to vector<4x2048xf32>
    %add3A_1873 = arith.addf %get3A_1866, %get3A_1872 : vector<4x2048xf32>
    %add3A_1874 = vector.broadcast %get3A_1860 : f32 to vector<4x2048xf32>
    %add3A_1875 = arith.addf %add3A_1873, %add3A_1874 : vector<4x2048xf32>
    %swap3A_1876 = arith.constant 0 : index
    %swap3A_1877 = arith.constant 68 : index
    %swap3A_1878 = arith.constant 0 : index
    %swap3A_1879 = arith.constant 0 : index
    %swap3A_1880 = vector.load %arg5[%swap3A_1876, %swap3A_1877, %swap3A_1878, %swap3A_1879] : memref<1x128x4x2048xf32, #tpu.memory_space<vmem>>, vector<1x1x4x2048xf32>
    %swap3A_1881 = vector.shape_cast %swap3A_1880 : vector<1x1x4x2048xf32> to vector<4x2048xf32>
    %swap3A_1882 = vector.shape_cast %add3A_1875 : vector<4x2048xf32> to vector<1x1x4x2048xf32>
    tpu.vector_store %arg5[%swap3A_1876, %swap3A_1877, %swap3A_1878, %swap3A_1879], %swap3A_1882 {strides = array<i32>} : memref<1x128x4x2048xf32, #tpu.memory_space<vmem>>, vector<1x1x4x2048xf32>,
    %add3A_1883 = arith.constant 69 : i32
    %add3A_1884 = arith.addi %mul3A_9, %add3A_1883 : i32
    %get3A_1885 = arith.index_cast %arg1 : i32 to index
    %get3A_1886 = arith.index_cast %add3A_1884 : i32 to index
    %get3A_1887 = memref.load %arg3[%get3A_1885, %get3A_1886] : memref<4x1024xf32, #tpu.memory_space<smem>>
    %get3A_1888 = arith.constant 0 : index
    %get3A_1889 = arith.constant 69 : index
    %get3A_1890 = arith.constant 0 : index
    %get3A_1891 = arith.constant 0 : index
    %get3A_1892 = vector.load %arg4[%get3A_1888, %get3A_1889, %get3A_1890, %get3A_1891] : memref<1x128x4x2048xf32, #tpu.memory_space<vmem>>, vector<1x1x4x2048xf32>
    %get3A_1893 = vector.shape_cast %get3A_1892 : vector<1x1x4x2048xf32> to vector<4x2048xf32>
    %get3A_1894 = arith.index_cast %select_n3A_21 : i32 to index
    %get3A_1895 = arith.constant 69 : index
    %get3A_1896 = arith.constant 0 : index
    %get3A_1897 = arith.constant 0 : index
    %get3A_1898 = vector.load %arg6[%get3A_1894, %get3A_1895, %get3A_1896, %get3A_1897] : memref<2x128x4x2048xf32, #tpu.memory_space<vmem>>, vector<1x1x4x2048xf32>
    %get3A_1899 = vector.shape_cast %get3A_1898 : vector<1x1x4x2048xf32> to vector<4x2048xf32>
    %add3A_1900 = arith.addf %get3A_1893, %get3A_1899 : vector<4x2048xf32>
    %add3A_1901 = vector.broadcast %get3A_1887 : f32 to vector<4x2048xf32>
    %add3A_1902 = arith.addf %add3A_1900, %add3A_1901 : vector<4x2048xf32>
    %swap3A_1903 = arith.constant 0 : index
    %swap3A_1904 = arith.constant 69 : index
    %swap3A_1905 = arith.constant 0 : index
    %swap3A_1906 = arith.constant 0 : index
    %swap3A_1907 = vector.load %arg5[%swap3A_1903, %swap3A_1904, %swap3A_1905, %swap3A_1906] : memref<1x128x4x2048xf32, #tpu.memory_space<vmem>>, vector<1x1x4x2048xf32>
    %swap3A_1908 = vector.shape_cast %swap3A_1907 : vector<1x1x4x2048xf32> to vector<4x2048xf32>
    %swap3A_1909 = vector.shape_cast %add3A_1902 : vector<4x2048xf32> to vector<1x1x4x2048xf32>
    tpu.vector_store %arg5[%swap3A_1903, %swap3A_1904, %swap3A_1905, %swap3A_1906], %swap3A_1909 {strides = array<i32>} : memref<1x128x4x2048xf32, #tpu.memory_space<vmem>>, vector<1x1x4x2048xf32>,
    %add3A_1910 = arith.constant 70 : i32
    %add3A_1911 = arith.addi %mul3A_9, %add3A_1910 : i32
    %get3A_1912 = arith.index_cast %arg1 : i32 to index
    %get3A_1913 = arith.index_cast %add3A_1911 : i32 to index
    %get3A_1914 = memref.load %arg3[%get3A_1912, %get3A_1913] : memref<4x1024xf32, #tpu.memory_space<smem>>
    %get3A_1915 = arith.constant 0 : index
    %get3A_1916 = arith.constant 70 : index
    %get3A_1917 = arith.constant 0 : index
    %get3A_1918 = arith.constant 0 : index
    %get3A_1919 = vector.load %arg4[%get3A_1915, %get3A_1916, %get3A_1917, %get3A_1918] : memref<1x128x4x2048xf32, #tpu.memory_space<vmem>>, vector<1x1x4x2048xf32>
    %get3A_1920 = vector.shape_cast %get3A_1919 : vector<1x1x4x2048xf32> to vector<4x2048xf32>
    %get3A_1921 = arith.index_cast %select_n3A_21 : i32 to index
    %get3A_1922 = arith.constant 70 : index
    %get3A_1923 = arith.constant 0 : index
    %get3A_1924 = arith.constant 0 : index
    %get3A_1925 = vector.load %arg6[%get3A_1921, %get3A_1922, %get3A_1923, %get3A_1924] : memref<2x128x4x2048xf32, #tpu.memory_space<vmem>>, vector<1x1x4x2048xf32>
    %get3A_1926 = vector.shape_cast %get3A_1925 : vector<1x1x4x2048xf32> to vector<4x2048xf32>
    %add3A_1927 = arith.addf %get3A_1920, %get3A_1926 : vector<4x2048xf32>
    %add3A_1928 = vector.broadcast %get3A_1914 : f32 to vector<4x2048xf32>
    %add3A_1929 = arith.addf %add3A_1927, %add3A_1928 : vector<4x2048xf32>
    %swap3A_1930 = arith.constant 0 : index
    %swap3A_1931 = arith.constant 70 : index
    %swap3A_1932 = arith.constant 0 : index
    %swap3A_1933 = arith.constant 0 : index
    %swap3A_1934 = vector.load %arg5[%swap3A_1930, %swap3A_1931, %swap3A_1932, %swap3A_1933] : memref<1x128x4x2048xf32, #tpu.memory_space<vmem>>, vector<1x1x4x2048xf32>
    %swap3A_1935 = vector.shape_cast %swap3A_1934 : vector<1x1x4x2048xf32> to vector<4x2048xf32>
    %swap3A_1936 = vector.shape_cast %add3A_1929 : vector<4x2048xf32> to vector<1x1x4x2048xf32>
    tpu.vector_store %arg5[%swap3A_1930, %swap3A_1931, %swap3A_1932, %swap3A_1933], %swap3A_1936 {strides = array<i32>} : memref<1x128x4x2048xf32, #tpu.memory_space<vmem>>, vector<1x1x4x2048xf32>,
    %add3A_1937 = arith.constant 71 : i32
    %add3A_1938 = arith.addi %mul3A_9, %add3A_1937 : i32
    %get3A_1939 = arith.index_cast %arg1 : i32 to index
    %get3A_1940 = arith.index_cast %add3A_1938 : i32 to index
    %get3A_1941 = memref.load %arg3[%get3A_1939, %get3A_1940] : memref<4x1024xf32, #tpu.memory_space<smem>>
    %get3A_1942 = arith.constant 0 : index
    %get3A_1943 = arith.constant 71 : index
    %get3A_1944 = arith.constant 0 : index
    %get3A_1945 = arith.constant 0 : index
    %get3A_1946 = vector.load %arg4[%get3A_1942, %get3A_1943, %get3A_1944, %get3A_1945] : memref<1x128x4x2048xf32, #tpu.memory_space<vmem>>, vector<1x1x4x2048xf32>
    %get3A_1947 = vector.shape_cast %get3A_1946 : vector<1x1x4x2048xf32> to vector<4x2048xf32>
    %get3A_1948 = arith.index_cast %select_n3A_21 : i32 to index
    %get3A_1949 = arith.constant 71 : index
    %get3A_1950 = arith.constant 0 : index
    %get3A_1951 = arith.constant 0 : index
    %get3A_1952 = vector.load %arg6[%get3A_1948, %get3A_1949, %get3A_1950, %get3A_1951] : memref<2x128x4x2048xf32, #tpu.memory_space<vmem>>, vector<1x1x4x2048xf32>
    %get3A_1953 = vector.shape_cast %get3A_1952 : vector<1x1x4x2048xf32> to vector<4x2048xf32>
    %add3A_1954 = arith.addf %get3A_1947, %get3A_1953 : vector<4x2048xf32>
    %add3A_1955 = vector.broadcast %get3A_1941 : f32 to vector<4x2048xf32>
    %add3A_1956 = arith.addf %add3A_1954, %add3A_1955 : vector<4x2048xf32>
    %swap3A_1957 = arith.constant 0 : index
    %swap3A_1958 = arith.constant 71 : index
    %swap3A_1959 = arith.constant 0 : index
    %swap3A_1960 = arith.constant 0 : index
    %swap3A_1961 = vector.load %arg5[%swap3A_1957, %swap3A_1958, %swap3A_1959, %swap3A_1960] : memref<1x128x4x2048xf32, #tpu.memory_space<vmem>>, vector<1x1x4x2048xf32>
    %swap3A_1962 = vector.shape_cast %swap3A_1961 : vector<1x1x4x2048xf32> to vector<4x2048xf32>
    %swap3A_1963 = vector.shape_cast %add3A_1956 : vector<4x2048xf32> to vector<1x1x4x2048xf32>
    tpu.vector_store %arg5[%swap3A_1957, %swap3A_1958, %swap3A_1959, %swap3A_1960], %swap3A_1963 {strides = array<i32>} : memref<1x128x4x2048xf32, #tpu.memory_space<vmem>>, vector<1x1x4x2048xf32>,
    %add3A_1964 = arith.constant 72 : i32
    %add3A_1965 = arith.addi %mul3A_9, %add3A_1964 : i32
    %get3A_1966 = arith.index_cast %arg1 : i32 to index
    %get3A_1967 = arith.index_cast %add3A_1965 : i32 to index
    %get3A_1968 = memref.load %arg3[%get3A_1966, %get3A_1967] : memref<4x1024xf32, #tpu.memory_space<smem>>
    %get3A_1969 = arith.constant 0 : index
    %get3A_1970 = arith.constant 72 : index
    %get3A_1971 = arith.constant 0 : index
    %get3A_1972 = arith.constant 0 : index
    %get3A_1973 = vector.load %arg4[%get3A_1969, %get3A_1970, %get3A_1971, %get3A_1972] : memref<1x128x4x2048xf32, #tpu.memory_space<vmem>>, vector<1x1x4x2048xf32>
    %get3A_1974 = vector.shape_cast %get3A_1973 : vector<1x1x4x2048xf32> to vector<4x2048xf32>
    %get3A_1975 = arith.index_cast %select_n3A_21 : i32 to index
    %get3A_1976 = arith.constant 72 : index
    %get3A_1977 = arith.constant 0 : index
    %get3A_1978 = arith.constant 0 : index
    %get3A_1979 = vector.load %arg6[%get3A_1975, %get3A_1976, %get3A_1977, %get3A_1978] : memref<2x128x4x2048xf32, #tpu.memory_space<vmem>>, vector<1x1x4x2048xf32>
    %get3A_1980 = vector.shape_cast %get3A_1979 : vector<1x1x4x2048xf32> to vector<4x2048xf32>
    %add3A_1981 = arith.addf %get3A_1974, %get3A_1980 : vector<4x2048xf32>
    %add3A_1982 = vector.broadcast %get3A_1968 : f32 to vector<4x2048xf32>
    %add3A_1983 = arith.addf %add3A_1981, %add3A_1982 : vector<4x2048xf32>
    %swap3A_1984 = arith.constant 0 : index
    %swap3A_1985 = arith.constant 72 : index
    %swap3A_1986 = arith.constant 0 : index
    %swap3A_1987 = arith.constant 0 : index
    %swap3A_1988 = vector.load %arg5[%swap3A_1984, %swap3A_1985, %swap3A_1986, %swap3A_1987] : memref<1x128x4x2048xf32, #tpu.memory_space<vmem>>, vector<1x1x4x2048xf32>
    %swap3A_1989 = vector.shape_cast %swap3A_1988 : vector<1x1x4x2048xf32> to vector<4x2048xf32>
    %swap3A_1990 = vector.shape_cast %add3A_1983 : vector<4x2048xf32> to vector<1x1x4x2048xf32>
    tpu.vector_store %arg5[%swap3A_1984, %swap3A_1985, %swap3A_1986, %swap3A_1987], %swap3A_1990 {strides = array<i32>} : memref<1x128x4x2048xf32, #tpu.memory_space<vmem>>, vector<1x1x4x2048xf32>,
    %add3A_1991 = arith.constant 73 : i32
    %add3A_1992 = arith.addi %mul3A_9, %add3A_1991 : i32
    %get3A_1993 = arith.index_cast %arg1 : i32 to index
    %get3A_1994 = arith.index_cast %add3A_1992 : i32 to index
    %get3A_1995 = memref.load %arg3[%get3A_1993, %get3A_1994] : memref<4x1024xf32, #tpu.memory_space<smem>>
    %get3A_1996 = arith.constant 0 : index
    %get3A_1997 = arith.constant 73 : index
    %get3A_1998 = arith.constant 0 : index
    %get3A_1999 = arith.constant 0 : index
    %get3A_2000 = vector.load %arg4[%get3A_1996, %get3A_1997, %get3A_1998, %get3A_1999] : memref<1x128x4x2048xf32, #tpu.memory_space<vmem>>, vector<1x1x4x2048xf32>
    %get3A_2001 = vector.shape_cast %get3A_2000 : vector<1x1x4x2048xf32> to vector<4x2048xf32>
    %get3A_2002 = arith.index_cast %select_n3A_21 : i32 to index
    %get3A_2003 = arith.constant 73 : index
    %get3A_2004 = arith.constant 0 : index
    %get3A_2005 = arith.constant 0 : index
    %get3A_2006 = vector.load %arg6[%get3A_2002, %get3A_2003, %get3A_2004, %get3A_2005] : memref<2x128x4x2048xf32, #tpu.memory_space<vmem>>, vector<1x1x4x2048xf32>
    %get3A_2007 = vector.shape_cast %get3A_2006 : vector<1x1x4x2048xf32> to vector<4x2048xf32>
    %add3A_2008 = arith.addf %get3A_2001, %get3A_2007 : vector<4x2048xf32>
    %add3A_2009 = vector.broadcast %get3A_1995 : f32 to vector<4x2048xf32>
    %add3A_2010 = arith.addf %add3A_2008, %add3A_2009 : vector<4x2048xf32>
    %swap3A_2011 = arith.constant 0 : index
    %swap3A_2012 = arith.constant 73 : index
    %swap3A_2013 = arith.constant 0 : index
    %swap3A_2014 = arith.constant 0 : index
    %swap3A_2015 = vector.load %arg5[%swap3A_2011, %swap3A_2012, %swap3A_2013, %swap3A_2014] : memref<1x128x4x2048xf32, #tpu.memory_space<vmem>>, vector<1x1x4x2048xf32>
    %swap3A_2016 = vector.shape_cast %swap3A_2015 : vector<1x1x4x2048xf32> to vector<4x2048xf32>
    %swap3A_2017 = vector.shape_cast %add3A_2010 : vector<4x2048xf32> to vector<1x1x4x2048xf32>
    tpu.vector_store %arg5[%swap3A_2011, %swap3A_2012, %swap3A_2013, %swap3A_2014], %swap3A_2017 {strides = array<i32>} : memref<1x128x4x2048xf32, #tpu.memory_space<vmem>>, vector<1x1x4x2048xf32>,
    %add3A_2018 = arith.constant 74 : i32
    %add3A_2019 = arith.addi %mul3A_9, %add3A_2018 : i32
    %get3A_2020 = arith.index_cast %arg1 : i32 to index
    %get3A_2021 = arith.index_cast %add3A_2019 : i32 to index
    %get3A_2022 = memref.load %arg3[%get3A_2020, %get3A_2021] : memref<4x1024xf32, #tpu.memory_space<smem>>
    %get3A_2023 = arith.constant 0 : index
    %get3A_2024 = arith.constant 74 : index
    %get3A_2025 = arith.constant 0 : index
    %get3A_2026 = arith.constant 0 : index
    %get3A_2027 = vector.load %arg4[%get3A_2023, %get3A_2024, %get3A_2025, %get3A_2026] : memref<1x128x4x2048xf32, #tpu.memory_space<vmem>>, vector<1x1x4x2048xf32>
    %get3A_2028 = vector.shape_cast %get3A_2027 : vector<1x1x4x2048xf32> to vector<4x2048xf32>
    %get3A_2029 = arith.index_cast %select_n3A_21 : i32 to index
    %get3A_2030 = arith.constant 74 : index
    %get3A_2031 = arith.constant 0 : index
    %get3A_2032 = arith.constant 0 : index
    %get3A_2033 = vector.load %arg6[%get3A_2029, %get3A_2030, %get3A_2031, %get3A_2032] : memref<2x128x4x2048xf32, #tpu.memory_space<vmem>>, vector<1x1x4x2048xf32>
    %get3A_2034 = vector.shape_cast %get3A_2033 : vector<1x1x4x2048xf32> to vector<4x2048xf32>
    %add3A_2035 = arith.addf %get3A_2028, %get3A_2034 : vector<4x2048xf32>
    %add3A_2036 = vector.broadcast %get3A_2022 : f32 to vector<4x2048xf32>
    %add3A_2037 = arith.addf %add3A_2035, %add3A_2036 : vector<4x2048xf32>
    %swap3A_2038 = arith.constant 0 : index
    %swap3A_2039 = arith.constant 74 : index
    %swap3A_2040 = arith.constant 0 : index
    %swap3A_2041 = arith.constant 0 : index
    %swap3A_2042 = vector.load %arg5[%swap3A_2038, %swap3A_2039, %swap3A_2040, %swap3A_2041] : memref<1x128x4x2048xf32, #tpu.memory_space<vmem>>, vector<1x1x4x2048xf32>
    %swap3A_2043 = vector.shape_cast %swap3A_2042 : vector<1x1x4x2048xf32> to vector<4x2048xf32>
    %swap3A_2044 = vector.shape_cast %add3A_2037 : vector<4x2048xf32> to vector<1x1x4x2048xf32>
    tpu.vector_store %arg5[%swap3A_2038, %swap3A_2039, %swap3A_2040, %swap3A_2041], %swap3A_2044 {strides = array<i32>} : memref<1x128x4x2048xf32, #tpu.memory_space<vmem>>, vector<1x1x4x2048xf32>,
    %add3A_2045 = arith.constant 75 : i32
    %add3A_2046 = arith.addi %mul3A_9, %add3A_2045 : i32
    %get3A_2047 = arith.index_cast %arg1 : i32 to index
    %get3A_2048 = arith.index_cast %add3A_2046 : i32 to index
    %get3A_2049 = memref.load %arg3[%get3A_2047, %get3A_2048] : memref<4x1024xf32, #tpu.memory_space<smem>>
    %get3A_2050 = arith.constant 0 : index
    %get3A_2051 = arith.constant 75 : index
    %get3A_2052 = arith.constant 0 : index
    %get3A_2053 = arith.constant 0 : index
    %get3A_2054 = vector.load %arg4[%get3A_2050, %get3A_2051, %get3A_2052, %get3A_2053] : memref<1x128x4x2048xf32, #tpu.memory_space<vmem>>, vector<1x1x4x2048xf32>
    %get3A_2055 = vector.shape_cast %get3A_2054 : vector<1x1x4x2048xf32> to vector<4x2048xf32>
    %get3A_2056 = arith.index_cast %select_n3A_21 : i32 to index
    %get3A_2057 = arith.constant 75 : index
    %get3A_2058 = arith.constant 0 : index
    %get3A_2059 = arith.constant 0 : index
    %get3A_2060 = vector.load %arg6[%get3A_2056, %get3A_2057, %get3A_2058, %get3A_2059] : memref<2x128x4x2048xf32, #tpu.memory_space<vmem>>, vector<1x1x4x2048xf32>
    %get3A_2061 = vector.shape_cast %get3A_2060 : vector<1x1x4x2048xf32> to vector<4x2048xf32>
    %add3A_2062 = arith.addf %get3A_2055, %get3A_2061 : vector<4x2048xf32>
    %add3A_2063 = vector.broadcast %get3A_2049 : f32 to vector<4x2048xf32>
    %add3A_2064 = arith.addf %add3A_2062, %add3A_2063 : vector<4x2048xf32>
    %swap3A_2065 = arith.constant 0 : index
    %swap3A_2066 = arith.constant 75 : index
    %swap3A_2067 = arith.constant 0 : index
    %swap3A_2068 = arith.constant 0 : index
    %swap3A_2069 = vector.load %arg5[%swap3A_2065, %swap3A_2066, %swap3A_2067, %swap3A_2068] : memref<1x128x4x2048xf32, #tpu.memory_space<vmem>>, vector<1x1x4x2048xf32>
    %swap3A_2070 = vector.shape_cast %swap3A_2069 : vector<1x1x4x2048xf32> to vector<4x2048xf32>
    %swap3A_2071 = vector.shape_cast %add3A_2064 : vector<4x2048xf32> to vector<1x1x4x2048xf32>
    tpu.vector_store %arg5[%swap3A_2065, %swap3A_2066, %swap3A_2067, %swap3A_2068], %swap3A_2071 {strides = array<i32>} : memref<1x128x4x2048xf32, #tpu.memory_space<vmem>>, vector<1x1x4x2048xf32>,
    %add3A_2072 = arith.constant 76 : i32
    %add3A_2073 = arith.addi %mul3A_9, %add3A_2072 : i32
    %get3A_2074 = arith.index_cast %arg1 : i32 to index
    %get3A_2075 = arith.index_cast %add3A_2073 : i32 to index
    %get3A_2076 = memref.load %arg3[%get3A_2074, %get3A_2075] : memref<4x1024xf32, #tpu.memory_space<smem>>
    %get3A_2077 = arith.constant 0 : index
    %get3A_2078 = arith.constant 76 : index
    %get3A_2079 = arith.constant 0 : index
    %get3A_2080 = arith.constant 0 : index
    %get3A_2081 = vector.load %arg4[%get3A_2077, %get3A_2078, %get3A_2079, %get3A_2080] : memref<1x128x4x2048xf32, #tpu.memory_space<vmem>>, vector<1x1x4x2048xf32>
    %get3A_2082 = vector.shape_cast %get3A_2081 : vector<1x1x4x2048xf32> to vector<4x2048xf32>
    %get3A_2083 = arith.index_cast %select_n3A_21 : i32 to index
    %get3A_2084 = arith.constant 76 : index
    %get3A_2085 = arith.constant 0 : index
    %get3A_2086 = arith.constant 0 : index
    %get3A_2087 = vector.load %arg6[%get3A_2083, %get3A_2084, %get3A_2085, %get3A_2086] : memref<2x128x4x2048xf32, #tpu.memory_space<vmem>>, vector<1x1x4x2048xf32>
    %get3A_2088 = vector.shape_cast %get3A_2087 : vector<1x1x4x2048xf32> to vector<4x2048xf32>
    %add3A_2089 = arith.addf %get3A_2082, %get3A_2088 : vector<4x2048xf32>
    %add3A_2090 = vector.broadcast %get3A_2076 : f32 to vector<4x2048xf32>
    %add3A_2091 = arith.addf %add3A_2089, %add3A_2090 : vector<4x2048xf32>
    %swap3A_2092 = arith.constant 0 : index
    %swap3A_2093 = arith.constant 76 : index
    %swap3A_2094 = arith.constant 0 : index
    %swap3A_2095 = arith.constant 0 : index
    %swap3A_2096 = vector.load %arg5[%swap3A_2092, %swap3A_2093, %swap3A_2094, %swap3A_2095] : memref<1x128x4x2048xf32, #tpu.memory_space<vmem>>, vector<1x1x4x2048xf32>
    %swap3A_2097 = vector.shape_cast %swap3A_2096 : vector<1x1x4x2048xf32> to vector<4x2048xf32>
    %swap3A_2098 = vector.shape_cast %add3A_2091 : vector<4x2048xf32> to vector<1x1x4x2048xf32>
    tpu.vector_store %arg5[%swap3A_2092, %swap3A_2093, %swap3A_2094, %swap3A_2095], %swap3A_2098 {strides = array<i32>} : memref<1x128x4x2048xf32, #tpu.memory_space<vmem>>, vector<1x1x4x2048xf32>,
    %add3A_2099 = arith.constant 77 : i32
    %add3A_2100 = arith.addi %mul3A_9, %add3A_2099 : i32
    %get3A_2101 = arith.index_cast %arg1 : i32 to index
    %get3A_2102 = arith.index_cast %add3A_2100 : i32 to index
    %get3A_2103 = memref.load %arg3[%get3A_2101, %get3A_2102] : memref<4x1024xf32, #tpu.memory_space<smem>>
    %get3A_2104 = arith.constant 0 : index
    %get3A_2105 = arith.constant 77 : index
    %get3A_2106 = arith.constant 0 : index
    %get3A_2107 = arith.constant 0 : index
    %get3A_2108 = vector.load %arg4[%get3A_2104, %get3A_2105, %get3A_2106, %get3A_2107] : memref<1x128x4x2048xf32, #tpu.memory_space<vmem>>, vector<1x1x4x2048xf32>
    %get3A_2109 = vector.shape_cast %get3A_2108 : vector<1x1x4x2048xf32> to vector<4x2048xf32>
    %get3A_2110 = arith.index_cast %select_n3A_21 : i32 to index
    %get3A_2111 = arith.constant 77 : index
    %get3A_2112 = arith.constant 0 : index
    %get3A_2113 = arith.constant 0 : index
    %get3A_2114 = vector.load %arg6[%get3A_2110, %get3A_2111, %get3A_2112, %get3A_2113] : memref<2x128x4x2048xf32, #tpu.memory_space<vmem>>, vector<1x1x4x2048xf32>
    %get3A_2115 = vector.shape_cast %get3A_2114 : vector<1x1x4x2048xf32> to vector<4x2048xf32>
    %add3A_2116 = arith.addf %get3A_2109, %get3A_2115 : vector<4x2048xf32>
    %add3A_2117 = vector.broadcast %get3A_2103 : f32 to vector<4x2048xf32>
    %add3A_2118 = arith.addf %add3A_2116, %add3A_2117 : vector<4x2048xf32>
    %swap3A_2119 = arith.constant 0 : index
    %swap3A_2120 = arith.constant 77 : index
    %swap3A_2121 = arith.constant 0 : index
    %swap3A_2122 = arith.constant 0 : index
    %swap3A_2123 = vector.load %arg5[%swap3A_2119, %swap3A_2120, %swap3A_2121, %swap3A_2122] : memref<1x128x4x2048xf32, #tpu.memory_space<vmem>>, vector<1x1x4x2048xf32>
    %swap3A_2124 = vector.shape_cast %swap3A_2123 : vector<1x1x4x2048xf32> to vector<4x2048xf32>
    %swap3A_2125 = vector.shape_cast %add3A_2118 : vector<4x2048xf32> to vector<1x1x4x2048xf32>
    tpu.vector_store %arg5[%swap3A_2119, %swap3A_2120, %swap3A_2121, %swap3A_2122], %swap3A_2125 {strides = array<i32>} : memref<1x128x4x2048xf32, #tpu.memory_space<vmem>>, vector<1x1x4x2048xf32>,
    %add3A_2126 = arith.constant 78 : i32
    %add3A_2127 = arith.addi %mul3A_9, %add3A_2126 : i32
    %get3A_2128 = arith.index_cast %arg1 : i32 to index
    %get3A_2129 = arith.index_cast %add3A_2127 : i32 to index
    %get3A_2130 = memref.load %arg3[%get3A_2128, %get3A_2129] : memref<4x1024xf32, #tpu.memory_space<smem>>
    %get3A_2131 = arith.constant 0 : index
    %get3A_2132 = arith.constant 78 : index
    %get3A_2133 = arith.constant 0 : index
    %get3A_2134 = arith.constant 0 : index
    %get3A_2135 = vector.load %arg4[%get3A_2131, %get3A_2132, %get3A_2133, %get3A_2134] : memref<1x128x4x2048xf32, #tpu.memory_space<vmem>>, vector<1x1x4x2048xf32>
    %get3A_2136 = vector.shape_cast %get3A_2135 : vector<1x1x4x2048xf32> to vector<4x2048xf32>
    %get3A_2137 = arith.index_cast %select_n3A_21 : i32 to index
    %get3A_2138 = arith.constant 78 : index
    %get3A_2139 = arith.constant 0 : index
    %get3A_2140 = arith.constant 0 : index
    %get3A_2141 = vector.load %arg6[%get3A_2137, %get3A_2138, %get3A_2139, %get3A_2140] : memref<2x128x4x2048xf32, #tpu.memory_space<vmem>>, vector<1x1x4x2048xf32>
    %get3A_2142 = vector.shape_cast %get3A_2141 : vector<1x1x4x2048xf32> to vector<4x2048xf32>
    %add3A_2143 = arith.addf %get3A_2136, %get3A_2142 : vector<4x2048xf32>
    %add3A_2144 = vector.broadcast %get3A_2130 : f32 to vector<4x2048xf32>
    %add3A_2145 = arith.addf %add3A_2143, %add3A_2144 : vector<4x2048xf32>
    %swap3A_2146 = arith.constant 0 : index
    %swap3A_2147 = arith.constant 78 : index
    %swap3A_2148 = arith.constant 0 : index
    %swap3A_2149 = arith.constant 0 : index
    %swap3A_2150 = vector.load %arg5[%swap3A_2146, %swap3A_2147, %swap3A_2148, %swap3A_2149] : memref<1x128x4x2048xf32, #tpu.memory_space<vmem>>, vector<1x1x4x2048xf32>
    %swap3A_2151 = vector.shape_cast %swap3A_2150 : vector<1x1x4x2048xf32> to vector<4x2048xf32>
    %swap3A_2152 = vector.shape_cast %add3A_2145 : vector<4x2048xf32> to vector<1x1x4x2048xf32>
    tpu.vector_store %arg5[%swap3A_2146, %swap3A_2147, %swap3A_2148, %swap3A_2149], %swap3A_2152 {strides = array<i32>} : memref<1x128x4x2048xf32, #tpu.memory_space<vmem>>, vector<1x1x4x2048xf32>,
    %add3A_2153 = arith.constant 79 : i32
    %add3A_2154 = arith.addi %mul3A_9, %add3A_2153 : i32
    %get3A_2155 = arith.index_cast %arg1 : i32 to index
    %get3A_2156 = arith.index_cast %add3A_2154 : i32 to index
    %get3A_2157 = memref.load %arg3[%get3A_2155, %get3A_2156] : memref<4x1024xf32, #tpu.memory_space<smem>>
    %get3A_2158 = arith.constant 0 : index
    %get3A_2159 = arith.constant 79 : index
    %get3A_2160 = arith.constant 0 : index
    %get3A_2161 = arith.constant 0 : index
    %get3A_2162 = vector.load %arg4[%get3A_2158, %get3A_2159, %get3A_2160, %get3A_2161] : memref<1x128x4x2048xf32, #tpu.memory_space<vmem>>, vector<1x1x4x2048xf32>
    %get3A_2163 = vector.shape_cast %get3A_2162 : vector<1x1x4x2048xf32> to vector<4x2048xf32>
    %get3A_2164 = arith.index_cast %select_n3A_21 : i32 to index
    %get3A_2165 = arith.constant 79 : index
    %get3A_2166 = arith.constant 0 : index
    %get3A_2167 = arith.constant 0 : index
    %get3A_2168 = vector.load %arg6[%get3A_2164, %get3A_2165, %get3A_2166, %get3A_2167] : memref<2x128x4x2048xf32, #tpu.memory_space<vmem>>, vector<1x1x4x2048xf32>
    %get3A_2169 = vector.shape_cast %get3A_2168 : vector<1x1x4x2048xf32> to vector<4x2048xf32>
    %add3A_2170 = arith.addf %get3A_2163, %get3A_2169 : vector<4x2048xf32>
    %add3A_2171 = vector.broadcast %get3A_2157 : f32 to vector<4x2048xf32>
    %add3A_2172 = arith.addf %add3A_2170, %add3A_2171 : vector<4x2048xf32>
    %swap3A_2173 = arith.constant 0 : index
    %swap3A_2174 = arith.constant 79 : index
    %swap3A_2175 = arith.constant 0 : index
    %swap3A_2176 = arith.constant 0 : index
    %swap3A_2177 = vector.load %arg5[%swap3A_2173, %swap3A_2174, %swap3A_2175, %swap3A_2176] : memref<1x128x4x2048xf32, #tpu.memory_space<vmem>>, vector<1x1x4x2048xf32>
    %swap3A_2178 = vector.shape_cast %swap3A_2177 : vector<1x1x4x2048xf32> to vector<4x2048xf32>
    %swap3A_2179 = vector.shape_cast %add3A_2172 : vector<4x2048xf32> to vector<1x1x4x2048xf32>
    tpu.vector_store %arg5[%swap3A_2173, %swap3A_2174, %swap3A_2175, %swap3A_2176], %swap3A_2179 {strides = array<i32>} : memref<1x128x4x2048xf32, #tpu.memory_space<vmem>>, vector<1x1x4x2048xf32>,
    %add3A_2180 = arith.constant 80 : i32
    %add3A_2181 = arith.addi %mul3A_9, %add3A_2180 : i32
    %get3A_2182 = arith.index_cast %arg1 : i32 to index
    %get3A_2183 = arith.index_cast %add3A_2181 : i32 to index
    %get3A_2184 = memref.load %arg3[%get3A_2182, %get3A_2183] : memref<4x1024xf32, #tpu.memory_space<smem>>
    %get3A_2185 = arith.constant 0 : index
    %get3A_2186 = arith.constant 80 : index
    %get3A_2187 = arith.constant 0 : index
    %get3A_2188 = arith.constant 0 : index
    %get3A_2189 = vector.load %arg4[%get3A_2185, %get3A_2186, %get3A_2187, %get3A_2188] : memref<1x128x4x2048xf32, #tpu.memory_space<vmem>>, vector<1x1x4x2048xf32>
    %get3A_2190 = vector.shape_cast %get3A_2189 : vector<1x1x4x2048xf32> to vector<4x2048xf32>
    %get3A_2191 = arith.index_cast %select_n3A_21 : i32 to index
    %get3A_2192 = arith.constant 80 : index
    %get3A_2193 = arith.constant 0 : index
    %get3A_2194 = arith.constant 0 : index
    %get3A_2195 = vector.load %arg6[%get3A_2191, %get3A_2192, %get3A_2193, %get3A_2194] : memref<2x128x4x2048xf32, #tpu.memory_space<vmem>>, vector<1x1x4x2048xf32>
    %get3A_2196 = vector.shape_cast %get3A_2195 : vector<1x1x4x2048xf32> to vector<4x2048xf32>
    %add3A_2197 = arith.addf %get3A_2190, %get3A_2196 : vector<4x2048xf32>
    %add3A_2198 = vector.broadcast %get3A_2184 : f32 to vector<4x2048xf32>
    %add3A_2199 = arith.addf %add3A_2197, %add3A_2198 : vector<4x2048xf32>
    %swap3A_2200 = arith.constant 0 : index
    %swap3A_2201 = arith.constant 80 : index
    %swap3A_2202 = arith.constant 0 : index
    %swap3A_2203 = arith.constant 0 : index
    %swap3A_2204 = vector.load %arg5[%swap3A_2200, %swap3A_2201, %swap3A_2202, %swap3A_2203] : memref<1x128x4x2048xf32, #tpu.memory_space<vmem>>, vector<1x1x4x2048xf32>
    %swap3A_2205 = vector.shape_cast %swap3A_2204 : vector<1x1x4x2048xf32> to vector<4x2048xf32>
    %swap3A_2206 = vector.shape_cast %add3A_2199 : vector<4x2048xf32> to vector<1x1x4x2048xf32>
    tpu.vector_store %arg5[%swap3A_2200, %swap3A_2201, %swap3A_2202, %swap3A_2203], %swap3A_2206 {strides = array<i32>} : memref<1x128x4x2048xf32, #tpu.memory_space<vmem>>, vector<1x1x4x2048xf32>,
    %add3A_2207 = arith.constant 81 : i32
    %add3A_2208 = arith.addi %mul3A_9, %add3A_2207 : i32
    %get3A_2209 = arith.index_cast %arg1 : i32 to index
    %get3A_2210 = arith.index_cast %add3A_2208 : i32 to index
    %get3A_2211 = memref.load %arg3[%get3A_2209, %get3A_2210] : memref<4x1024xf32, #tpu.memory_space<smem>>
    %get3A_2212 = arith.constant 0 : index
    %get3A_2213 = arith.constant 81 : index
    %get3A_2214 = arith.constant 0 : index
    %get3A_2215 = arith.constant 0 : index
    %get3A_2216 = vector.load %arg4[%get3A_2212, %get3A_2213, %get3A_2214, %get3A_2215] : memref<1x128x4x2048xf32, #tpu.memory_space<vmem>>, vector<1x1x4x2048xf32>
    %get3A_2217 = vector.shape_cast %get3A_2216 : vector<1x1x4x2048xf32> to vector<4x2048xf32>
    %get3A_2218 = arith.index_cast %select_n3A_21 : i32 to index
    %get3A_2219 = arith.constant 81 : index
    %get3A_2220 = arith.constant 0 : index
    %get3A_2221 = arith.constant 0 : index
    %get3A_2222 = vector.load %arg6[%get3A_2218, %get3A_2219, %get3A_2220, %get3A_2221] : memref<2x128x4x2048xf32, #tpu.memory_space<vmem>>, vector<1x1x4x2048xf32>
    %get3A_2223 = vector.shape_cast %get3A_2222 : vector<1x1x4x2048xf32> to vector<4x2048xf32>
    %add3A_2224 = arith.addf %get3A_2217, %get3A_2223 : vector<4x2048xf32>
    %add3A_2225 = vector.broadcast %get3A_2211 : f32 to vector<4x2048xf32>
    %add3A_2226 = arith.addf %add3A_2224, %add3A_2225 : vector<4x2048xf32>
    %swap3A_2227 = arith.constant 0 : index
    %swap3A_2228 = arith.constant 81 : index
    %swap3A_2229 = arith.constant 0 : index
    %swap3A_2230 = arith.constant 0 : index
    %swap3A_2231 = vector.load %arg5[%swap3A_2227, %swap3A_2228, %swap3A_2229, %swap3A_2230] : memref<1x128x4x2048xf32, #tpu.memory_space<vmem>>, vector<1x1x4x2048xf32>
    %swap3A_2232 = vector.shape_cast %swap3A_2231 : vector<1x1x4x2048xf32> to vector<4x2048xf32>
    %swap3A_2233 = vector.shape_cast %add3A_2226 : vector<4x2048xf32> to vector<1x1x4x2048xf32>
    tpu.vector_store %arg5[%swap3A_2227, %swap3A_2228, %swap3A_2229, %swap3A_2230], %swap3A_2233 {strides = array<i32>} : memref<1x128x4x2048xf32, #tpu.memory_space<vmem>>, vector<1x1x4x2048xf32>,
    %add3A_2234 = arith.constant 82 : i32
    %add3A_2235 = arith.addi %mul3A_9, %add3A_2234 : i32
    %get3A_2236 = arith.index_cast %arg1 : i32 to index
    %get3A_2237 = arith.index_cast %add3A_2235 : i32 to index
    %get3A_2238 = memref.load %arg3[%get3A_2236, %get3A_2237] : memref<4x1024xf32, #tpu.memory_space<smem>>
    %get3A_2239 = arith.constant 0 : index
    %get3A_2240 = arith.constant 82 : index
    %get3A_2241 = arith.constant 0 : index
    %get3A_2242 = arith.constant 0 : index
    %get3A_2243 = vector.load %arg4[%get3A_2239, %get3A_2240, %get3A_2241, %get3A_2242] : memref<1x128x4x2048xf32, #tpu.memory_space<vmem>>, vector<1x1x4x2048xf32>
    %get3A_2244 = vector.shape_cast %get3A_2243 : vector<1x1x4x2048xf32> to vector<4x2048xf32>
    %get3A_2245 = arith.index_cast %select_n3A_21 : i32 to index
    %get3A_2246 = arith.constant 82 : index
    %get3A_2247 = arith.constant 0 : index
    %get3A_2248 = arith.constant 0 : index
    %get3A_2249 = vector.load %arg6[%get3A_2245, %get3A_2246, %get3A_2247, %get3A_2248] : memref<2x128x4x2048xf32, #tpu.memory_space<vmem>>, vector<1x1x4x2048xf32>
    %get3A_2250 = vector.shape_cast %get3A_2249 : vector<1x1x4x2048xf32> to vector<4x2048xf32>
    %add3A_2251 = arith.addf %get3A_2244, %get3A_2250 : vector<4x2048xf32>
    %add3A_2252 = vector.broadcast %get3A_2238 : f32 to vector<4x2048xf32>
    %add3A_2253 = arith.addf %add3A_2251, %add3A_2252 : vector<4x2048xf32>
    %swap3A_2254 = arith.constant 0 : index
    %swap3A_2255 = arith.constant 82 : index
    %swap3A_2256 = arith.constant 0 : index
    %swap3A_2257 = arith.constant 0 : index
    %swap3A_2258 = vector.load %arg5[%swap3A_2254, %swap3A_2255, %swap3A_2256, %swap3A_2257] : memref<1x128x4x2048xf32, #tpu.memory_space<vmem>>, vector<1x1x4x2048xf32>
    %swap3A_2259 = vector.shape_cast %swap3A_2258 : vector<1x1x4x2048xf32> to vector<4x2048xf32>
    %swap3A_2260 = vector.shape_cast %add3A_2253 : vector<4x2048xf32> to vector<1x1x4x2048xf32>
    tpu.vector_store %arg5[%swap3A_2254, %swap3A_2255, %swap3A_2256, %swap3A_2257], %swap3A_2260 {strides = array<i32>} : memref<1x128x4x2048xf32, #tpu.memory_space<vmem>>, vector<1x1x4x2048xf32>,
    %add3A_2261 = arith.constant 83 : i32
    %add3A_2262 = arith.addi %mul3A_9, %add3A_2261 : i32
    %get3A_2263 = arith.index_cast %arg1 : i32 to index
    %get3A_2264 = arith.index_cast %add3A_2262 : i32 to index
    %get3A_2265 = memref.load %arg3[%get3A_2263, %get3A_2264] : memref<4x1024xf32, #tpu.memory_space<smem>>
    %get3A_2266 = arith.constant 0 : index
    %get3A_2267 = arith.constant 83 : index
    %get3A_2268 = arith.constant 0 : index
    %get3A_2269 = arith.constant 0 : index
    %get3A_2270 = vector.load %arg4[%get3A_2266, %get3A_2267, %get3A_2268, %get3A_2269] : memref<1x128x4x2048xf32, #tpu.memory_space<vmem>>, vector<1x1x4x2048xf32>
    %get3A_2271 = vector.shape_cast %get3A_2270 : vector<1x1x4x2048xf32> to vector<4x2048xf32>
    %get3A_2272 = arith.index_cast %select_n3A_21 : i32 to index
    %get3A_2273 = arith.constant 83 : index
    %get3A_2274 = arith.constant 0 : index
    %get3A_2275 = arith.constant 0 : index
    %get3A_2276 = vector.load %arg6[%get3A_2272, %get3A_2273, %get3A_2274, %get3A_2275] : memref<2x128x4x2048xf32, #tpu.memory_space<vmem>>, vector<1x1x4x2048xf32>
    %get3A_2277 = vector.shape_cast %get3A_2276 : vector<1x1x4x2048xf32> to vector<4x2048xf32>
    %add3A_2278 = arith.addf %get3A_2271, %get3A_2277 : vector<4x2048xf32>
    %add3A_2279 = vector.broadcast %get3A_2265 : f32 to vector<4x2048xf32>
    %add3A_2280 = arith.addf %add3A_2278, %add3A_2279 : vector<4x2048xf32>
    %swap3A_2281 = arith.constant 0 : index
    %swap3A_2282 = arith.constant 83 : index
    %swap3A_2283 = arith.constant 0 : index
    %swap3A_2284 = arith.constant 0 : index
    %swap3A_2285 = vector.load %arg5[%swap3A_2281, %swap3A_2282, %swap3A_2283, %swap3A_2284] : memref<1x128x4x2048xf32, #tpu.memory_space<vmem>>, vector<1x1x4x2048xf32>
    %swap3A_2286 = vector.shape_cast %swap3A_2285 : vector<1x1x4x2048xf32> to vector<4x2048xf32>
    %swap3A_2287 = vector.shape_cast %add3A_2280 : vector<4x2048xf32> to vector<1x1x4x2048xf32>
    tpu.vector_store %arg5[%swap3A_2281, %swap3A_2282, %swap3A_2283, %swap3A_2284], %swap3A_2287 {strides = array<i32>} : memref<1x128x4x2048xf32, #tpu.memory_space<vmem>>, vector<1x1x4x2048xf32>,
    %add3A_2288 = arith.constant 84 : i32
    %add3A_2289 = arith.addi %mul3A_9, %add3A_2288 : i32
    %get3A_2290 = arith.index_cast %arg1 : i32 to index
    %get3A_2291 = arith.index_cast %add3A_2289 : i32 to index
    %get3A_2292 = memref.load %arg3[%get3A_2290, %get3A_2291] : memref<4x1024xf32, #tpu.memory_space<smem>>
    %get3A_2293 = arith.constant 0 : index
    %get3A_2294 = arith.constant 84 : index
    %get3A_2295 = arith.constant 0 : index
    %get3A_2296 = arith.constant 0 : index
    %get3A_2297 = vector.load %arg4[%get3A_2293, %get3A_2294, %get3A_2295, %get3A_2296] : memref<1x128x4x2048xf32, #tpu.memory_space<vmem>>, vector<1x1x4x2048xf32>
    %get3A_2298 = vector.shape_cast %get3A_2297 : vector<1x1x4x2048xf32> to vector<4x2048xf32>
    %get3A_2299 = arith.index_cast %select_n3A_21 : i32 to index
    %get3A_2300 = arith.constant 84 : index
    %get3A_2301 = arith.constant 0 : index
    %get3A_2302 = arith.constant 0 : index
    %get3A_2303 = vector.load %arg6[%get3A_2299, %get3A_2300, %get3A_2301, %get3A_2302] : memref<2x128x4x2048xf32, #tpu.memory_space<vmem>>, vector<1x1x4x2048xf32>
    %get3A_2304 = vector.shape_cast %get3A_2303 : vector<1x1x4x2048xf32> to vector<4x2048xf32>
    %add3A_2305 = arith.addf %get3A_2298, %get3A_2304 : vector<4x2048xf32>
    %add3A_2306 = vector.broadcast %get3A_2292 : f32 to vector<4x2048xf32>
    %add3A_2307 = arith.addf %add3A_2305, %add3A_2306 : vector<4x2048xf32>
    %swap3A_2308 = arith.constant 0 : index
    %swap3A_2309 = arith.constant 84 : index
    %swap3A_2310 = arith.constant 0 : index
    %swap3A_2311 = arith.constant 0 : index
    %swap3A_2312 = vector.load %arg5[%swap3A_2308, %swap3A_2309, %swap3A_2310, %swap3A_2311] : memref<1x128x4x2048xf32, #tpu.memory_space<vmem>>, vector<1x1x4x2048xf32>
    %swap3A_2313 = vector.shape_cast %swap3A_2312 : vector<1x1x4x2048xf32> to vector<4x2048xf32>
    %swap3A_2314 = vector.shape_cast %add3A_2307 : vector<4x2048xf32> to vector<1x1x4x2048xf32>
    tpu.vector_store %arg5[%swap3A_2308, %swap3A_2309, %swap3A_2310, %swap3A_2311], %swap3A_2314 {strides = array<i32>} : memref<1x128x4x2048xf32, #tpu.memory_space<vmem>>, vector<1x1x4x2048xf32>,
    %add3A_2315 = arith.constant 85 : i32
    %add3A_2316 = arith.addi %mul3A_9, %add3A_2315 : i32
    %get3A_2317 = arith.index_cast %arg1 : i32 to index
    %get3A_2318 = arith.index_cast %add3A_2316 : i32 to index
    %get3A_2319 = memref.load %arg3[%get3A_2317, %get3A_2318] : memref<4x1024xf32, #tpu.memory_space<smem>>
    %get3A_2320 = arith.constant 0 : index
    %get3A_2321 = arith.constant 85 : index
    %get3A_2322 = arith.constant 0 : index
    %get3A_2323 = arith.constant 0 : index
    %get3A_2324 = vector.load %arg4[%get3A_2320, %get3A_2321, %get3A_2322, %get3A_2323] : memref<1x128x4x2048xf32, #tpu.memory_space<vmem>>, vector<1x1x4x2048xf32>
    %get3A_2325 = vector.shape_cast %get3A_2324 : vector<1x1x4x2048xf32> to vector<4x2048xf32>
    %get3A_2326 = arith.index_cast %select_n3A_21 : i32 to index
    %get3A_2327 = arith.constant 85 : index
    %get3A_2328 = arith.constant 0 : index
    %get3A_2329 = arith.constant 0 : index
    %get3A_2330 = vector.load %arg6[%get3A_2326, %get3A_2327, %get3A_2328, %get3A_2329] : memref<2x128x4x2048xf32, #tpu.memory_space<vmem>>, vector<1x1x4x2048xf32>
    %get3A_2331 = vector.shape_cast %get3A_2330 : vector<1x1x4x2048xf32> to vector<4x2048xf32>
    %add3A_2332 = arith.addf %get3A_2325, %get3A_2331 : vector<4x2048xf32>
    %add3A_2333 = vector.broadcast %get3A_2319 : f32 to vector<4x2048xf32>
    %add3A_2334 = arith.addf %add3A_2332, %add3A_2333 : vector<4x2048xf32>
    %swap3A_2335 = arith.constant 0 : index
    %swap3A_2336 = arith.constant 85 : index
    %swap3A_2337 = arith.constant 0 : index
    %swap3A_2338 = arith.constant 0 : index
    %swap3A_2339 = vector.load %arg5[%swap3A_2335, %swap3A_2336, %swap3A_2337, %swap3A_2338] : memref<1x128x4x2048xf32, #tpu.memory_space<vmem>>, vector<1x1x4x2048xf32>
    %swap3A_2340 = vector.shape_cast %swap3A_2339 : vector<1x1x4x2048xf32> to vector<4x2048xf32>
    %swap3A_2341 = vector.shape_cast %add3A_2334 : vector<4x2048xf32> to vector<1x1x4x2048xf32>
    tpu.vector_store %arg5[%swap3A_2335, %swap3A_2336, %swap3A_2337, %swap3A_2338], %swap3A_2341 {strides = array<i32>} : memref<1x128x4x2048xf32, #tpu.memory_space<vmem>>, vector<1x1x4x2048xf32>,
    %add3A_2342 = arith.constant 86 : i32
    %add3A_2343 = arith.addi %mul3A_9, %add3A_2342 : i32
    %get3A_2344 = arith.index_cast %arg1 : i32 to index
    %get3A_2345 = arith.index_cast %add3A_2343 : i32 to index
    %get3A_2346 = memref.load %arg3[%get3A_2344, %get3A_2345] : memref<4x1024xf32, #tpu.memory_space<smem>>
    %get3A_2347 = arith.constant 0 : index
    %get3A_2348 = arith.constant 86 : index
    %get3A_2349 = arith.constant 0 : index
    %get3A_2350 = arith.constant 0 : index
    %get3A_2351 = vector.load %arg4[%get3A_2347, %get3A_2348, %get3A_2349, %get3A_2350] : memref<1x128x4x2048xf32, #tpu.memory_space<vmem>>, vector<1x1x4x2048xf32>
    %get3A_2352 = vector.shape_cast %get3A_2351 : vector<1x1x4x2048xf32> to vector<4x2048xf32>
    %get3A_2353 = arith.index_cast %select_n3A_21 : i32 to index
    %get3A_2354 = arith.constant 86 : index
    %get3A_2355 = arith.constant 0 : index
    %get3A_2356 = arith.constant 0 : index
    %get3A_2357 = vector.load %arg6[%get3A_2353, %get3A_2354, %get3A_2355, %get3A_2356] : memref<2x128x4x2048xf32, #tpu.memory_space<vmem>>, vector<1x1x4x2048xf32>
    %get3A_2358 = vector.shape_cast %get3A_2357 : vector<1x1x4x2048xf32> to vector<4x2048xf32>
    %add3A_2359 = arith.addf %get3A_2352, %get3A_2358 : vector<4x2048xf32>
    %add3A_2360 = vector.broadcast %get3A_2346 : f32 to vector<4x2048xf32>
    %add3A_2361 = arith.addf %add3A_2359, %add3A_2360 : vector<4x2048xf32>
    %swap3A_2362 = arith.constant 0 : index
    %swap3A_2363 = arith.constant 86 : index
    %swap3A_2364 = arith.constant 0 : index
    %swap3A_2365 = arith.constant 0 : index
    %swap3A_2366 = vector.load %arg5[%swap3A_2362, %swap3A_2363, %swap3A_2364, %swap3A_2365] : memref<1x128x4x2048xf32, #tpu.memory_space<vmem>>, vector<1x1x4x2048xf32>
    %swap3A_2367 = vector.shape_cast %swap3A_2366 : vector<1x1x4x2048xf32> to vector<4x2048xf32>
    %swap3A_2368 = vector.shape_cast %add3A_2361 : vector<4x2048xf32> to vector<1x1x4x2048xf32>
    tpu.vector_store %arg5[%swap3A_2362, %swap3A_2363, %swap3A_2364, %swap3A_2365], %swap3A_2368 {strides = array<i32>} : memref<1x128x4x2048xf32, #tpu.memory_space<vmem>>, vector<1x1x4x2048xf32>,
    %add3A_2369 = arith.constant 87 : i32
    %add3A_2370 = arith.addi %mul3A_9, %add3A_2369 : i32
    %get3A_2371 = arith.index_cast %arg1 : i32 to index
    %get3A_2372 = arith.index_cast %add3A_2370 : i32 to index
    %get3A_2373 = memref.load %arg3[%get3A_2371, %get3A_2372] : memref<4x1024xf32, #tpu.memory_space<smem>>
    %get3A_2374 = arith.constant 0 : index
    %get3A_2375 = arith.constant 87 : index
    %get3A_2376 = arith.constant 0 : index
    %get3A_2377 = arith.constant 0 : index
    %get3A_2378 = vector.load %arg4[%get3A_2374, %get3A_2375, %get3A_2376, %get3A_2377] : memref<1x128x4x2048xf32, #tpu.memory_space<vmem>>, vector<1x1x4x2048xf32>
    %get3A_2379 = vector.shape_cast %get3A_2378 : vector<1x1x4x2048xf32> to vector<4x2048xf32>
    %get3A_2380 = arith.index_cast %select_n3A_21 : i32 to index
    %get3A_2381 = arith.constant 87 : index
    %get3A_2382 = arith.constant 0 : index
    %get3A_2383 = arith.constant 0 : index
    %get3A_2384 = vector.load %arg6[%get3A_2380, %get3A_2381, %get3A_2382, %get3A_2383] : memref<2x128x4x2048xf32, #tpu.memory_space<vmem>>, vector<1x1x4x2048xf32>
    %get3A_2385 = vector.shape_cast %get3A_2384 : vector<1x1x4x2048xf32> to vector<4x2048xf32>
    %add3A_2386 = arith.addf %get3A_2379, %get3A_2385 : vector<4x2048xf32>
    %add3A_2387 = vector.broadcast %get3A_2373 : f32 to vector<4x2048xf32>
    %add3A_2388 = arith.addf %add3A_2386, %add3A_2387 : vector<4x2048xf32>
    %swap3A_2389 = arith.constant 0 : index
    %swap3A_2390 = arith.constant 87 : index
    %swap3A_2391 = arith.constant 0 : index
    %swap3A_2392 = arith.constant 0 : index
    %swap3A_2393 = vector.load %arg5[%swap3A_2389, %swap3A_2390, %swap3A_2391, %swap3A_2392] : memref<1x128x4x2048xf32, #tpu.memory_space<vmem>>, vector<1x1x4x2048xf32>
    %swap3A_2394 = vector.shape_cast %swap3A_2393 : vector<1x1x4x2048xf32> to vector<4x2048xf32>
    %swap3A_2395 = vector.shape_cast %add3A_2388 : vector<4x2048xf32> to vector<1x1x4x2048xf32>
    tpu.vector_store %arg5[%swap3A_2389, %swap3A_2390, %swap3A_2391, %swap3A_2392], %swap3A_2395 {strides = array<i32>} : memref<1x128x4x2048xf32, #tpu.memory_space<vmem>>, vector<1x1x4x2048xf32>,
    %add3A_2396 = arith.constant 88 : i32
    %add3A_2397 = arith.addi %mul3A_9, %add3A_2396 : i32
    %get3A_2398 = arith.index_cast %arg1 : i32 to index
    %get3A_2399 = arith.index_cast %add3A_2397 : i32 to index
    %get3A_2400 = memref.load %arg3[%get3A_2398, %get3A_2399] : memref<4x1024xf32, #tpu.memory_space<smem>>
    %get3A_2401 = arith.constant 0 : index
    %get3A_2402 = arith.constant 88 : index
    %get3A_2403 = arith.constant 0 : index
    %get3A_2404 = arith.constant 0 : index
    %get3A_2405 = vector.load %arg4[%get3A_2401, %get3A_2402, %get3A_2403, %get3A_2404] : memref<1x128x4x2048xf32, #tpu.memory_space<vmem>>, vector<1x1x4x2048xf32>
    %get3A_2406 = vector.shape_cast %get3A_2405 : vector<1x1x4x2048xf32> to vector<4x2048xf32>
    %get3A_2407 = arith.index_cast %select_n3A_21 : i32 to index
    %get3A_2408 = arith.constant 88 : index
    %get3A_2409 = arith.constant 0 : index
    %get3A_2410 = arith.constant 0 : index
    %get3A_2411 = vector.load %arg6[%get3A_2407, %get3A_2408, %get3A_2409, %get3A_2410] : memref<2x128x4x2048xf32, #tpu.memory_space<vmem>>, vector<1x1x4x2048xf32>
    %get3A_2412 = vector.shape_cast %get3A_2411 : vector<1x1x4x2048xf32> to vector<4x2048xf32>
    %add3A_2413 = arith.addf %get3A_2406, %get3A_2412 : vector<4x2048xf32>
    %add3A_2414 = vector.broadcast %get3A_2400 : f32 to vector<4x2048xf32>
    %add3A_2415 = arith.addf %add3A_2413, %add3A_2414 : vector<4x2048xf32>
    %swap3A_2416 = arith.constant 0 : index
    %swap3A_2417 = arith.constant 88 : index
    %swap3A_2418 = arith.constant 0 : index
    %swap3A_2419 = arith.constant 0 : index
    %swap3A_2420 = vector.load %arg5[%swap3A_2416, %swap3A_2417, %swap3A_2418, %swap3A_2419] : memref<1x128x4x2048xf32, #tpu.memory_space<vmem>>, vector<1x1x4x2048xf32>
    %swap3A_2421 = vector.shape_cast %swap3A_2420 : vector<1x1x4x2048xf32> to vector<4x2048xf32>
    %swap3A_2422 = vector.shape_cast %add3A_2415 : vector<4x2048xf32> to vector<1x1x4x2048xf32>
    tpu.vector_store %arg5[%swap3A_2416, %swap3A_2417, %swap3A_2418, %swap3A_2419], %swap3A_2422 {strides = array<i32>} : memref<1x128x4x2048xf32, #tpu.memory_space<vmem>>, vector<1x1x4x2048xf32>,
    %add3A_2423 = arith.constant 89 : i32
    %add3A_2424 = arith.addi %mul3A_9, %add3A_2423 : i32
    %get3A_2425 = arith.index_cast %arg1 : i32 to index
    %get3A_2426 = arith.index_cast %add3A_2424 : i32 to index
    %get3A_2427 = memref.load %arg3[%get3A_2425, %get3A_2426] : memref<4x1024xf32, #tpu.memory_space<smem>>
    %get3A_2428 = arith.constant 0 : index
    %get3A_2429 = arith.constant 89 : index
    %get3A_2430 = arith.constant 0 : index
    %get3A_2431 = arith.constant 0 : index
    %get3A_2432 = vector.load %arg4[%get3A_2428, %get3A_2429, %get3A_2430, %get3A_2431] : memref<1x128x4x2048xf32, #tpu.memory_space<vmem>>, vector<1x1x4x2048xf32>
    %get3A_2433 = vector.shape_cast %get3A_2432 : vector<1x1x4x2048xf32> to vector<4x2048xf32>
    %get3A_2434 = arith.index_cast %select_n3A_21 : i32 to index
    %get3A_2435 = arith.constant 89 : index
    %get3A_2436 = arith.constant 0 : index
    %get3A_2437 = arith.constant 0 : index
    %get3A_2438 = vector.load %arg6[%get3A_2434, %get3A_2435, %get3A_2436, %get3A_2437] : memref<2x128x4x2048xf32, #tpu.memory_space<vmem>>, vector<1x1x4x2048xf32>
    %get3A_2439 = vector.shape_cast %get3A_2438 : vector<1x1x4x2048xf32> to vector<4x2048xf32>
    %add3A_2440 = arith.addf %get3A_2433, %get3A_2439 : vector<4x2048xf32>
    %add3A_2441 = vector.broadcast %get3A_2427 : f32 to vector<4x2048xf32>
    %add3A_2442 = arith.addf %add3A_2440, %add3A_2441 : vector<4x2048xf32>
    %swap3A_2443 = arith.constant 0 : index
    %swap3A_2444 = arith.constant 89 : index
    %swap3A_2445 = arith.constant 0 : index
    %swap3A_2446 = arith.constant 0 : index
    %swap3A_2447 = vector.load %arg5[%swap3A_2443, %swap3A_2444, %swap3A_2445, %swap3A_2446] : memref<1x128x4x2048xf32, #tpu.memory_space<vmem>>, vector<1x1x4x2048xf32>
    %swap3A_2448 = vector.shape_cast %swap3A_2447 : vector<1x1x4x2048xf32> to vector<4x2048xf32>
    %swap3A_2449 = vector.shape_cast %add3A_2442 : vector<4x2048xf32> to vector<1x1x4x2048xf32>
    tpu.vector_store %arg5[%swap3A_2443, %swap3A_2444, %swap3A_2445, %swap3A_2446], %swap3A_2449 {strides = array<i32>} : memref<1x128x4x2048xf32, #tpu.memory_space<vmem>>, vector<1x1x4x2048xf32>,
    %add3A_2450 = arith.constant 90 : i32
    %add3A_2451 = arith.addi %mul3A_9, %add3A_2450 : i32
    %get3A_2452 = arith.index_cast %arg1 : i32 to index
    %get3A_2453 = arith.index_cast %add3A_2451 : i32 to index
    %get3A_2454 = memref.load %arg3[%get3A_2452, %get3A_2453] : memref<4x1024xf32, #tpu.memory_space<smem>>
    %get3A_2455 = arith.constant 0 : index
    %get3A_2456 = arith.constant 90 : index
    %get3A_2457 = arith.constant 0 : index
    %get3A_2458 = arith.constant 0 : index
    %get3A_2459 = vector.load %arg4[%get3A_2455, %get3A_2456, %get3A_2457, %get3A_2458] : memref<1x128x4x2048xf32, #tpu.memory_space<vmem>>, vector<1x1x4x2048xf32>
    %get3A_2460 = vector.shape_cast %get3A_2459 : vector<1x1x4x2048xf32> to vector<4x2048xf32>
    %get3A_2461 = arith.index_cast %select_n3A_21 : i32 to index
    %get3A_2462 = arith.constant 90 : index
    %get3A_2463 = arith.constant 0 : index
    %get3A_2464 = arith.constant 0 : index
    %get3A_2465 = vector.load %arg6[%get3A_2461, %get3A_2462, %get3A_2463, %get3A_2464] : memref<2x128x4x2048xf32, #tpu.memory_space<vmem>>, vector<1x1x4x2048xf32>
    %get3A_2466 = vector.shape_cast %get3A_2465 : vector<1x1x4x2048xf32> to vector<4x2048xf32>
    %add3A_2467 = arith.addf %get3A_2460, %get3A_2466 : vector<4x2048xf32>
    %add3A_2468 = vector.broadcast %get3A_2454 : f32 to vector<4x2048xf32>
    %add3A_2469 = arith.addf %add3A_2467, %add3A_2468 : vector<4x2048xf32>
    %swap3A_2470 = arith.constant 0 : index
    %swap3A_2471 = arith.constant 90 : index
    %swap3A_2472 = arith.constant 0 : index
    %swap3A_2473 = arith.constant 0 : index
    %swap3A_2474 = vector.load %arg5[%swap3A_2470, %swap3A_2471, %swap3A_2472, %swap3A_2473] : memref<1x128x4x2048xf32, #tpu.memory_space<vmem>>, vector<1x1x4x2048xf32>
    %swap3A_2475 = vector.shape_cast %swap3A_2474 : vector<1x1x4x2048xf32> to vector<4x2048xf32>
    %swap3A_2476 = vector.shape_cast %add3A_2469 : vector<4x2048xf32> to vector<1x1x4x2048xf32>
    tpu.vector_store %arg5[%swap3A_2470, %swap3A_2471, %swap3A_2472, %swap3A_2473], %swap3A_2476 {strides = array<i32>} : memref<1x128x4x2048xf32, #tpu.memory_space<vmem>>, vector<1x1x4x2048xf32>,
    %add3A_2477 = arith.constant 91 : i32
    %add3A_2478 = arith.addi %mul3A_9, %add3A_2477 : i32
    %get3A_2479 = arith.index_cast %arg1 : i32 to index
    %get3A_2480 = arith.index_cast %add3A_2478 : i32 to index
    %get3A_2481 = memref.load %arg3[%get3A_2479, %get3A_2480] : memref<4x1024xf32, #tpu.memory_space<smem>>
    %get3A_2482 = arith.constant 0 : index
    %get3A_2483 = arith.constant 91 : index
    %get3A_2484 = arith.constant 0 : index
    %get3A_2485 = arith.constant 0 : index
    %get3A_2486 = vector.load %arg4[%get3A_2482, %get3A_2483, %get3A_2484, %get3A_2485] : memref<1x128x4x2048xf32, #tpu.memory_space<vmem>>, vector<1x1x4x2048xf32>
    %get3A_2487 = vector.shape_cast %get3A_2486 : vector<1x1x4x2048xf32> to vector<4x2048xf32>
    %get3A_2488 = arith.index_cast %select_n3A_21 : i32 to index
    %get3A_2489 = arith.constant 91 : index
    %get3A_2490 = arith.constant 0 : index
    %get3A_2491 = arith.constant 0 : index
    %get3A_2492 = vector.load %arg6[%get3A_2488, %get3A_2489, %get3A_2490, %get3A_2491] : memref<2x128x4x2048xf32, #tpu.memory_space<vmem>>, vector<1x1x4x2048xf32>
    %get3A_2493 = vector.shape_cast %get3A_2492 : vector<1x1x4x2048xf32> to vector<4x2048xf32>
    %add3A_2494 = arith.addf %get3A_2487, %get3A_2493 : vector<4x2048xf32>
    %add3A_2495 = vector.broadcast %get3A_2481 : f32 to vector<4x2048xf32>
    %add3A_2496 = arith.addf %add3A_2494, %add3A_2495 : vector<4x2048xf32>
    %swap3A_2497 = arith.constant 0 : index
    %swap3A_2498 = arith.constant 91 : index
    %swap3A_2499 = arith.constant 0 : index
    %swap3A_2500 = arith.constant 0 : index
    %swap3A_2501 = vector.load %arg5[%swap3A_2497, %swap3A_2498, %swap3A_2499, %swap3A_2500] : memref<1x128x4x2048xf32, #tpu.memory_space<vmem>>, vector<1x1x4x2048xf32>
    %swap3A_2502 = vector.shape_cast %swap3A_2501 : vector<1x1x4x2048xf32> to vector<4x2048xf32>
    %swap3A_2503 = vector.shape_cast %add3A_2496 : vector<4x2048xf32> to vector<1x1x4x2048xf32>
    tpu.vector_store %arg5[%swap3A_2497, %swap3A_2498, %swap3A_2499, %swap3A_2500], %swap3A_2503 {strides = array<i32>} : memref<1x128x4x2048xf32, #tpu.memory_space<vmem>>, vector<1x1x4x2048xf32>,
    %add3A_2504 = arith.constant 92 : i32
    %add3A_2505 = arith.addi %mul3A_9, %add3A_2504 : i32
    %get3A_2506 = arith.index_cast %arg1 : i32 to index
    %get3A_2507 = arith.index_cast %add3A_2505 : i32 to index
    %get3A_2508 = memref.load %arg3[%get3A_2506, %get3A_2507] : memref<4x1024xf32, #tpu.memory_space<smem>>
    %get3A_2509 = arith.constant 0 : index
    %get3A_2510 = arith.constant 92 : index
    %get3A_2511 = arith.constant 0 : index
    %get3A_2512 = arith.constant 0 : index
    %get3A_2513 = vector.load %arg4[%get3A_2509, %get3A_2510, %get3A_2511, %get3A_2512] : memref<1x128x4x2048xf32, #tpu.memory_space<vmem>>, vector<1x1x4x2048xf32>
    %get3A_2514 = vector.shape_cast %get3A_2513 : vector<1x1x4x2048xf32> to vector<4x2048xf32>
    %get3A_2515 = arith.index_cast %select_n3A_21 : i32 to index
    %get3A_2516 = arith.constant 92 : index
    %get3A_2517 = arith.constant 0 : index
    %get3A_2518 = arith.constant 0 : index
    %get3A_2519 = vector.load %arg6[%get3A_2515, %get3A_2516, %get3A_2517, %get3A_2518] : memref<2x128x4x2048xf32, #tpu.memory_space<vmem>>, vector<1x1x4x2048xf32>
    %get3A_2520 = vector.shape_cast %get3A_2519 : vector<1x1x4x2048xf32> to vector<4x2048xf32>
    %add3A_2521 = arith.addf %get3A_2514, %get3A_2520 : vector<4x2048xf32>
    %add3A_2522 = vector.broadcast %get3A_2508 : f32 to vector<4x2048xf32>
    %add3A_2523 = arith.addf %add3A_2521, %add3A_2522 : vector<4x2048xf32>
    %swap3A_2524 = arith.constant 0 : index
    %swap3A_2525 = arith.constant 92 : index
    %swap3A_2526 = arith.constant 0 : index
    %swap3A_2527 = arith.constant 0 : index
    %swap3A_2528 = vector.load %arg5[%swap3A_2524, %swap3A_2525, %swap3A_2526, %swap3A_2527] : memref<1x128x4x2048xf32, #tpu.memory_space<vmem>>, vector<1x1x4x2048xf32>
    %swap3A_2529 = vector.shape_cast %swap3A_2528 : vector<1x1x4x2048xf32> to vector<4x2048xf32>
    %swap3A_2530 = vector.shape_cast %add3A_2523 : vector<4x2048xf32> to vector<1x1x4x2048xf32>
    tpu.vector_store %arg5[%swap3A_2524, %swap3A_2525, %swap3A_2526, %swap3A_2527], %swap3A_2530 {strides = array<i32>} : memref<1x128x4x2048xf32, #tpu.memory_space<vmem>>, vector<1x1x4x2048xf32>,
    %add3A_2531 = arith.constant 93 : i32
    %add3A_2532 = arith.addi %mul3A_9, %add3A_2531 : i32
    %get3A_2533 = arith.index_cast %arg1 : i32 to index
    %get3A_2534 = arith.index_cast %add3A_2532 : i32 to index
    %get3A_2535 = memref.load %arg3[%get3A_2533, %get3A_2534] : memref<4x1024xf32, #tpu.memory_space<smem>>
    %get3A_2536 = arith.constant 0 : index
    %get3A_2537 = arith.constant 93 : index
    %get3A_2538 = arith.constant 0 : index
    %get3A_2539 = arith.constant 0 : index
    %get3A_2540 = vector.load %arg4[%get3A_2536, %get3A_2537, %get3A_2538, %get3A_2539] : memref<1x128x4x2048xf32, #tpu.memory_space<vmem>>, vector<1x1x4x2048xf32>
    %get3A_2541 = vector.shape_cast %get3A_2540 : vector<1x1x4x2048xf32> to vector<4x2048xf32>
    %get3A_2542 = arith.index_cast %select_n3A_21 : i32 to index
    %get3A_2543 = arith.constant 93 : index
    %get3A_2544 = arith.constant 0 : index
    %get3A_2545 = arith.constant 0 : index
    %get3A_2546 = vector.load %arg6[%get3A_2542, %get3A_2543, %get3A_2544, %get3A_2545] : memref<2x128x4x2048xf32, #tpu.memory_space<vmem>>, vector<1x1x4x2048xf32>
    %get3A_2547 = vector.shape_cast %get3A_2546 : vector<1x1x4x2048xf32> to vector<4x2048xf32>
    %add3A_2548 = arith.addf %get3A_2541, %get3A_2547 : vector<4x2048xf32>
    %add3A_2549 = vector.broadcast %get3A_2535 : f32 to vector<4x2048xf32>
    %add3A_2550 = arith.addf %add3A_2548, %add3A_2549 : vector<4x2048xf32>
    %swap3A_2551 = arith.constant 0 : index
    %swap3A_2552 = arith.constant 93 : index
    %swap3A_2553 = arith.constant 0 : index
    %swap3A_2554 = arith.constant 0 : index
    %swap3A_2555 = vector.load %arg5[%swap3A_2551, %swap3A_2552, %swap3A_2553, %swap3A_2554] : memref<1x128x4x2048xf32, #tpu.memory_space<vmem>>, vector<1x1x4x2048xf32>
    %swap3A_2556 = vector.shape_cast %swap3A_2555 : vector<1x1x4x2048xf32> to vector<4x2048xf32>
    %swap3A_2557 = vector.shape_cast %add3A_2550 : vector<4x2048xf32> to vector<1x1x4x2048xf32>
    tpu.vector_store %arg5[%swap3A_2551, %swap3A_2552, %swap3A_2553, %swap3A_2554], %swap3A_2557 {strides = array<i32>} : memref<1x128x4x2048xf32, #tpu.memory_space<vmem>>, vector<1x1x4x2048xf32>,
    %add3A_2558 = arith.constant 94 : i32
    %add3A_2559 = arith.addi %mul3A_9, %add3A_2558 : i32
    %get3A_2560 = arith.index_cast %arg1 : i32 to index
    %get3A_2561 = arith.index_cast %add3A_2559 : i32 to index
    %get3A_2562 = memref.load %arg3[%get3A_2560, %get3A_2561] : memref<4x1024xf32, #tpu.memory_space<smem>>
    %get3A_2563 = arith.constant 0 : index
    %get3A_2564 = arith.constant 94 : index
    %get3A_2565 = arith.constant 0 : index
    %get3A_2566 = arith.constant 0 : index
    %get3A_2567 = vector.load %arg4[%get3A_2563, %get3A_2564, %get3A_2565, %get3A_2566] : memref<1x128x4x2048xf32, #tpu.memory_space<vmem>>, vector<1x1x4x2048xf32>
    %get3A_2568 = vector.shape_cast %get3A_2567 : vector<1x1x4x2048xf32> to vector<4x2048xf32>
    %get3A_2569 = arith.index_cast %select_n3A_21 : i32 to index
    %get3A_2570 = arith.constant 94 : index
    %get3A_2571 = arith.constant 0 : index
    %get3A_2572 = arith.constant 0 : index
    %get3A_2573 = vector.load %arg6[%get3A_2569, %get3A_2570, %get3A_2571, %get3A_2572] : memref<2x128x4x2048xf32, #tpu.memory_space<vmem>>, vector<1x1x4x2048xf32>
    %get3A_2574 = vector.shape_cast %get3A_2573 : vector<1x1x4x2048xf32> to vector<4x2048xf32>
    %add3A_2575 = arith.addf %get3A_2568, %get3A_2574 : vector<4x2048xf32>
    %add3A_2576 = vector.broadcast %get3A_2562 : f32 to vector<4x2048xf32>
    %add3A_2577 = arith.addf %add3A_2575, %add3A_2576 : vector<4x2048xf32>
    %swap3A_2578 = arith.constant 0 : index
    %swap3A_2579 = arith.constant 94 : index
    %swap3A_2580 = arith.constant 0 : index
    %swap3A_2581 = arith.constant 0 : index
    %swap3A_2582 = vector.load %arg5[%swap3A_2578, %swap3A_2579, %swap3A_2580, %swap3A_2581] : memref<1x128x4x2048xf32, #tpu.memory_space<vmem>>, vector<1x1x4x2048xf32>
    %swap3A_2583 = vector.shape_cast %swap3A_2582 : vector<1x1x4x2048xf32> to vector<4x2048xf32>
    %swap3A_2584 = vector.shape_cast %add3A_2577 : vector<4x2048xf32> to vector<1x1x4x2048xf32>
    tpu.vector_store %arg5[%swap3A_2578, %swap3A_2579, %swap3A_2580, %swap3A_2581], %swap3A_2584 {strides = array<i32>} : memref<1x128x4x2048xf32, #tpu.memory_space<vmem>>, vector<1x1x4x2048xf32>,
    %add3A_2585 = arith.constant 95 : i32
    %add3A_2586 = arith.addi %mul3A_9, %add3A_2585 : i32
    %get3A_2587 = arith.index_cast %arg1 : i32 to index
    %get3A_2588 = arith.index_cast %add3A_2586 : i32 to index
    %get3A_2589 = memref.load %arg3[%get3A_2587, %get3A_2588] : memref<4x1024xf32, #tpu.memory_space<smem>>
    %get3A_2590 = arith.constant 0 : index
    %get3A_2591 = arith.constant 95 : index
    %get3A_2592 = arith.constant 0 : index
    %get3A_2593 = arith.constant 0 : index
    %get3A_2594 = vector.load %arg4[%get3A_2590, %get3A_2591, %get3A_2592, %get3A_2593] : memref<1x128x4x2048xf32, #tpu.memory_space<vmem>>, vector<1x1x4x2048xf32>
    %get3A_2595 = vector.shape_cast %get3A_2594 : vector<1x1x4x2048xf32> to vector<4x2048xf32>
    %get3A_2596 = arith.index_cast %select_n3A_21 : i32 to index
    %get3A_2597 = arith.constant 95 : index
    %get3A_2598 = arith.constant 0 : index
    %get3A_2599 = arith.constant 0 : index
    %get3A_2600 = vector.load %arg6[%get3A_2596, %get3A_2597, %get3A_2598, %get3A_2599] : memref<2x128x4x2048xf32, #tpu.memory_space<vmem>>, vector<1x1x4x2048xf32>
    %get3A_2601 = vector.shape_cast %get3A_2600 : vector<1x1x4x2048xf32> to vector<4x2048xf32>
    %add3A_2602 = arith.addf %get3A_2595, %get3A_2601 : vector<4x2048xf32>
    %add3A_2603 = vector.broadcast %get3A_2589 : f32 to vector<4x2048xf32>
    %add3A_2604 = arith.addf %add3A_2602, %add3A_2603 : vector<4x2048xf32>
    %swap3A_2605 = arith.constant 0 : index
    %swap3A_2606 = arith.constant 95 : index
    %swap3A_2607 = arith.constant 0 : index
    %swap3A_2608 = arith.constant 0 : index
    %swap3A_2609 = vector.load %arg5[%swap3A_2605, %swap3A_2606, %swap3A_2607, %swap3A_2608] : memref<1x128x4x2048xf32, #tpu.memory_space<vmem>>, vector<1x1x4x2048xf32>
    %swap3A_2610 = vector.shape_cast %swap3A_2609 : vector<1x1x4x2048xf32> to vector<4x2048xf32>
    %swap3A_2611 = vector.shape_cast %add3A_2604 : vector<4x2048xf32> to vector<1x1x4x2048xf32>
    tpu.vector_store %arg5[%swap3A_2605, %swap3A_2606, %swap3A_2607, %swap3A_2608], %swap3A_2611 {strides = array<i32>} : memref<1x128x4x2048xf32, #tpu.memory_space<vmem>>, vector<1x1x4x2048xf32>,
    %add3A_2612 = arith.constant 96 : i32
    %add3A_2613 = arith.addi %mul3A_9, %add3A_2612 : i32
    %get3A_2614 = arith.index_cast %arg1 : i32 to index
    %get3A_2615 = arith.index_cast %add3A_2613 : i32 to index
    %get3A_2616 = memref.load %arg3[%get3A_2614, %get3A_2615] : memref<4x1024xf32, #tpu.memory_space<smem>>
    %get3A_2617 = arith.constant 0 : index
    %get3A_2618 = arith.constant 96 : index
    %get3A_2619 = arith.constant 0 : index
    %get3A_2620 = arith.constant 0 : index
    %get3A_2621 = vector.load %arg4[%get3A_2617, %get3A_2618, %get3A_2619, %get3A_2620] : memref<1x128x4x2048xf32, #tpu.memory_space<vmem>>, vector<1x1x4x2048xf32>
    %get3A_2622 = vector.shape_cast %get3A_2621 : vector<1x1x4x2048xf32> to vector<4x2048xf32>
    %get3A_2623 = arith.index_cast %select_n3A_21 : i32 to index
    %get3A_2624 = arith.constant 96 : index
    %get3A_2625 = arith.constant 0 : index
    %get3A_2626 = arith.constant 0 : index
    %get3A_2627 = vector.load %arg6[%get3A_2623, %get3A_2624, %get3A_2625, %get3A_2626] : memref<2x128x4x2048xf32, #tpu.memory_space<vmem>>, vector<1x1x4x2048xf32>
    %get3A_2628 = vector.shape_cast %get3A_2627 : vector<1x1x4x2048xf32> to vector<4x2048xf32>
    %add3A_2629 = arith.addf %get3A_2622, %get3A_2628 : vector<4x2048xf32>
    %add3A_2630 = vector.broadcast %get3A_2616 : f32 to vector<4x2048xf32>
    %add3A_2631 = arith.addf %add3A_2629, %add3A_2630 : vector<4x2048xf32>
    %swap3A_2632 = arith.constant 0 : index
    %swap3A_2633 = arith.constant 96 : index
    %swap3A_2634 = arith.constant 0 : index
    %swap3A_2635 = arith.constant 0 : index
    %swap3A_2636 = vector.load %arg5[%swap3A_2632, %swap3A_2633, %swap3A_2634, %swap3A_2635] : memref<1x128x4x2048xf32, #tpu.memory_space<vmem>>, vector<1x1x4x2048xf32>
    %swap3A_2637 = vector.shape_cast %swap3A_2636 : vector<1x1x4x2048xf32> to vector<4x2048xf32>
    %swap3A_2638 = vector.shape_cast %add3A_2631 : vector<4x2048xf32> to vector<1x1x4x2048xf32>
    tpu.vector_store %arg5[%swap3A_2632, %swap3A_2633, %swap3A_2634, %swap3A_2635], %swap3A_2638 {strides = array<i32>} : memref<1x128x4x2048xf32, #tpu.memory_space<vmem>>, vector<1x1x4x2048xf32>,
    %add3A_2639 = arith.constant 97 : i32
    %add3A_2640 = arith.addi %mul3A_9, %add3A_2639 : i32
    %get3A_2641 = arith.index_cast %arg1 : i32 to index
    %get3A_2642 = arith.index_cast %add3A_2640 : i32 to index
    %get3A_2643 = memref.load %arg3[%get3A_2641, %get3A_2642] : memref<4x1024xf32, #tpu.memory_space<smem>>
    %get3A_2644 = arith.constant 0 : index
    %get3A_2645 = arith.constant 97 : index
    %get3A_2646 = arith.constant 0 : index
    %get3A_2647 = arith.constant 0 : index
    %get3A_2648 = vector.load %arg4[%get3A_2644, %get3A_2645, %get3A_2646, %get3A_2647] : memref<1x128x4x2048xf32, #tpu.memory_space<vmem>>, vector<1x1x4x2048xf32>
    %get3A_2649 = vector.shape_cast %get3A_2648 : vector<1x1x4x2048xf32> to vector<4x2048xf32>
    %get3A_2650 = arith.index_cast %select_n3A_21 : i32 to index
    %get3A_2651 = arith.constant 97 : index
    %get3A_2652 = arith.constant 0 : index
    %get3A_2653 = arith.constant 0 : index
    %get3A_2654 = vector.load %arg6[%get3A_2650, %get3A_2651, %get3A_2652, %get3A_2653] : memref<2x128x4x2048xf32, #tpu.memory_space<vmem>>, vector<1x1x4x2048xf32>
    %get3A_2655 = vector.shape_cast %get3A_2654 : vector<1x1x4x2048xf32> to vector<4x2048xf32>
    %add3A_2656 = arith.addf %get3A_2649, %get3A_2655 : vector<4x2048xf32>
    %add3A_2657 = vector.broadcast %get3A_2643 : f32 to vector<4x2048xf32>
    %add3A_2658 = arith.addf %add3A_2656, %add3A_2657 : vector<4x2048xf32>
    %swap3A_2659 = arith.constant 0 : index
    %swap3A_2660 = arith.constant 97 : index
    %swap3A_2661 = arith.constant 0 : index
    %swap3A_2662 = arith.constant 0 : index
    %swap3A_2663 = vector.load %arg5[%swap3A_2659, %swap3A_2660, %swap3A_2661, %swap3A_2662] : memref<1x128x4x2048xf32, #tpu.memory_space<vmem>>, vector<1x1x4x2048xf32>
    %swap3A_2664 = vector.shape_cast %swap3A_2663 : vector<1x1x4x2048xf32> to vector<4x2048xf32>
    %swap3A_2665 = vector.shape_cast %add3A_2658 : vector<4x2048xf32> to vector<1x1x4x2048xf32>
    tpu.vector_store %arg5[%swap3A_2659, %swap3A_2660, %swap3A_2661, %swap3A_2662], %swap3A_2665 {strides = array<i32>} : memref<1x128x4x2048xf32, #tpu.memory_space<vmem>>, vector<1x1x4x2048xf32>,
    %add3A_2666 = arith.constant 98 : i32
    %add3A_2667 = arith.addi %mul3A_9, %add3A_2666 : i32
    %get3A_2668 = arith.index_cast %arg1 : i32 to index
    %get3A_2669 = arith.index_cast %add3A_2667 : i32 to index
    %get3A_2670 = memref.load %arg3[%get3A_2668, %get3A_2669] : memref<4x1024xf32, #tpu.memory_space<smem>>
    %get3A_2671 = arith.constant 0 : index
    %get3A_2672 = arith.constant 98 : index
    %get3A_2673 = arith.constant 0 : index
    %get3A_2674 = arith.constant 0 : index
    %get3A_2675 = vector.load %arg4[%get3A_2671, %get3A_2672, %get3A_2673, %get3A_2674] : memref<1x128x4x2048xf32, #tpu.memory_space<vmem>>, vector<1x1x4x2048xf32>
    %get3A_2676 = vector.shape_cast %get3A_2675 : vector<1x1x4x2048xf32> to vector<4x2048xf32>
    %get3A_2677 = arith.index_cast %select_n3A_21 : i32 to index
    %get3A_2678 = arith.constant 98 : index
    %get3A_2679 = arith.constant 0 : index
    %get3A_2680 = arith.constant 0 : index
    %get3A_2681 = vector.load %arg6[%get3A_2677, %get3A_2678, %get3A_2679, %get3A_2680] : memref<2x128x4x2048xf32, #tpu.memory_space<vmem>>, vector<1x1x4x2048xf32>
    %get3A_2682 = vector.shape_cast %get3A_2681 : vector<1x1x4x2048xf32> to vector<4x2048xf32>
    %add3A_2683 = arith.addf %get3A_2676, %get3A_2682 : vector<4x2048xf32>
    %add3A_2684 = vector.broadcast %get3A_2670 : f32 to vector<4x2048xf32>
    %add3A_2685 = arith.addf %add3A_2683, %add3A_2684 : vector<4x2048xf32>
    %swap3A_2686 = arith.constant 0 : index
    %swap3A_2687 = arith.constant 98 : index
    %swap3A_2688 = arith.constant 0 : index
    %swap3A_2689 = arith.constant 0 : index
    %swap3A_2690 = vector.load %arg5[%swap3A_2686, %swap3A_2687, %swap3A_2688, %swap3A_2689] : memref<1x128x4x2048xf32, #tpu.memory_space<vmem>>, vector<1x1x4x2048xf32>
    %swap3A_2691 = vector.shape_cast %swap3A_2690 : vector<1x1x4x2048xf32> to vector<4x2048xf32>
    %swap3A_2692 = vector.shape_cast %add3A_2685 : vector<4x2048xf32> to vector<1x1x4x2048xf32>
    tpu.vector_store %arg5[%swap3A_2686, %swap3A_2687, %swap3A_2688, %swap3A_2689], %swap3A_2692 {strides = array<i32>} : memref<1x128x4x2048xf32, #tpu.memory_space<vmem>>, vector<1x1x4x2048xf32>,
    %add3A_2693 = arith.constant 99 : i32
    %add3A_2694 = arith.addi %mul3A_9, %add3A_2693 : i32
    %get3A_2695 = arith.index_cast %arg1 : i32 to index
    %get3A_2696 = arith.index_cast %add3A_2694 : i32 to index
    %get3A_2697 = memref.load %arg3[%get3A_2695, %get3A_2696] : memref<4x1024xf32, #tpu.memory_space<smem>>
    %get3A_2698 = arith.constant 0 : index
    %get3A_2699 = arith.constant 99 : index
    %get3A_2700 = arith.constant 0 : index
    %get3A_2701 = arith.constant 0 : index
    %get3A_2702 = vector.load %arg4[%get3A_2698, %get3A_2699, %get3A_2700, %get3A_2701] : memref<1x128x4x2048xf32, #tpu.memory_space<vmem>>, vector<1x1x4x2048xf32>
    %get3A_2703 = vector.shape_cast %get3A_2702 : vector<1x1x4x2048xf32> to vector<4x2048xf32>
    %get3A_2704 = arith.index_cast %select_n3A_21 : i32 to index
    %get3A_2705 = arith.constant 99 : index
    %get3A_2706 = arith.constant 0 : index
    %get3A_2707 = arith.constant 0 : index
    %get3A_2708 = vector.load %arg6[%get3A_2704, %get3A_2705, %get3A_2706, %get3A_2707] : memref<2x128x4x2048xf32, #tpu.memory_space<vmem>>, vector<1x1x4x2048xf32>
    %get3A_2709 = vector.shape_cast %get3A_2708 : vector<1x1x4x2048xf32> to vector<4x2048xf32>
    %add3A_2710 = arith.addf %get3A_2703, %get3A_2709 : vector<4x2048xf32>
    %add3A_2711 = vector.broadcast %get3A_2697 : f32 to vector<4x2048xf32>
    %add3A_2712 = arith.addf %add3A_2710, %add3A_2711 : vector<4x2048xf32>
    %swap3A_2713 = arith.constant 0 : index
    %swap3A_2714 = arith.constant 99 : index
    %swap3A_2715 = arith.constant 0 : index
    %swap3A_2716 = arith.constant 0 : index
    %swap3A_2717 = vector.load %arg5[%swap3A_2713, %swap3A_2714, %swap3A_2715, %swap3A_2716] : memref<1x128x4x2048xf32, #tpu.memory_space<vmem>>, vector<1x1x4x2048xf32>
    %swap3A_2718 = vector.shape_cast %swap3A_2717 : vector<1x1x4x2048xf32> to vector<4x2048xf32>
    %swap3A_2719 = vector.shape_cast %add3A_2712 : vector<4x2048xf32> to vector<1x1x4x2048xf32>
    tpu.vector_store %arg5[%swap3A_2713, %swap3A_2714, %swap3A_2715, %swap3A_2716], %swap3A_2719 {strides = array<i32>} : memref<1x128x4x2048xf32, #tpu.memory_space<vmem>>, vector<1x1x4x2048xf32>,
    %add3A_2720 = arith.constant 100 : i32
    %add3A_2721 = arith.addi %mul3A_9, %add3A_2720 : i32
    %get3A_2722 = arith.index_cast %arg1 : i32 to index
    %get3A_2723 = arith.index_cast %add3A_2721 : i32 to index
    %get3A_2724 = memref.load %arg3[%get3A_2722, %get3A_2723] : memref<4x1024xf32, #tpu.memory_space<smem>>
    %get3A_2725 = arith.constant 0 : index
    %get3A_2726 = arith.constant 100 : index
    %get3A_2727 = arith.constant 0 : index
    %get3A_2728 = arith.constant 0 : index
    %get3A_2729 = vector.load %arg4[%get3A_2725, %get3A_2726, %get3A_2727, %get3A_2728] : memref<1x128x4x2048xf32, #tpu.memory_space<vmem>>, vector<1x1x4x2048xf32>
    %get3A_2730 = vector.shape_cast %get3A_2729 : vector<1x1x4x2048xf32> to vector<4x2048xf32>
    %get3A_2731 = arith.index_cast %select_n3A_21 : i32 to index
    %get3A_2732 = arith.constant 100 : index
    %get3A_2733 = arith.constant 0 : index
    %get3A_2734 = arith.constant 0 : index
    %get3A_2735 = vector.load %arg6[%get3A_2731, %get3A_2732, %get3A_2733, %get3A_2734] : memref<2x128x4x2048xf32, #tpu.memory_space<vmem>>, vector<1x1x4x2048xf32>
    %get3A_2736 = vector.shape_cast %get3A_2735 : vector<1x1x4x2048xf32> to vector<4x2048xf32>
    %add3A_2737 = arith.addf %get3A_2730, %get3A_2736 : vector<4x2048xf32>
    %add3A_2738 = vector.broadcast %get3A_2724 : f32 to vector<4x2048xf32>
    %add3A_2739 = arith.addf %add3A_2737, %add3A_2738 : vector<4x2048xf32>
    %swap3A_2740 = arith.constant 0 : index
    %swap3A_2741 = arith.constant 100 : index
    %swap3A_2742 = arith.constant 0 : index
    %swap3A_2743 = arith.constant 0 : index
    %swap3A_2744 = vector.load %arg5[%swap3A_2740, %swap3A_2741, %swap3A_2742, %swap3A_2743] : memref<1x128x4x2048xf32, #tpu.memory_space<vmem>>, vector<1x1x4x2048xf32>
    %swap3A_2745 = vector.shape_cast %swap3A_2744 : vector<1x1x4x2048xf32> to vector<4x2048xf32>
    %swap3A_2746 = vector.shape_cast %add3A_2739 : vector<4x2048xf32> to vector<1x1x4x2048xf32>
    tpu.vector_store %arg5[%swap3A_2740, %swap3A_2741, %swap3A_2742, %swap3A_2743], %swap3A_2746 {strides = array<i32>} : memref<1x128x4x2048xf32, #tpu.memory_space<vmem>>, vector<1x1x4x2048xf32>,
    %add3A_2747 = arith.constant 101 : i32
    %add3A_2748 = arith.addi %mul3A_9, %add3A_2747 : i32
    %get3A_2749 = arith.index_cast %arg1 : i32 to index
    %get3A_2750 = arith.index_cast %add3A_2748 : i32 to index
    %get3A_2751 = memref.load %arg3[%get3A_2749, %get3A_2750] : memref<4x1024xf32, #tpu.memory_space<smem>>
    %get3A_2752 = arith.constant 0 : index
    %get3A_2753 = arith.constant 101 : index
    %get3A_2754 = arith.constant 0 : index
    %get3A_2755 = arith.constant 0 : index
    %get3A_2756 = vector.load %arg4[%get3A_2752, %get3A_2753, %get3A_2754, %get3A_2755] : memref<1x128x4x2048xf32, #tpu.memory_space<vmem>>, vector<1x1x4x2048xf32>
    %get3A_2757 = vector.shape_cast %get3A_2756 : vector<1x1x4x2048xf32> to vector<4x2048xf32>
    %get3A_2758 = arith.index_cast %select_n3A_21 : i32 to index
    %get3A_2759 = arith.constant 101 : index
    %get3A_2760 = arith.constant 0 : index
    %get3A_2761 = arith.constant 0 : index
    %get3A_2762 = vector.load %arg6[%get3A_2758, %get3A_2759, %get3A_2760, %get3A_2761] : memref<2x128x4x2048xf32, #tpu.memory_space<vmem>>, vector<1x1x4x2048xf32>
    %get3A_2763 = vector.shape_cast %get3A_2762 : vector<1x1x4x2048xf32> to vector<4x2048xf32>
    %add3A_2764 = arith.addf %get3A_2757, %get3A_2763 : vector<4x2048xf32>
    %add3A_2765 = vector.broadcast %get3A_2751 : f32 to vector<4x2048xf32>
    %add3A_2766 = arith.addf %add3A_2764, %add3A_2765 : vector<4x2048xf32>
    %swap3A_2767 = arith.constant 0 : index
    %swap3A_2768 = arith.constant 101 : index
    %swap3A_2769 = arith.constant 0 : index
    %swap3A_2770 = arith.constant 0 : index
    %swap3A_2771 = vector.load %arg5[%swap3A_2767, %swap3A_2768, %swap3A_2769, %swap3A_2770] : memref<1x128x4x2048xf32, #tpu.memory_space<vmem>>, vector<1x1x4x2048xf32>
    %swap3A_2772 = vector.shape_cast %swap3A_2771 : vector<1x1x4x2048xf32> to vector<4x2048xf32>
    %swap3A_2773 = vector.shape_cast %add3A_2766 : vector<4x2048xf32> to vector<1x1x4x2048xf32>
    tpu.vector_store %arg5[%swap3A_2767, %swap3A_2768, %swap3A_2769, %swap3A_2770], %swap3A_2773 {strides = array<i32>} : memref<1x128x4x2048xf32, #tpu.memory_space<vmem>>, vector<1x1x4x2048xf32>,
    %add3A_2774 = arith.constant 102 : i32
    %add3A_2775 = arith.addi %mul3A_9, %add3A_2774 : i32
    %get3A_2776 = arith.index_cast %arg1 : i32 to index
    %get3A_2777 = arith.index_cast %add3A_2775 : i32 to index
    %get3A_2778 = memref.load %arg3[%get3A_2776, %get3A_2777] : memref<4x1024xf32, #tpu.memory_space<smem>>
    %get3A_2779 = arith.constant 0 : index
    %get3A_2780 = arith.constant 102 : index
    %get3A_2781 = arith.constant 0 : index
    %get3A_2782 = arith.constant 0 : index
    %get3A_2783 = vector.load %arg4[%get3A_2779, %get3A_2780, %get3A_2781, %get3A_2782] : memref<1x128x4x2048xf32, #tpu.memory_space<vmem>>, vector<1x1x4x2048xf32>
    %get3A_2784 = vector.shape_cast %get3A_2783 : vector<1x1x4x2048xf32> to vector<4x2048xf32>
    %get3A_2785 = arith.index_cast %select_n3A_21 : i32 to index
    %get3A_2786 = arith.constant 102 : index
    %get3A_2787 = arith.constant 0 : index
    %get3A_2788 = arith.constant 0 : index
    %get3A_2789 = vector.load %arg6[%get3A_2785, %get3A_2786, %get3A_2787, %get3A_2788] : memref<2x128x4x2048xf32, #tpu.memory_space<vmem>>, vector<1x1x4x2048xf32>
    %get3A_2790 = vector.shape_cast %get3A_2789 : vector<1x1x4x2048xf32> to vector<4x2048xf32>
    %add3A_2791 = arith.addf %get3A_2784, %get3A_2790 : vector<4x2048xf32>
    %add3A_2792 = vector.broadcast %get3A_2778 : f32 to vector<4x2048xf32>
    %add3A_2793 = arith.addf %add3A_2791, %add3A_2792 : vector<4x2048xf32>
    %swap3A_2794 = arith.constant 0 : index
    %swap3A_2795 = arith.constant 102 : index
    %swap3A_2796 = arith.constant 0 : index
    %swap3A_2797 = arith.constant 0 : index
    %swap3A_2798 = vector.load %arg5[%swap3A_2794, %swap3A_2795, %swap3A_2796, %swap3A_2797] : memref<1x128x4x2048xf32, #tpu.memory_space<vmem>>, vector<1x1x4x2048xf32>
    %swap3A_2799 = vector.shape_cast %swap3A_2798 : vector<1x1x4x2048xf32> to vector<4x2048xf32>
    %swap3A_2800 = vector.shape_cast %add3A_2793 : vector<4x2048xf32> to vector<1x1x4x2048xf32>
    tpu.vector_store %arg5[%swap3A_2794, %swap3A_2795, %swap3A_2796, %swap3A_2797], %swap3A_2800 {strides = array<i32>} : memref<1x128x4x2048xf32, #tpu.memory_space<vmem>>, vector<1x1x4x2048xf32>,
    %add3A_2801 = arith.constant 103 : i32
    %add3A_2802 = arith.addi %mul3A_9, %add3A_2801 : i32
    %get3A_2803 = arith.index_cast %arg1 : i32 to index
    %get3A_2804 = arith.index_cast %add3A_2802 : i32 to index
    %get3A_2805 = memref.load %arg3[%get3A_2803, %get3A_2804] : memref<4x1024xf32, #tpu.memory_space<smem>>
    %get3A_2806 = arith.constant 0 : index
    %get3A_2807 = arith.constant 103 : index
    %get3A_2808 = arith.constant 0 : index
    %get3A_2809 = arith.constant 0 : index
    %get3A_2810 = vector.load %arg4[%get3A_2806, %get3A_2807, %get3A_2808, %get3A_2809] : memref<1x128x4x2048xf32, #tpu.memory_space<vmem>>, vector<1x1x4x2048xf32>
    %get3A_2811 = vector.shape_cast %get3A_2810 : vector<1x1x4x2048xf32> to vector<4x2048xf32>
    %get3A_2812 = arith.index_cast %select_n3A_21 : i32 to index
    %get3A_2813 = arith.constant 103 : index
    %get3A_2814 = arith.constant 0 : index
    %get3A_2815 = arith.constant 0 : index
    %get3A_2816 = vector.load %arg6[%get3A_2812, %get3A_2813, %get3A_2814, %get3A_2815] : memref<2x128x4x2048xf32, #tpu.memory_space<vmem>>, vector<1x1x4x2048xf32>
    %get3A_2817 = vector.shape_cast %get3A_2816 : vector<1x1x4x2048xf32> to vector<4x2048xf32>
    %add3A_2818 = arith.addf %get3A_2811, %get3A_2817 : vector<4x2048xf32>
    %add3A_2819 = vector.broadcast %get3A_2805 : f32 to vector<4x2048xf32>
    %add3A_2820 = arith.addf %add3A_2818, %add3A_2819 : vector<4x2048xf32>
    %swap3A_2821 = arith.constant 0 : index
    %swap3A_2822 = arith.constant 103 : index
    %swap3A_2823 = arith.constant 0 : index
    %swap3A_2824 = arith.constant 0 : index
    %swap3A_2825 = vector.load %arg5[%swap3A_2821, %swap3A_2822, %swap3A_2823, %swap3A_2824] : memref<1x128x4x2048xf32, #tpu.memory_space<vmem>>, vector<1x1x4x2048xf32>
    %swap3A_2826 = vector.shape_cast %swap3A_2825 : vector<1x1x4x2048xf32> to vector<4x2048xf32>
    %swap3A_2827 = vector.shape_cast %add3A_2820 : vector<4x2048xf32> to vector<1x1x4x2048xf32>
    tpu.vector_store %arg5[%swap3A_2821, %swap3A_2822, %swap3A_2823, %swap3A_2824], %swap3A_2827 {strides = array<i32>} : memref<1x128x4x2048xf32, #tpu.memory_space<vmem>>, vector<1x1x4x2048xf32>,
    %add3A_2828 = arith.constant 104 : i32
    %add3A_2829 = arith.addi %mul3A_9, %add3A_2828 : i32
    %get3A_2830 = arith.index_cast %arg1 : i32 to index
    %get3A_2831 = arith.index_cast %add3A_2829 : i32 to index
    %get3A_2832 = memref.load %arg3[%get3A_2830, %get3A_2831] : memref<4x1024xf32, #tpu.memory_space<smem>>
    %get3A_2833 = arith.constant 0 : index
    %get3A_2834 = arith.constant 104 : index
    %get3A_2835 = arith.constant 0 : index
    %get3A_2836 = arith.constant 0 : index
    %get3A_2837 = vector.load %arg4[%get3A_2833, %get3A_2834, %get3A_2835, %get3A_2836] : memref<1x128x4x2048xf32, #tpu.memory_space<vmem>>, vector<1x1x4x2048xf32>
    %get3A_2838 = vector.shape_cast %get3A_2837 : vector<1x1x4x2048xf32> to vector<4x2048xf32>
    %get3A_2839 = arith.index_cast %select_n3A_21 : i32 to index
    %get3A_2840 = arith.constant 104 : index
    %get3A_2841 = arith.constant 0 : index
    %get3A_2842 = arith.constant 0 : index
    %get3A_2843 = vector.load %arg6[%get3A_2839, %get3A_2840, %get3A_2841, %get3A_2842] : memref<2x128x4x2048xf32, #tpu.memory_space<vmem>>, vector<1x1x4x2048xf32>
    %get3A_2844 = vector.shape_cast %get3A_2843 : vector<1x1x4x2048xf32> to vector<4x2048xf32>
    %add3A_2845 = arith.addf %get3A_2838, %get3A_2844 : vector<4x2048xf32>
    %add3A_2846 = vector.broadcast %get3A_2832 : f32 to vector<4x2048xf32>
    %add3A_2847 = arith.addf %add3A_2845, %add3A_2846 : vector<4x2048xf32>
    %swap3A_2848 = arith.constant 0 : index
    %swap3A_2849 = arith.constant 104 : index
    %swap3A_2850 = arith.constant 0 : index
    %swap3A_2851 = arith.constant 0 : index
    %swap3A_2852 = vector.load %arg5[%swap3A_2848, %swap3A_2849, %swap3A_2850, %swap3A_2851] : memref<1x128x4x2048xf32, #tpu.memory_space<vmem>>, vector<1x1x4x2048xf32>
    %swap3A_2853 = vector.shape_cast %swap3A_2852 : vector<1x1x4x2048xf32> to vector<4x2048xf32>
    %swap3A_2854 = vector.shape_cast %add3A_2847 : vector<4x2048xf32> to vector<1x1x4x2048xf32>
    tpu.vector_store %arg5[%swap3A_2848, %swap3A_2849, %swap3A_2850, %swap3A_2851], %swap3A_2854 {strides = array<i32>} : memref<1x128x4x2048xf32, #tpu.memory_space<vmem>>, vector<1x1x4x2048xf32>,
    %add3A_2855 = arith.constant 105 : i32
    %add3A_2856 = arith.addi %mul3A_9, %add3A_2855 : i32
    %get3A_2857 = arith.index_cast %arg1 : i32 to index
    %get3A_2858 = arith.index_cast %add3A_2856 : i32 to index
    %get3A_2859 = memref.load %arg3[%get3A_2857, %get3A_2858] : memref<4x1024xf32, #tpu.memory_space<smem>>
    %get3A_2860 = arith.constant 0 : index
    %get3A_2861 = arith.constant 105 : index
    %get3A_2862 = arith.constant 0 : index
    %get3A_2863 = arith.constant 0 : index
    %get3A_2864 = vector.load %arg4[%get3A_2860, %get3A_2861, %get3A_2862, %get3A_2863] : memref<1x128x4x2048xf32, #tpu.memory_space<vmem>>, vector<1x1x4x2048xf32>
    %get3A_2865 = vector.shape_cast %get3A_2864 : vector<1x1x4x2048xf32> to vector<4x2048xf32>
    %get3A_2866 = arith.index_cast %select_n3A_21 : i32 to index
    %get3A_2867 = arith.constant 105 : index
    %get3A_2868 = arith.constant 0 : index
    %get3A_2869 = arith.constant 0 : index
    %get3A_2870 = vector.load %arg6[%get3A_2866, %get3A_2867, %get3A_2868, %get3A_2869] : memref<2x128x4x2048xf32, #tpu.memory_space<vmem>>, vector<1x1x4x2048xf32>
    %get3A_2871 = vector.shape_cast %get3A_2870 : vector<1x1x4x2048xf32> to vector<4x2048xf32>
    %add3A_2872 = arith.addf %get3A_2865, %get3A_2871 : vector<4x2048xf32>
    %add3A_2873 = vector.broadcast %get3A_2859 : f32 to vector<4x2048xf32>
    %add3A_2874 = arith.addf %add3A_2872, %add3A_2873 : vector<4x2048xf32>
    %swap3A_2875 = arith.constant 0 : index
    %swap3A_2876 = arith.constant 105 : index
    %swap3A_2877 = arith.constant 0 : index
    %swap3A_2878 = arith.constant 0 : index
    %swap3A_2879 = vector.load %arg5[%swap3A_2875, %swap3A_2876, %swap3A_2877, %swap3A_2878] : memref<1x128x4x2048xf32, #tpu.memory_space<vmem>>, vector<1x1x4x2048xf32>
    %swap3A_2880 = vector.shape_cast %swap3A_2879 : vector<1x1x4x2048xf32> to vector<4x2048xf32>
    %swap3A_2881 = vector.shape_cast %add3A_2874 : vector<4x2048xf32> to vector<1x1x4x2048xf32>
    tpu.vector_store %arg5[%swap3A_2875, %swap3A_2876, %swap3A_2877, %swap3A_2878], %swap3A_2881 {strides = array<i32>} : memref<1x128x4x2048xf32, #tpu.memory_space<vmem>>, vector<1x1x4x2048xf32>,
    %add3A_2882 = arith.constant 106 : i32
    %add3A_2883 = arith.addi %mul3A_9, %add3A_2882 : i32
    %get3A_2884 = arith.index_cast %arg1 : i32 to index
    %get3A_2885 = arith.index_cast %add3A_2883 : i32 to index
    %get3A_2886 = memref.load %arg3[%get3A_2884, %get3A_2885] : memref<4x1024xf32, #tpu.memory_space<smem>>
    %get3A_2887 = arith.constant 0 : index
    %get3A_2888 = arith.constant 106 : index
    %get3A_2889 = arith.constant 0 : index
    %get3A_2890 = arith.constant 0 : index
    %get3A_2891 = vector.load %arg4[%get3A_2887, %get3A_2888, %get3A_2889, %get3A_2890] : memref<1x128x4x2048xf32, #tpu.memory_space<vmem>>, vector<1x1x4x2048xf32>
    %get3A_2892 = vector.shape_cast %get3A_2891 : vector<1x1x4x2048xf32> to vector<4x2048xf32>
    %get3A_2893 = arith.index_cast %select_n3A_21 : i32 to index
    %get3A_2894 = arith.constant 106 : index
    %get3A_2895 = arith.constant 0 : index
    %get3A_2896 = arith.constant 0 : index
    %get3A_2897 = vector.load %arg6[%get3A_2893, %get3A_2894, %get3A_2895, %get3A_2896] : memref<2x128x4x2048xf32, #tpu.memory_space<vmem>>, vector<1x1x4x2048xf32>
    %get3A_2898 = vector.shape_cast %get3A_2897 : vector<1x1x4x2048xf32> to vector<4x2048xf32>
    %add3A_2899 = arith.addf %get3A_2892, %get3A_2898 : vector<4x2048xf32>
    %add3A_2900 = vector.broadcast %get3A_2886 : f32 to vector<4x2048xf32>
    %add3A_2901 = arith.addf %add3A_2899, %add3A_2900 : vector<4x2048xf32>
    %swap3A_2902 = arith.constant 0 : index
    %swap3A_2903 = arith.constant 106 : index
    %swap3A_2904 = arith.constant 0 : index
    %swap3A_2905 = arith.constant 0 : index
    %swap3A_2906 = vector.load %arg5[%swap3A_2902, %swap3A_2903, %swap3A_2904, %swap3A_2905] : memref<1x128x4x2048xf32, #tpu.memory_space<vmem>>, vector<1x1x4x2048xf32>
    %swap3A_2907 = vector.shape_cast %swap3A_2906 : vector<1x1x4x2048xf32> to vector<4x2048xf32>
    %swap3A_2908 = vector.shape_cast %add3A_2901 : vector<4x2048xf32> to vector<1x1x4x2048xf32>
    tpu.vector_store %arg5[%swap3A_2902, %swap3A_2903, %swap3A_2904, %swap3A_2905], %swap3A_2908 {strides = array<i32>} : memref<1x128x4x2048xf32, #tpu.memory_space<vmem>>, vector<1x1x4x2048xf32>,
    %add3A_2909 = arith.constant 107 : i32
    %add3A_2910 = arith.addi %mul3A_9, %add3A_2909 : i32
    %get3A_2911 = arith.index_cast %arg1 : i32 to index
    %get3A_2912 = arith.index_cast %add3A_2910 : i32 to index
    %get3A_2913 = memref.load %arg3[%get3A_2911, %get3A_2912] : memref<4x1024xf32, #tpu.memory_space<smem>>
    %get3A_2914 = arith.constant 0 : index
    %get3A_2915 = arith.constant 107 : index
    %get3A_2916 = arith.constant 0 : index
    %get3A_2917 = arith.constant 0 : index
    %get3A_2918 = vector.load %arg4[%get3A_2914, %get3A_2915, %get3A_2916, %get3A_2917] : memref<1x128x4x2048xf32, #tpu.memory_space<vmem>>, vector<1x1x4x2048xf32>
    %get3A_2919 = vector.shape_cast %get3A_2918 : vector<1x1x4x2048xf32> to vector<4x2048xf32>
    %get3A_2920 = arith.index_cast %select_n3A_21 : i32 to index
    %get3A_2921 = arith.constant 107 : index
    %get3A_2922 = arith.constant 0 : index
    %get3A_2923 = arith.constant 0 : index
    %get3A_2924 = vector.load %arg6[%get3A_2920, %get3A_2921, %get3A_2922, %get3A_2923] : memref<2x128x4x2048xf32, #tpu.memory_space<vmem>>, vector<1x1x4x2048xf32>
    %get3A_2925 = vector.shape_cast %get3A_2924 : vector<1x1x4x2048xf32> to vector<4x2048xf32>
    %add3A_2926 = arith.addf %get3A_2919, %get3A_2925 : vector<4x2048xf32>
    %add3A_2927 = vector.broadcast %get3A_2913 : f32 to vector<4x2048xf32>
    %add3A_2928 = arith.addf %add3A_2926, %add3A_2927 : vector<4x2048xf32>
    %swap3A_2929 = arith.constant 0 : index
    %swap3A_2930 = arith.constant 107 : index
    %swap3A_2931 = arith.constant 0 : index
    %swap3A_2932 = arith.constant 0 : index
    %swap3A_2933 = vector.load %arg5[%swap3A_2929, %swap3A_2930, %swap3A_2931, %swap3A_2932] : memref<1x128x4x2048xf32, #tpu.memory_space<vmem>>, vector<1x1x4x2048xf32>
    %swap3A_2934 = vector.shape_cast %swap3A_2933 : vector<1x1x4x2048xf32> to vector<4x2048xf32>
    %swap3A_2935 = vector.shape_cast %add3A_2928 : vector<4x2048xf32> to vector<1x1x4x2048xf32>
    tpu.vector_store %arg5[%swap3A_2929, %swap3A_2930, %swap3A_2931, %swap3A_2932], %swap3A_2935 {strides = array<i32>} : memref<1x128x4x2048xf32, #tpu.memory_space<vmem>>, vector<1x1x4x2048xf32>,
    %add3A_2936 = arith.constant 108 : i32
    %add3A_2937 = arith.addi %mul3A_9, %add3A_2936 : i32
    %get3A_2938 = arith.index_cast %arg1 : i32 to index
    %get3A_2939 = arith.index_cast %add3A_2937 : i32 to index
    %get3A_2940 = memref.load %arg3[%get3A_2938, %get3A_2939] : memref<4x1024xf32, #tpu.memory_space<smem>>
    %get3A_2941 = arith.constant 0 : index
    %get3A_2942 = arith.constant 108 : index
    %get3A_2943 = arith.constant 0 : index
    %get3A_2944 = arith.constant 0 : index
    %get3A_2945 = vector.load %arg4[%get3A_2941, %get3A_2942, %get3A_2943, %get3A_2944] : memref<1x128x4x2048xf32, #tpu.memory_space<vmem>>, vector<1x1x4x2048xf32>
    %get3A_2946 = vector.shape_cast %get3A_2945 : vector<1x1x4x2048xf32> to vector<4x2048xf32>
    %get3A_2947 = arith.index_cast %select_n3A_21 : i32 to index
    %get3A_2948 = arith.constant 108 : index
    %get3A_2949 = arith.constant 0 : index
    %get3A_2950 = arith.constant 0 : index
    %get3A_2951 = vector.load %arg6[%get3A_2947, %get3A_2948, %get3A_2949, %get3A_2950] : memref<2x128x4x2048xf32, #tpu.memory_space<vmem>>, vector<1x1x4x2048xf32>
    %get3A_2952 = vector.shape_cast %get3A_2951 : vector<1x1x4x2048xf32> to vector<4x2048xf32>
    %add3A_2953 = arith.addf %get3A_2946, %get3A_2952 : vector<4x2048xf32>
    %add3A_2954 = vector.broadcast %get3A_2940 : f32 to vector<4x2048xf32>
    %add3A_2955 = arith.addf %add3A_2953, %add3A_2954 : vector<4x2048xf32>
    %swap3A_2956 = arith.constant 0 : index
    %swap3A_2957 = arith.constant 108 : index
    %swap3A_2958 = arith.constant 0 : index
    %swap3A_2959 = arith.constant 0 : index
    %swap3A_2960 = vector.load %arg5[%swap3A_2956, %swap3A_2957, %swap3A_2958, %swap3A_2959] : memref<1x128x4x2048xf32, #tpu.memory_space<vmem>>, vector<1x1x4x2048xf32>
    %swap3A_2961 = vector.shape_cast %swap3A_2960 : vector<1x1x4x2048xf32> to vector<4x2048xf32>
    %swap3A_2962 = vector.shape_cast %add3A_2955 : vector<4x2048xf32> to vector<1x1x4x2048xf32>
    tpu.vector_store %arg5[%swap3A_2956, %swap3A_2957, %swap3A_2958, %swap3A_2959], %swap3A_2962 {strides = array<i32>} : memref<1x128x4x2048xf32, #tpu.memory_space<vmem>>, vector<1x1x4x2048xf32>,
    %add3A_2963 = arith.constant 109 : i32
    %add3A_2964 = arith.addi %mul3A_9, %add3A_2963 : i32
    %get3A_2965 = arith.index_cast %arg1 : i32 to index
    %get3A_2966 = arith.index_cast %add3A_2964 : i32 to index
    %get3A_2967 = memref.load %arg3[%get3A_2965, %get3A_2966] : memref<4x1024xf32, #tpu.memory_space<smem>>
    %get3A_2968 = arith.constant 0 : index
    %get3A_2969 = arith.constant 109 : index
    %get3A_2970 = arith.constant 0 : index
    %get3A_2971 = arith.constant 0 : index
    %get3A_2972 = vector.load %arg4[%get3A_2968, %get3A_2969, %get3A_2970, %get3A_2971] : memref<1x128x4x2048xf32, #tpu.memory_space<vmem>>, vector<1x1x4x2048xf32>
    %get3A_2973 = vector.shape_cast %get3A_2972 : vector<1x1x4x2048xf32> to vector<4x2048xf32>
    %get3A_2974 = arith.index_cast %select_n3A_21 : i32 to index
    %get3A_2975 = arith.constant 109 : index
    %get3A_2976 = arith.constant 0 : index
    %get3A_2977 = arith.constant 0 : index
    %get3A_2978 = vector.load %arg6[%get3A_2974, %get3A_2975, %get3A_2976, %get3A_2977] : memref<2x128x4x2048xf32, #tpu.memory_space<vmem>>, vector<1x1x4x2048xf32>
    %get3A_2979 = vector.shape_cast %get3A_2978 : vector<1x1x4x2048xf32> to vector<4x2048xf32>
    %add3A_2980 = arith.addf %get3A_2973, %get3A_2979 : vector<4x2048xf32>
    %add3A_2981 = vector.broadcast %get3A_2967 : f32 to vector<4x2048xf32>
    %add3A_2982 = arith.addf %add3A_2980, %add3A_2981 : vector<4x2048xf32>
    %swap3A_2983 = arith.constant 0 : index
    %swap3A_2984 = arith.constant 109 : index
    %swap3A_2985 = arith.constant 0 : index
    %swap3A_2986 = arith.constant 0 : index
    %swap3A_2987 = vector.load %arg5[%swap3A_2983, %swap3A_2984, %swap3A_2985, %swap3A_2986] : memref<1x128x4x2048xf32, #tpu.memory_space<vmem>>, vector<1x1x4x2048xf32>
    %swap3A_2988 = vector.shape_cast %swap3A_2987 : vector<1x1x4x2048xf32> to vector<4x2048xf32>
    %swap3A_2989 = vector.shape_cast %add3A_2982 : vector<4x2048xf32> to vector<1x1x4x2048xf32>
    tpu.vector_store %arg5[%swap3A_2983, %swap3A_2984, %swap3A_2985, %swap3A_2986], %swap3A_2989 {strides = array<i32>} : memref<1x128x4x2048xf32, #tpu.memory_space<vmem>>, vector<1x1x4x2048xf32>,
    %add3A_2990 = arith.constant 110 : i32
    %add3A_2991 = arith.addi %mul3A_9, %add3A_2990 : i32
    %get3A_2992 = arith.index_cast %arg1 : i32 to index
    %get3A_2993 = arith.index_cast %add3A_2991 : i32 to index
    %get3A_2994 = memref.load %arg3[%get3A_2992, %get3A_2993] : memref<4x1024xf32, #tpu.memory_space<smem>>
    %get3A_2995 = arith.constant 0 : index
    %get3A_2996 = arith.constant 110 : index
    %get3A_2997 = arith.constant 0 : index
    %get3A_2998 = arith.constant 0 : index
    %get3A_2999 = vector.load %arg4[%get3A_2995, %get3A_2996, %get3A_2997, %get3A_2998] : memref<1x128x4x2048xf32, #tpu.memory_space<vmem>>, vector<1x1x4x2048xf32>
    %get3A_3000 = vector.shape_cast %get3A_2999 : vector<1x1x4x2048xf32> to vector<4x2048xf32>
    %get3A_3001 = arith.index_cast %select_n3A_21 : i32 to index
    %get3A_3002 = arith.constant 110 : index
    %get3A_3003 = arith.constant 0 : index
    %get3A_3004 = arith.constant 0 : index
    %get3A_3005 = vector.load %arg6[%get3A_3001, %get3A_3002, %get3A_3003, %get3A_3004] : memref<2x128x4x2048xf32, #tpu.memory_space<vmem>>, vector<1x1x4x2048xf32>
    %get3A_3006 = vector.shape_cast %get3A_3005 : vector<1x1x4x2048xf32> to vector<4x2048xf32>
    %add3A_3007 = arith.addf %get3A_3000, %get3A_3006 : vector<4x2048xf32>
    %add3A_3008 = vector.broadcast %get3A_2994 : f32 to vector<4x2048xf32>
    %add3A_3009 = arith.addf %add3A_3007, %add3A_3008 : vector<4x2048xf32>
    %swap3A_3010 = arith.constant 0 : index
    %swap3A_3011 = arith.constant 110 : index
    %swap3A_3012 = arith.constant 0 : index
    %swap3A_3013 = arith.constant 0 : index
    %swap3A_3014 = vector.load %arg5[%swap3A_3010, %swap3A_3011, %swap3A_3012, %swap3A_3013] : memref<1x128x4x2048xf32, #tpu.memory_space<vmem>>, vector<1x1x4x2048xf32>
    %swap3A_3015 = vector.shape_cast %swap3A_3014 : vector<1x1x4x2048xf32> to vector<4x2048xf32>
    %swap3A_3016 = vector.shape_cast %add3A_3009 : vector<4x2048xf32> to vector<1x1x4x2048xf32>
    tpu.vector_store %arg5[%swap3A_3010, %swap3A_3011, %swap3A_3012, %swap3A_3013], %swap3A_3016 {strides = array<i32>} : memref<1x128x4x2048xf32, #tpu.memory_space<vmem>>, vector<1x1x4x2048xf32>,
    %add3A_3017 = arith.constant 111 : i32
    %add3A_3018 = arith.addi %mul3A_9, %add3A_3017 : i32
    %get3A_3019 = arith.index_cast %arg1 : i32 to index
    %get3A_3020 = arith.index_cast %add3A_3018 : i32 to index
    %get3A_3021 = memref.load %arg3[%get3A_3019, %get3A_3020] : memref<4x1024xf32, #tpu.memory_space<smem>>
    %get3A_3022 = arith.constant 0 : index
    %get3A_3023 = arith.constant 111 : index
    %get3A_3024 = arith.constant 0 : index
    %get3A_3025 = arith.constant 0 : index
    %get3A_3026 = vector.load %arg4[%get3A_3022, %get3A_3023, %get3A_3024, %get3A_3025] : memref<1x128x4x2048xf32, #tpu.memory_space<vmem>>, vector<1x1x4x2048xf32>
    %get3A_3027 = vector.shape_cast %get3A_3026 : vector<1x1x4x2048xf32> to vector<4x2048xf32>
    %get3A_3028 = arith.index_cast %select_n3A_21 : i32 to index
    %get3A_3029 = arith.constant 111 : index
    %get3A_3030 = arith.constant 0 : index
    %get3A_3031 = arith.constant 0 : index
    %get3A_3032 = vector.load %arg6[%get3A_3028, %get3A_3029, %get3A_3030, %get3A_3031] : memref<2x128x4x2048xf32, #tpu.memory_space<vmem>>, vector<1x1x4x2048xf32>
    %get3A_3033 = vector.shape_cast %get3A_3032 : vector<1x1x4x2048xf32> to vector<4x2048xf32>
    %add3A_3034 = arith.addf %get3A_3027, %get3A_3033 : vector<4x2048xf32>
    %add3A_3035 = vector.broadcast %get3A_3021 : f32 to vector<4x2048xf32>
    %add3A_3036 = arith.addf %add3A_3034, %add3A_3035 : vector<4x2048xf32>
    %swap3A_3037 = arith.constant 0 : index
    %swap3A_3038 = arith.constant 111 : index
    %swap3A_3039 = arith.constant 0 : index
    %swap3A_3040 = arith.constant 0 : index
    %swap3A_3041 = vector.load %arg5[%swap3A_3037, %swap3A_3038, %swap3A_3039, %swap3A_3040] : memref<1x128x4x2048xf32, #tpu.memory_space<vmem>>, vector<1x1x4x2048xf32>
    %swap3A_3042 = vector.shape_cast %swap3A_3041 : vector<1x1x4x2048xf32> to vector<4x2048xf32>
    %swap3A_3043 = vector.shape_cast %add3A_3036 : vector<4x2048xf32> to vector<1x1x4x2048xf32>
    tpu.vector_store %arg5[%swap3A_3037, %swap3A_3038, %swap3A_3039, %swap3A_3040], %swap3A_3043 {strides = array<i32>} : memref<1x128x4x2048xf32, #tpu.memory_space<vmem>>, vector<1x1x4x2048xf32>,
    %add3A_3044 = arith.constant 112 : i32
    %add3A_3045 = arith.addi %mul3A_9, %add3A_3044 : i32
    %get3A_3046 = arith.index_cast %arg1 : i32 to index
    %get3A_3047 = arith.index_cast %add3A_3045 : i32 to index
    %get3A_3048 = memref.load %arg3[%get3A_3046, %get3A_3047] : memref<4x1024xf32, #tpu.memory_space<smem>>
    %get3A_3049 = arith.constant 0 : index
    %get3A_3050 = arith.constant 112 : index
    %get3A_3051 = arith.constant 0 : index
    %get3A_3052 = arith.constant 0 : index
    %get3A_3053 = vector.load %arg4[%get3A_3049, %get3A_3050, %get3A_3051, %get3A_3052] : memref<1x128x4x2048xf32, #tpu.memory_space<vmem>>, vector<1x1x4x2048xf32>
    %get3A_3054 = vector.shape_cast %get3A_3053 : vector<1x1x4x2048xf32> to vector<4x2048xf32>
    %get3A_3055 = arith.index_cast %select_n3A_21 : i32 to index
    %get3A_3056 = arith.constant 112 : index
    %get3A_3057 = arith.constant 0 : index
    %get3A_3058 = arith.constant 0 : index
    %get3A_3059 = vector.load %arg6[%get3A_3055, %get3A_3056, %get3A_3057, %get3A_3058] : memref<2x128x4x2048xf32, #tpu.memory_space<vmem>>, vector<1x1x4x2048xf32>
    %get3A_3060 = vector.shape_cast %get3A_3059 : vector<1x1x4x2048xf32> to vector<4x2048xf32>
    %add3A_3061 = arith.addf %get3A_3054, %get3A_3060 : vector<4x2048xf32>
    %add3A_3062 = vector.broadcast %get3A_3048 : f32 to vector<4x2048xf32>
    %add3A_3063 = arith.addf %add3A_3061, %add3A_3062 : vector<4x2048xf32>
    %swap3A_3064 = arith.constant 0 : index
    %swap3A_3065 = arith.constant 112 : index
    %swap3A_3066 = arith.constant 0 : index
    %swap3A_3067 = arith.constant 0 : index
    %swap3A_3068 = vector.load %arg5[%swap3A_3064, %swap3A_3065, %swap3A_3066, %swap3A_3067] : memref<1x128x4x2048xf32, #tpu.memory_space<vmem>>, vector<1x1x4x2048xf32>
    %swap3A_3069 = vector.shape_cast %swap3A_3068 : vector<1x1x4x2048xf32> to vector<4x2048xf32>
    %swap3A_3070 = vector.shape_cast %add3A_3063 : vector<4x2048xf32> to vector<1x1x4x2048xf32>
    tpu.vector_store %arg5[%swap3A_3064, %swap3A_3065, %swap3A_3066, %swap3A_3067], %swap3A_3070 {strides = array<i32>} : memref<1x128x4x2048xf32, #tpu.memory_space<vmem>>, vector<1x1x4x2048xf32>,
    %add3A_3071 = arith.constant 113 : i32
    %add3A_3072 = arith.addi %mul3A_9, %add3A_3071 : i32
    %get3A_3073 = arith.index_cast %arg1 : i32 to index
    %get3A_3074 = arith.index_cast %add3A_3072 : i32 to index
    %get3A_3075 = memref.load %arg3[%get3A_3073, %get3A_3074] : memref<4x1024xf32, #tpu.memory_space<smem>>
    %get3A_3076 = arith.constant 0 : index
    %get3A_3077 = arith.constant 113 : index
    %get3A_3078 = arith.constant 0 : index
    %get3A_3079 = arith.constant 0 : index
    %get3A_3080 = vector.load %arg4[%get3A_3076, %get3A_3077, %get3A_3078, %get3A_3079] : memref<1x128x4x2048xf32, #tpu.memory_space<vmem>>, vector<1x1x4x2048xf32>
    %get3A_3081 = vector.shape_cast %get3A_3080 : vector<1x1x4x2048xf32> to vector<4x2048xf32>
    %get3A_3082 = arith.index_cast %select_n3A_21 : i32 to index
    %get3A_3083 = arith.constant 113 : index
    %get3A_3084 = arith.constant 0 : index
    %get3A_3085 = arith.constant 0 : index
    %get3A_3086 = vector.load %arg6[%get3A_3082, %get3A_3083, %get3A_3084, %get3A_3085] : memref<2x128x4x2048xf32, #tpu.memory_space<vmem>>, vector<1x1x4x2048xf32>
    %get3A_3087 = vector.shape_cast %get3A_3086 : vector<1x1x4x2048xf32> to vector<4x2048xf32>
    %add3A_3088 = arith.addf %get3A_3081, %get3A_3087 : vector<4x2048xf32>
    %add3A_3089 = vector.broadcast %get3A_3075 : f32 to vector<4x2048xf32>
    %add3A_3090 = arith.addf %add3A_3088, %add3A_3089 : vector<4x2048xf32>
    %swap3A_3091 = arith.constant 0 : index
    %swap3A_3092 = arith.constant 113 : index
    %swap3A_3093 = arith.constant 0 : index
    %swap3A_3094 = arith.constant 0 : index
    %swap3A_3095 = vector.load %arg5[%swap3A_3091, %swap3A_3092, %swap3A_3093, %swap3A_3094] : memref<1x128x4x2048xf32, #tpu.memory_space<vmem>>, vector<1x1x4x2048xf32>
    %swap3A_3096 = vector.shape_cast %swap3A_3095 : vector<1x1x4x2048xf32> to vector<4x2048xf32>
    %swap3A_3097 = vector.shape_cast %add3A_3090 : vector<4x2048xf32> to vector<1x1x4x2048xf32>
    tpu.vector_store %arg5[%swap3A_3091, %swap3A_3092, %swap3A_3093, %swap3A_3094], %swap3A_3097 {strides = array<i32>} : memref<1x128x4x2048xf32, #tpu.memory_space<vmem>>, vector<1x1x4x2048xf32>,
    %add3A_3098 = arith.constant 114 : i32
    %add3A_3099 = arith.addi %mul3A_9, %add3A_3098 : i32
    %get3A_3100 = arith.index_cast %arg1 : i32 to index
    %get3A_3101 = arith.index_cast %add3A_3099 : i32 to index
    %get3A_3102 = memref.load %arg3[%get3A_3100, %get3A_3101] : memref<4x1024xf32, #tpu.memory_space<smem>>
    %get3A_3103 = arith.constant 0 : index
    %get3A_3104 = arith.constant 114 : index
    %get3A_3105 = arith.constant 0 : index
    %get3A_3106 = arith.constant 0 : index
    %get3A_3107 = vector.load %arg4[%get3A_3103, %get3A_3104, %get3A_3105, %get3A_3106] : memref<1x128x4x2048xf32, #tpu.memory_space<vmem>>, vector<1x1x4x2048xf32>
    %get3A_3108 = vector.shape_cast %get3A_3107 : vector<1x1x4x2048xf32> to vector<4x2048xf32>
    %get3A_3109 = arith.index_cast %select_n3A_21 : i32 to index
    %get3A_3110 = arith.constant 114 : index
    %get3A_3111 = arith.constant 0 : index
    %get3A_3112 = arith.constant 0 : index
    %get3A_3113 = vector.load %arg6[%get3A_3109, %get3A_3110, %get3A_3111, %get3A_3112] : memref<2x128x4x2048xf32, #tpu.memory_space<vmem>>, vector<1x1x4x2048xf32>
    %get3A_3114 = vector.shape_cast %get3A_3113 : vector<1x1x4x2048xf32> to vector<4x2048xf32>
    %add3A_3115 = arith.addf %get3A_3108, %get3A_3114 : vector<4x2048xf32>
    %add3A_3116 = vector.broadcast %get3A_3102 : f32 to vector<4x2048xf32>
    %add3A_3117 = arith.addf %add3A_3115, %add3A_3116 : vector<4x2048xf32>
    %swap3A_3118 = arith.constant 0 : index
    %swap3A_3119 = arith.constant 114 : index
    %swap3A_3120 = arith.constant 0 : index
    %swap3A_3121 = arith.constant 0 : index
    %swap3A_3122 = vector.load %arg5[%swap3A_3118, %swap3A_3119, %swap3A_3120, %swap3A_3121] : memref<1x128x4x2048xf32, #tpu.memory_space<vmem>>, vector<1x1x4x2048xf32>
    %swap3A_3123 = vector.shape_cast %swap3A_3122 : vector<1x1x4x2048xf32> to vector<4x2048xf32>
    %swap3A_3124 = vector.shape_cast %add3A_3117 : vector<4x2048xf32> to vector<1x1x4x2048xf32>
    tpu.vector_store %arg5[%swap3A_3118, %swap3A_3119, %swap3A_3120, %swap3A_3121], %swap3A_3124 {strides = array<i32>} : memref<1x128x4x2048xf32, #tpu.memory_space<vmem>>, vector<1x1x4x2048xf32>,
    %add3A_3125 = arith.constant 115 : i32
    %add3A_3126 = arith.addi %mul3A_9, %add3A_3125 : i32
    %get3A_3127 = arith.index_cast %arg1 : i32 to index
    %get3A_3128 = arith.index_cast %add3A_3126 : i32 to index
    %get3A_3129 = memref.load %arg3[%get3A_3127, %get3A_3128] : memref<4x1024xf32, #tpu.memory_space<smem>>
    %get3A_3130 = arith.constant 0 : index
    %get3A_3131 = arith.constant 115 : index
    %get3A_3132 = arith.constant 0 : index
    %get3A_3133 = arith.constant 0 : index
    %get3A_3134 = vector.load %arg4[%get3A_3130, %get3A_3131, %get3A_3132, %get3A_3133] : memref<1x128x4x2048xf32, #tpu.memory_space<vmem>>, vector<1x1x4x2048xf32>
    %get3A_3135 = vector.shape_cast %get3A_3134 : vector<1x1x4x2048xf32> to vector<4x2048xf32>
    %get3A_3136 = arith.index_cast %select_n3A_21 : i32 to index
    %get3A_3137 = arith.constant 115 : index
    %get3A_3138 = arith.constant 0 : index
    %get3A_3139 = arith.constant 0 : index
    %get3A_3140 = vector.load %arg6[%get3A_3136, %get3A_3137, %get3A_3138, %get3A_3139] : memref<2x128x4x2048xf32, #tpu.memory_space<vmem>>, vector<1x1x4x2048xf32>
    %get3A_3141 = vector.shape_cast %get3A_3140 : vector<1x1x4x2048xf32> to vector<4x2048xf32>
    %add3A_3142 = arith.addf %get3A_3135, %get3A_3141 : vector<4x2048xf32>
    %add3A_3143 = vector.broadcast %get3A_3129 : f32 to vector<4x2048xf32>
    %add3A_3144 = arith.addf %add3A_3142, %add3A_3143 : vector<4x2048xf32>
    %swap3A_3145 = arith.constant 0 : index
    %swap3A_3146 = arith.constant 115 : index
    %swap3A_3147 = arith.constant 0 : index
    %swap3A_3148 = arith.constant 0 : index
    %swap3A_3149 = vector.load %arg5[%swap3A_3145, %swap3A_3146, %swap3A_3147, %swap3A_3148] : memref<1x128x4x2048xf32, #tpu.memory_space<vmem>>, vector<1x1x4x2048xf32>
    %swap3A_3150 = vector.shape_cast %swap3A_3149 : vector<1x1x4x2048xf32> to vector<4x2048xf32>
    %swap3A_3151 = vector.shape_cast %add3A_3144 : vector<4x2048xf32> to vector<1x1x4x2048xf32>
    tpu.vector_store %arg5[%swap3A_3145, %swap3A_3146, %swap3A_3147, %swap3A_3148], %swap3A_3151 {strides = array<i32>} : memref<1x128x4x2048xf32, #tpu.memory_space<vmem>>, vector<1x1x4x2048xf32>,
    %add3A_3152 = arith.constant 116 : i32
    %add3A_3153 = arith.addi %mul3A_9, %add3A_3152 : i32
    %get3A_3154 = arith.index_cast %arg1 : i32 to index
    %get3A_3155 = arith.index_cast %add3A_3153 : i32 to index
    %get3A_3156 = memref.load %arg3[%get3A_3154, %get3A_3155] : memref<4x1024xf32, #tpu.memory_space<smem>>
    %get3A_3157 = arith.constant 0 : index
    %get3A_3158 = arith.constant 116 : index
    %get3A_3159 = arith.constant 0 : index
    %get3A_3160 = arith.constant 0 : index
    %get3A_3161 = vector.load %arg4[%get3A_3157, %get3A_3158, %get3A_3159, %get3A_3160] : memref<1x128x4x2048xf32, #tpu.memory_space<vmem>>, vector<1x1x4x2048xf32>
    %get3A_3162 = vector.shape_cast %get3A_3161 : vector<1x1x4x2048xf32> to vector<4x2048xf32>
    %get3A_3163 = arith.index_cast %select_n3A_21 : i32 to index
    %get3A_3164 = arith.constant 116 : index
    %get3A_3165 = arith.constant 0 : index
    %get3A_3166 = arith.constant 0 : index
    %get3A_3167 = vector.load %arg6[%get3A_3163, %get3A_3164, %get3A_3165, %get3A_3166] : memref<2x128x4x2048xf32, #tpu.memory_space<vmem>>, vector<1x1x4x2048xf32>
    %get3A_3168 = vector.shape_cast %get3A_3167 : vector<1x1x4x2048xf32> to vector<4x2048xf32>
    %add3A_3169 = arith.addf %get3A_3162, %get3A_3168 : vector<4x2048xf32>
    %add3A_3170 = vector.broadcast %get3A_3156 : f32 to vector<4x2048xf32>
    %add3A_3171 = arith.addf %add3A_3169, %add3A_3170 : vector<4x2048xf32>
    %swap3A_3172 = arith.constant 0 : index
    %swap3A_3173 = arith.constant 116 : index
    %swap3A_3174 = arith.constant 0 : index
    %swap3A_3175 = arith.constant 0 : index
    %swap3A_3176 = vector.load %arg5[%swap3A_3172, %swap3A_3173, %swap3A_3174, %swap3A_3175] : memref<1x128x4x2048xf32, #tpu.memory_space<vmem>>, vector<1x1x4x2048xf32>
    %swap3A_3177 = vector.shape_cast %swap3A_3176 : vector<1x1x4x2048xf32> to vector<4x2048xf32>
    %swap3A_3178 = vector.shape_cast %add3A_3171 : vector<4x2048xf32> to vector<1x1x4x2048xf32>
    tpu.vector_store %arg5[%swap3A_3172, %swap3A_3173, %swap3A_3174, %swap3A_3175], %swap3A_3178 {strides = array<i32>} : memref<1x128x4x2048xf32, #tpu.memory_space<vmem>>, vector<1x1x4x2048xf32>,
    %add3A_3179 = arith.constant 117 : i32
    %add3A_3180 = arith.addi %mul3A_9, %add3A_3179 : i32
    %get3A_3181 = arith.index_cast %arg1 : i32 to index
    %get3A_3182 = arith.index_cast %add3A_3180 : i32 to index
    %get3A_3183 = memref.load %arg3[%get3A_3181, %get3A_3182] : memref<4x1024xf32, #tpu.memory_space<smem>>
    %get3A_3184 = arith.constant 0 : index
    %get3A_3185 = arith.constant 117 : index
    %get3A_3186 = arith.constant 0 : index
    %get3A_3187 = arith.constant 0 : index
    %get3A_3188 = vector.load %arg4[%get3A_3184, %get3A_3185, %get3A_3186, %get3A_3187] : memref<1x128x4x2048xf32, #tpu.memory_space<vmem>>, vector<1x1x4x2048xf32>
    %get3A_3189 = vector.shape_cast %get3A_3188 : vector<1x1x4x2048xf32> to vector<4x2048xf32>
    %get3A_3190 = arith.index_cast %select_n3A_21 : i32 to index
    %get3A_3191 = arith.constant 117 : index
    %get3A_3192 = arith.constant 0 : index
    %get3A_3193 = arith.constant 0 : index
    %get3A_3194 = vector.load %arg6[%get3A_3190, %get3A_3191, %get3A_3192, %get3A_3193] : memref<2x128x4x2048xf32, #tpu.memory_space<vmem>>, vector<1x1x4x2048xf32>
    %get3A_3195 = vector.shape_cast %get3A_3194 : vector<1x1x4x2048xf32> to vector<4x2048xf32>
    %add3A_3196 = arith.addf %get3A_3189, %get3A_3195 : vector<4x2048xf32>
    %add3A_3197 = vector.broadcast %get3A_3183 : f32 to vector<4x2048xf32>
    %add3A_3198 = arith.addf %add3A_3196, %add3A_3197 : vector<4x2048xf32>
    %swap3A_3199 = arith.constant 0 : index
    %swap3A_3200 = arith.constant 117 : index
    %swap3A_3201 = arith.constant 0 : index
    %swap3A_3202 = arith.constant 0 : index
    %swap3A_3203 = vector.load %arg5[%swap3A_3199, %swap3A_3200, %swap3A_3201, %swap3A_3202] : memref<1x128x4x2048xf32, #tpu.memory_space<vmem>>, vector<1x1x4x2048xf32>
    %swap3A_3204 = vector.shape_cast %swap3A_3203 : vector<1x1x4x2048xf32> to vector<4x2048xf32>
    %swap3A_3205 = vector.shape_cast %add3A_3198 : vector<4x2048xf32> to vector<1x1x4x2048xf32>
    tpu.vector_store %arg5[%swap3A_3199, %swap3A_3200, %swap3A_3201, %swap3A_3202], %swap3A_3205 {strides = array<i32>} : memref<1x128x4x2048xf32, #tpu.memory_space<vmem>>, vector<1x1x4x2048xf32>,
    %add3A_3206 = arith.constant 118 : i32
    %add3A_3207 = arith.addi %mul3A_9, %add3A_3206 : i32
    %get3A_3208 = arith.index_cast %arg1 : i32 to index
    %get3A_3209 = arith.index_cast %add3A_3207 : i32 to index
    %get3A_3210 = memref.load %arg3[%get3A_3208, %get3A_3209] : memref<4x1024xf32, #tpu.memory_space<smem>>
    %get3A_3211 = arith.constant 0 : index
    %get3A_3212 = arith.constant 118 : index
    %get3A_3213 = arith.constant 0 : index
    %get3A_3214 = arith.constant 0 : index
    %get3A_3215 = vector.load %arg4[%get3A_3211, %get3A_3212, %get3A_3213, %get3A_3214] : memref<1x128x4x2048xf32, #tpu.memory_space<vmem>>, vector<1x1x4x2048xf32>
    %get3A_3216 = vector.shape_cast %get3A_3215 : vector<1x1x4x2048xf32> to vector<4x2048xf32>
    %get3A_3217 = arith.index_cast %select_n3A_21 : i32 to index
    %get3A_3218 = arith.constant 118 : index
    %get3A_3219 = arith.constant 0 : index
    %get3A_3220 = arith.constant 0 : index
    %get3A_3221 = vector.load %arg6[%get3A_3217, %get3A_3218, %get3A_3219, %get3A_3220] : memref<2x128x4x2048xf32, #tpu.memory_space<vmem>>, vector<1x1x4x2048xf32>
    %get3A_3222 = vector.shape_cast %get3A_3221 : vector<1x1x4x2048xf32> to vector<4x2048xf32>
    %add3A_3223 = arith.addf %get3A_3216, %get3A_3222 : vector<4x2048xf32>
    %add3A_3224 = vector.broadcast %get3A_3210 : f32 to vector<4x2048xf32>
    %add3A_3225 = arith.addf %add3A_3223, %add3A_3224 : vector<4x2048xf32>
    %swap3A_3226 = arith.constant 0 : index
    %swap3A_3227 = arith.constant 118 : index
    %swap3A_3228 = arith.constant 0 : index
    %swap3A_3229 = arith.constant 0 : index
    %swap3A_3230 = vector.load %arg5[%swap3A_3226, %swap3A_3227, %swap3A_3228, %swap3A_3229] : memref<1x128x4x2048xf32, #tpu.memory_space<vmem>>, vector<1x1x4x2048xf32>
    %swap3A_3231 = vector.shape_cast %swap3A_3230 : vector<1x1x4x2048xf32> to vector<4x2048xf32>
    %swap3A_3232 = vector.shape_cast %add3A_3225 : vector<4x2048xf32> to vector<1x1x4x2048xf32>
    tpu.vector_store %arg5[%swap3A_3226, %swap3A_3227, %swap3A_3228, %swap3A_3229], %swap3A_3232 {strides = array<i32>} : memref<1x128x4x2048xf32, #tpu.memory_space<vmem>>, vector<1x1x4x2048xf32>,
    %add3A_3233 = arith.constant 119 : i32
    %add3A_3234 = arith.addi %mul3A_9, %add3A_3233 : i32
    %get3A_3235 = arith.index_cast %arg1 : i32 to index
    %get3A_3236 = arith.index_cast %add3A_3234 : i32 to index
    %get3A_3237 = memref.load %arg3[%get3A_3235, %get3A_3236] : memref<4x1024xf32, #tpu.memory_space<smem>>
    %get3A_3238 = arith.constant 0 : index
    %get3A_3239 = arith.constant 119 : index
    %get3A_3240 = arith.constant 0 : index
    %get3A_3241 = arith.constant 0 : index
    %get3A_3242 = vector.load %arg4[%get3A_3238, %get3A_3239, %get3A_3240, %get3A_3241] : memref<1x128x4x2048xf32, #tpu.memory_space<vmem>>, vector<1x1x4x2048xf32>
    %get3A_3243 = vector.shape_cast %get3A_3242 : vector<1x1x4x2048xf32> to vector<4x2048xf32>
    %get3A_3244 = arith.index_cast %select_n3A_21 : i32 to index
    %get3A_3245 = arith.constant 119 : index
    %get3A_3246 = arith.constant 0 : index
    %get3A_3247 = arith.constant 0 : index
    %get3A_3248 = vector.load %arg6[%get3A_3244, %get3A_3245, %get3A_3246, %get3A_3247] : memref<2x128x4x2048xf32, #tpu.memory_space<vmem>>, vector<1x1x4x2048xf32>
    %get3A_3249 = vector.shape_cast %get3A_3248 : vector<1x1x4x2048xf32> to vector<4x2048xf32>
    %add3A_3250 = arith.addf %get3A_3243, %get3A_3249 : vector<4x2048xf32>
    %add3A_3251 = vector.broadcast %get3A_3237 : f32 to vector<4x2048xf32>
    %add3A_3252 = arith.addf %add3A_3250, %add3A_3251 : vector<4x2048xf32>
    %swap3A_3253 = arith.constant 0 : index
    %swap3A_3254 = arith.constant 119 : index
    %swap3A_3255 = arith.constant 0 : index
    %swap3A_3256 = arith.constant 0 : index
    %swap3A_3257 = vector.load %arg5[%swap3A_3253, %swap3A_3254, %swap3A_3255, %swap3A_3256] : memref<1x128x4x2048xf32, #tpu.memory_space<vmem>>, vector<1x1x4x2048xf32>
    %swap3A_3258 = vector.shape_cast %swap3A_3257 : vector<1x1x4x2048xf32> to vector<4x2048xf32>
    %swap3A_3259 = vector.shape_cast %add3A_3252 : vector<4x2048xf32> to vector<1x1x4x2048xf32>
    tpu.vector_store %arg5[%swap3A_3253, %swap3A_3254, %swap3A_3255, %swap3A_3256], %swap3A_3259 {strides = array<i32>} : memref<1x128x4x2048xf32, #tpu.memory_space<vmem>>, vector<1x1x4x2048xf32>,
    %add3A_3260 = arith.constant 120 : i32
    %add3A_3261 = arith.addi %mul3A_9, %add3A_3260 : i32
    %get3A_3262 = arith.index_cast %arg1 : i32 to index
    %get3A_3263 = arith.index_cast %add3A_3261 : i32 to index
    %get3A_3264 = memref.load %arg3[%get3A_3262, %get3A_3263] : memref<4x1024xf32, #tpu.memory_space<smem>>
    %get3A_3265 = arith.constant 0 : index
    %get3A_3266 = arith.constant 120 : index
    %get3A_3267 = arith.constant 0 : index
    %get3A_3268 = arith.constant 0 : index
    %get3A_3269 = vector.load %arg4[%get3A_3265, %get3A_3266, %get3A_3267, %get3A_3268] : memref<1x128x4x2048xf32, #tpu.memory_space<vmem>>, vector<1x1x4x2048xf32>
    %get3A_3270 = vector.shape_cast %get3A_3269 : vector<1x1x4x2048xf32> to vector<4x2048xf32>
    %get3A_3271 = arith.index_cast %select_n3A_21 : i32 to index
    %get3A_3272 = arith.constant 120 : index
    %get3A_3273 = arith.constant 0 : index
    %get3A_3274 = arith.constant 0 : index
    %get3A_3275 = vector.load %arg6[%get3A_3271, %get3A_3272, %get3A_3273, %get3A_3274] : memref<2x128x4x2048xf32, #tpu.memory_space<vmem>>, vector<1x1x4x2048xf32>
    %get3A_3276 = vector.shape_cast %get3A_3275 : vector<1x1x4x2048xf32> to vector<4x2048xf32>
    %add3A_3277 = arith.addf %get3A_3270, %get3A_3276 : vector<4x2048xf32>
    %add3A_3278 = vector.broadcast %get3A_3264 : f32 to vector<4x2048xf32>
    %add3A_3279 = arith.addf %add3A_3277, %add3A_3278 : vector<4x2048xf32>
    %swap3A_3280 = arith.constant 0 : index
    %swap3A_3281 = arith.constant 120 : index
    %swap3A_3282 = arith.constant 0 : index
    %swap3A_3283 = arith.constant 0 : index
    %swap3A_3284 = vector.load %arg5[%swap3A_3280, %swap3A_3281, %swap3A_3282, %swap3A_3283] : memref<1x128x4x2048xf32, #tpu.memory_space<vmem>>, vector<1x1x4x2048xf32>
    %swap3A_3285 = vector.shape_cast %swap3A_3284 : vector<1x1x4x2048xf32> to vector<4x2048xf32>
    %swap3A_3286 = vector.shape_cast %add3A_3279 : vector<4x2048xf32> to vector<1x1x4x2048xf32>
    tpu.vector_store %arg5[%swap3A_3280, %swap3A_3281, %swap3A_3282, %swap3A_3283], %swap3A_3286 {strides = array<i32>} : memref<1x128x4x2048xf32, #tpu.memory_space<vmem>>, vector<1x1x4x2048xf32>,
    %add3A_3287 = arith.constant 121 : i32
    %add3A_3288 = arith.addi %mul3A_9, %add3A_3287 : i32
    %get3A_3289 = arith.index_cast %arg1 : i32 to index
    %get3A_3290 = arith.index_cast %add3A_3288 : i32 to index
    %get3A_3291 = memref.load %arg3[%get3A_3289, %get3A_3290] : memref<4x1024xf32, #tpu.memory_space<smem>>
    %get3A_3292 = arith.constant 0 : index
    %get3A_3293 = arith.constant 121 : index
    %get3A_3294 = arith.constant 0 : index
    %get3A_3295 = arith.constant 0 : index
    %get3A_3296 = vector.load %arg4[%get3A_3292, %get3A_3293, %get3A_3294, %get3A_3295] : memref<1x128x4x2048xf32, #tpu.memory_space<vmem>>, vector<1x1x4x2048xf32>
    %get3A_3297 = vector.shape_cast %get3A_3296 : vector<1x1x4x2048xf32> to vector<4x2048xf32>
    %get3A_3298 = arith.index_cast %select_n3A_21 : i32 to index
    %get3A_3299 = arith.constant 121 : index
    %get3A_3300 = arith.constant 0 : index
    %get3A_3301 = arith.constant 0 : index
    %get3A_3302 = vector.load %arg6[%get3A_3298, %get3A_3299, %get3A_3300, %get3A_3301] : memref<2x128x4x2048xf32, #tpu.memory_space<vmem>>, vector<1x1x4x2048xf32>
    %get3A_3303 = vector.shape_cast %get3A_3302 : vector<1x1x4x2048xf32> to vector<4x2048xf32>
    %add3A_3304 = arith.addf %get3A_3297, %get3A_3303 : vector<4x2048xf32>
    %add3A_3305 = vector.broadcast %get3A_3291 : f32 to vector<4x2048xf32>
    %add3A_3306 = arith.addf %add3A_3304, %add3A_3305 : vector<4x2048xf32>
    %swap3A_3307 = arith.constant 0 : index
    %swap3A_3308 = arith.constant 121 : index
    %swap3A_3309 = arith.constant 0 : index
    %swap3A_3310 = arith.constant 0 : index
    %swap3A_3311 = vector.load %arg5[%swap3A_3307, %swap3A_3308, %swap3A_3309, %swap3A_3310] : memref<1x128x4x2048xf32, #tpu.memory_space<vmem>>, vector<1x1x4x2048xf32>
    %swap3A_3312 = vector.shape_cast %swap3A_3311 : vector<1x1x4x2048xf32> to vector<4x2048xf32>
    %swap3A_3313 = vector.shape_cast %add3A_3306 : vector<4x2048xf32> to vector<1x1x4x2048xf32>
    tpu.vector_store %arg5[%swap3A_3307, %swap3A_3308, %swap3A_3309, %swap3A_3310], %swap3A_3313 {strides = array<i32>} : memref<1x128x4x2048xf32, #tpu.memory_space<vmem>>, vector<1x1x4x2048xf32>,
    %add3A_3314 = arith.constant 122 : i32
    %add3A_3315 = arith.addi %mul3A_9, %add3A_3314 : i32
    %get3A_3316 = arith.index_cast %arg1 : i32 to index
    %get3A_3317 = arith.index_cast %add3A_3315 : i32 to index
    %get3A_3318 = memref.load %arg3[%get3A_3316, %get3A_3317] : memref<4x1024xf32, #tpu.memory_space<smem>>
    %get3A_3319 = arith.constant 0 : index
    %get3A_3320 = arith.constant 122 : index
    %get3A_3321 = arith.constant 0 : index
    %get3A_3322 = arith.constant 0 : index
    %get3A_3323 = vector.load %arg4[%get3A_3319, %get3A_3320, %get3A_3321, %get3A_3322] : memref<1x128x4x2048xf32, #tpu.memory_space<vmem>>, vector<1x1x4x2048xf32>
    %get3A_3324 = vector.shape_cast %get3A_3323 : vector<1x1x4x2048xf32> to vector<4x2048xf32>
    %get3A_3325 = arith.index_cast %select_n3A_21 : i32 to index
    %get3A_3326 = arith.constant 122 : index
    %get3A_3327 = arith.constant 0 : index
    %get3A_3328 = arith.constant 0 : index
    %get3A_3329 = vector.load %arg6[%get3A_3325, %get3A_3326, %get3A_3327, %get3A_3328] : memref<2x128x4x2048xf32, #tpu.memory_space<vmem>>, vector<1x1x4x2048xf32>
    %get3A_3330 = vector.shape_cast %get3A_3329 : vector<1x1x4x2048xf32> to vector<4x2048xf32>
    %add3A_3331 = arith.addf %get3A_3324, %get3A_3330 : vector<4x2048xf32>
    %add3A_3332 = vector.broadcast %get3A_3318 : f32 to vector<4x2048xf32>
    %add3A_3333 = arith.addf %add3A_3331, %add3A_3332 : vector<4x2048xf32>
    %swap3A_3334 = arith.constant 0 : index
    %swap3A_3335 = arith.constant 122 : index
    %swap3A_3336 = arith.constant 0 : index
    %swap3A_3337 = arith.constant 0 : index
    %swap3A_3338 = vector.load %arg5[%swap3A_3334, %swap3A_3335, %swap3A_3336, %swap3A_3337] : memref<1x128x4x2048xf32, #tpu.memory_space<vmem>>, vector<1x1x4x2048xf32>
    %swap3A_3339 = vector.shape_cast %swap3A_3338 : vector<1x1x4x2048xf32> to vector<4x2048xf32>
    %swap3A_3340 = vector.shape_cast %add3A_3333 : vector<4x2048xf32> to vector<1x1x4x2048xf32>
    tpu.vector_store %arg5[%swap3A_3334, %swap3A_3335, %swap3A_3336, %swap3A_3337], %swap3A_3340 {strides = array<i32>} : memref<1x128x4x2048xf32, #tpu.memory_space<vmem>>, vector<1x1x4x2048xf32>,
    %add3A_3341 = arith.constant 123 : i32
    %add3A_3342 = arith.addi %mul3A_9, %add3A_3341 : i32
    %get3A_3343 = arith.index_cast %arg1 : i32 to index
    %get3A_3344 = arith.index_cast %add3A_3342 : i32 to index
    %get3A_3345 = memref.load %arg3[%get3A_3343, %get3A_3344] : memref<4x1024xf32, #tpu.memory_space<smem>>
    %get3A_3346 = arith.constant 0 : index
    %get3A_3347 = arith.constant 123 : index
    %get3A_3348 = arith.constant 0 : index
    %get3A_3349 = arith.constant 0 : index
    %get3A_3350 = vector.load %arg4[%get3A_3346, %get3A_3347, %get3A_3348, %get3A_3349] : memref<1x128x4x2048xf32, #tpu.memory_space<vmem>>, vector<1x1x4x2048xf32>
    %get3A_3351 = vector.shape_cast %get3A_3350 : vector<1x1x4x2048xf32> to vector<4x2048xf32>
    %get3A_3352 = arith.index_cast %select_n3A_21 : i32 to index
    %get3A_3353 = arith.constant 123 : index
    %get3A_3354 = arith.constant 0 : index
    %get3A_3355 = arith.constant 0 : index
    %get3A_3356 = vector.load %arg6[%get3A_3352, %get3A_3353, %get3A_3354, %get3A_3355] : memref<2x128x4x2048xf32, #tpu.memory_space<vmem>>, vector<1x1x4x2048xf32>
    %get3A_3357 = vector.shape_cast %get3A_3356 : vector<1x1x4x2048xf32> to vector<4x2048xf32>
    %add3A_3358 = arith.addf %get3A_3351, %get3A_3357 : vector<4x2048xf32>
    %add3A_3359 = vector.broadcast %get3A_3345 : f32 to vector<4x2048xf32>
    %add3A_3360 = arith.addf %add3A_3358, %add3A_3359 : vector<4x2048xf32>
    %swap3A_3361 = arith.constant 0 : index
    %swap3A_3362 = arith.constant 123 : index
    %swap3A_3363 = arith.constant 0 : index
    %swap3A_3364 = arith.constant 0 : index
    %swap3A_3365 = vector.load %arg5[%swap3A_3361, %swap3A_3362, %swap3A_3363, %swap3A_3364] : memref<1x128x4x2048xf32, #tpu.memory_space<vmem>>, vector<1x1x4x2048xf32>
    %swap3A_3366 = vector.shape_cast %swap3A_3365 : vector<1x1x4x2048xf32> to vector<4x2048xf32>
    %swap3A_3367 = vector.shape_cast %add3A_3360 : vector<4x2048xf32> to vector<1x1x4x2048xf32>
    tpu.vector_store %arg5[%swap3A_3361, %swap3A_3362, %swap3A_3363, %swap3A_3364], %swap3A_3367 {strides = array<i32>} : memref<1x128x4x2048xf32, #tpu.memory_space<vmem>>, vector<1x1x4x2048xf32>,
    %add3A_3368 = arith.constant 124 : i32
    %add3A_3369 = arith.addi %mul3A_9, %add3A_3368 : i32
    %get3A_3370 = arith.index_cast %arg1 : i32 to index
    %get3A_3371 = arith.index_cast %add3A_3369 : i32 to index
    %get3A_3372 = memref.load %arg3[%get3A_3370, %get3A_3371] : memref<4x1024xf32, #tpu.memory_space<smem>>
    %get3A_3373 = arith.constant 0 : index
    %get3A_3374 = arith.constant 124 : index
    %get3A_3375 = arith.constant 0 : index
    %get3A_3376 = arith.constant 0 : index
    %get3A_3377 = vector.load %arg4[%get3A_3373, %get3A_3374, %get3A_3375, %get3A_3376] : memref<1x128x4x2048xf32, #tpu.memory_space<vmem>>, vector<1x1x4x2048xf32>
    %get3A_3378 = vector.shape_cast %get3A_3377 : vector<1x1x4x2048xf32> to vector<4x2048xf32>
    %get3A_3379 = arith.index_cast %select_n3A_21 : i32 to index
    %get3A_3380 = arith.constant 124 : index
    %get3A_3381 = arith.constant 0 : index
    %get3A_3382 = arith.constant 0 : index
    %get3A_3383 = vector.load %arg6[%get3A_3379, %get3A_3380, %get3A_3381, %get3A_3382] : memref<2x128x4x2048xf32, #tpu.memory_space<vmem>>, vector<1x1x4x2048xf32>
    %get3A_3384 = vector.shape_cast %get3A_3383 : vector<1x1x4x2048xf32> to vector<4x2048xf32>
    %add3A_3385 = arith.addf %get3A_3378, %get3A_3384 : vector<4x2048xf32>
    %add3A_3386 = vector.broadcast %get3A_3372 : f32 to vector<4x2048xf32>
    %add3A_3387 = arith.addf %add3A_3385, %add3A_3386 : vector<4x2048xf32>
    %swap3A_3388 = arith.constant 0 : index
    %swap3A_3389 = arith.constant 124 : index
    %swap3A_3390 = arith.constant 0 : index
    %swap3A_3391 = arith.constant 0 : index
    %swap3A_3392 = vector.load %arg5[%swap3A_3388, %swap3A_3389, %swap3A_3390, %swap3A_3391] : memref<1x128x4x2048xf32, #tpu.memory_space<vmem>>, vector<1x1x4x2048xf32>
    %swap3A_3393 = vector.shape_cast %swap3A_3392 : vector<1x1x4x2048xf32> to vector<4x2048xf32>
    %swap3A_3394 = vector.shape_cast %add3A_3387 : vector<4x2048xf32> to vector<1x1x4x2048xf32>
    tpu.vector_store %arg5[%swap3A_3388, %swap3A_3389, %swap3A_3390, %swap3A_3391], %swap3A_3394 {strides = array<i32>} : memref<1x128x4x2048xf32, #tpu.memory_space<vmem>>, vector<1x1x4x2048xf32>,
    %add3A_3395 = arith.constant 125 : i32
    %add3A_3396 = arith.addi %mul3A_9, %add3A_3395 : i32
    %get3A_3397 = arith.index_cast %arg1 : i32 to index
    %get3A_3398 = arith.index_cast %add3A_3396 : i32 to index
    %get3A_3399 = memref.load %arg3[%get3A_3397, %get3A_3398] : memref<4x1024xf32, #tpu.memory_space<smem>>
    %get3A_3400 = arith.constant 0 : index
    %get3A_3401 = arith.constant 125 : index
    %get3A_3402 = arith.constant 0 : index
    %get3A_3403 = arith.constant 0 : index
    %get3A_3404 = vector.load %arg4[%get3A_3400, %get3A_3401, %get3A_3402, %get3A_3403] : memref<1x128x4x2048xf32, #tpu.memory_space<vmem>>, vector<1x1x4x2048xf32>
    %get3A_3405 = vector.shape_cast %get3A_3404 : vector<1x1x4x2048xf32> to vector<4x2048xf32>
    %get3A_3406 = arith.index_cast %select_n3A_21 : i32 to index
    %get3A_3407 = arith.constant 125 : index
    %get3A_3408 = arith.constant 0 : index
    %get3A_3409 = arith.constant 0 : index
    %get3A_3410 = vector.load %arg6[%get3A_3406, %get3A_3407, %get3A_3408, %get3A_3409] : memref<2x128x4x2048xf32, #tpu.memory_space<vmem>>, vector<1x1x4x2048xf32>
    %get3A_3411 = vector.shape_cast %get3A_3410 : vector<1x1x4x2048xf32> to vector<4x2048xf32>
    %add3A_3412 = arith.addf %get3A_3405, %get3A_3411 : vector<4x2048xf32>
    %add3A_3413 = vector.broadcast %get3A_3399 : f32 to vector<4x2048xf32>
    %add3A_3414 = arith.addf %add3A_3412, %add3A_3413 : vector<4x2048xf32>
    %swap3A_3415 = arith.constant 0 : index
    %swap3A_3416 = arith.constant 125 : index
    %swap3A_3417 = arith.constant 0 : index
    %swap3A_3418 = arith.constant 0 : index
    %swap3A_3419 = vector.load %arg5[%swap3A_3415, %swap3A_3416, %swap3A_3417, %swap3A_3418] : memref<1x128x4x2048xf32, #tpu.memory_space<vmem>>, vector<1x1x4x2048xf32>
    %swap3A_3420 = vector.shape_cast %swap3A_3419 : vector<1x1x4x2048xf32> to vector<4x2048xf32>
    %swap3A_3421 = vector.shape_cast %add3A_3414 : vector<4x2048xf32> to vector<1x1x4x2048xf32>
    tpu.vector_store %arg5[%swap3A_3415, %swap3A_3416, %swap3A_3417, %swap3A_3418], %swap3A_3421 {strides = array<i32>} : memref<1x128x4x2048xf32, #tpu.memory_space<vmem>>, vector<1x1x4x2048xf32>,
    %add3A_3422 = arith.constant 126 : i32
    %add3A_3423 = arith.addi %mul3A_9, %add3A_3422 : i32
    %get3A_3424 = arith.index_cast %arg1 : i32 to index
    %get3A_3425 = arith.index_cast %add3A_3423 : i32 to index
    %get3A_3426 = memref.load %arg3[%get3A_3424, %get3A_3425] : memref<4x1024xf32, #tpu.memory_space<smem>>
    %get3A_3427 = arith.constant 0 : index
    %get3A_3428 = arith.constant 126 : index
    %get3A_3429 = arith.constant 0 : index
    %get3A_3430 = arith.constant 0 : index
    %get3A_3431 = vector.load %arg4[%get3A_3427, %get3A_3428, %get3A_3429, %get3A_3430] : memref<1x128x4x2048xf32, #tpu.memory_space<vmem>>, vector<1x1x4x2048xf32>
    %get3A_3432 = vector.shape_cast %get3A_3431 : vector<1x1x4x2048xf32> to vector<4x2048xf32>
    %get3A_3433 = arith.index_cast %select_n3A_21 : i32 to index
    %get3A_3434 = arith.constant 126 : index
    %get3A_3435 = arith.constant 0 : index
    %get3A_3436 = arith.constant 0 : index
    %get3A_3437 = vector.load %arg6[%get3A_3433, %get3A_3434, %get3A_3435, %get3A_3436] : memref<2x128x4x2048xf32, #tpu.memory_space<vmem>>, vector<1x1x4x2048xf32>
    %get3A_3438 = vector.shape_cast %get3A_3437 : vector<1x1x4x2048xf32> to vector<4x2048xf32>
    %add3A_3439 = arith.addf %get3A_3432, %get3A_3438 : vector<4x2048xf32>
    %add3A_3440 = vector.broadcast %get3A_3426 : f32 to vector<4x2048xf32>
    %add3A_3441 = arith.addf %add3A_3439, %add3A_3440 : vector<4x2048xf32>
    %swap3A_3442 = arith.constant 0 : index
    %swap3A_3443 = arith.constant 126 : index
    %swap3A_3444 = arith.constant 0 : index
    %swap3A_3445 = arith.constant 0 : index
    %swap3A_3446 = vector.load %arg5[%swap3A_3442, %swap3A_3443, %swap3A_3444, %swap3A_3445] : memref<1x128x4x2048xf32, #tpu.memory_space<vmem>>, vector<1x1x4x2048xf32>
    %swap3A_3447 = vector.shape_cast %swap3A_3446 : vector<1x1x4x2048xf32> to vector<4x2048xf32>
    %swap3A_3448 = vector.shape_cast %add3A_3441 : vector<4x2048xf32> to vector<1x1x4x2048xf32>
    tpu.vector_store %arg5[%swap3A_3442, %swap3A_3443, %swap3A_3444, %swap3A_3445], %swap3A_3448 {strides = array<i32>} : memref<1x128x4x2048xf32, #tpu.memory_space<vmem>>, vector<1x1x4x2048xf32>,
    %add3A_3449 = arith.constant 127 : i32
    %add3A_3450 = arith.addi %mul3A_9, %add3A_3449 : i32
    %get3A_3451 = arith.index_cast %arg1 : i32 to index
    %get3A_3452 = arith.index_cast %add3A_3450 : i32 to index
    %get3A_3453 = memref.load %arg3[%get3A_3451, %get3A_3452] : memref<4x1024xf32, #tpu.memory_space<smem>>
    %get3A_3454 = arith.constant 0 : index
    %get3A_3455 = arith.constant 127 : index
    %get3A_3456 = arith.constant 0 : index
    %get3A_3457 = arith.constant 0 : index
    %get3A_3458 = vector.load %arg4[%get3A_3454, %get3A_3455, %get3A_3456, %get3A_3457] : memref<1x128x4x2048xf32, #tpu.memory_space<vmem>>, vector<1x1x4x2048xf32>
    %get3A_3459 = vector.shape_cast %get3A_3458 : vector<1x1x4x2048xf32> to vector<4x2048xf32>
    %get3A_3460 = arith.index_cast %select_n3A_21 : i32 to index
    %get3A_3461 = arith.constant 127 : index
    %get3A_3462 = arith.constant 0 : index
    %get3A_3463 = arith.constant 0 : index
    %get3A_3464 = vector.load %arg6[%get3A_3460, %get3A_3461, %get3A_3462, %get3A_3463] : memref<2x128x4x2048xf32, #tpu.memory_space<vmem>>, vector<1x1x4x2048xf32>
    %get3A_3465 = vector.shape_cast %get3A_3464 : vector<1x1x4x2048xf32> to vector<4x2048xf32>
    %add3A_3466 = arith.addf %get3A_3459, %get3A_3465 : vector<4x2048xf32>
    %add3A_3467 = vector.broadcast %get3A_3453 : f32 to vector<4x2048xf32>
    %add3A_3468 = arith.addf %add3A_3466, %add3A_3467 : vector<4x2048xf32>
    %swap3A_3469 = arith.constant 0 : index
    %swap3A_3470 = arith.constant 127 : index
    %swap3A_3471 = arith.constant 0 : index
    %swap3A_3472 = arith.constant 0 : index
    %swap3A_3473 = vector.load %arg5[%swap3A_3469, %swap3A_3470, %swap3A_3471, %swap3A_3472] : memref<1x128x4x2048xf32, #tpu.memory_space<vmem>>, vector<1x1x4x2048xf32>
    %swap3A_3474 = vector.shape_cast %swap3A_3473 : vector<1x1x4x2048xf32> to vector<4x2048xf32>
    %swap3A_3475 = vector.shape_cast %add3A_3468 : vector<4x2048xf32> to vector<1x1x4x2048xf32>
    tpu.vector_store %arg5[%swap3A_3469, %swap3A_3470, %swap3A_3471, %swap3A_3472], %swap3A_3475 {strides = array<i32>} : memref<1x128x4x2048xf32, #tpu.memory_space<vmem>>, vector<1x1x4x2048xf32>,
    return
  }
  func.func @transform_0(%arg0: i32, %arg1: i32) -> i32 {
    %c0_i32 = arith.constant 0 : i32
    %c0_i32_0 = arith.constant 0 : i32
    return %c0_i32 : i32
  }
  func.func @transform_1(%arg0: i32, %arg1: i32) -> (i32, i32) {
    %c0_i32 = arith.constant 0 : i32
    %c0_i32_0 = arith.constant 0 : i32
    %c0_i32_1 = arith.constant 0 : i32
    return %c0_i32, %c0_i32_0 : i32, i32
  }
  func.func @transform_2(%arg0: i32, %arg1: i32) -> (i32, i32, i32, i32) {
    %c0_i32 = arith.constant 0 : i32
    %c0_i32_0 = arith.constant 0 : i32
    %c0_i32_1 = arith.constant 0 : i32
    return %arg1, %arg0, %c0_i32, %c0_i32_0 : i32, i32, i32, i32
  }
  func.func @transform_3(%arg0: i32, %arg1: i32) -> (i32, i32, i32, i32) {
    %c0_i32 = arith.constant 0 : i32
    %c0_i32_0 = arith.constant 0 : i32
    %c0_i32_1 = arith.constant 0 : i32
    return %arg1, %arg0, %c0_i32, %c0_i32_0 : i32, i32, i32, i32
  }
}

</mosaic_0001>

<sc_bundles>
// kernel: kernel.4.cloned.1.call-start
scs
__scs_entry_jumppad:
0x0: {  	(pc) =	sbr.rel $0x88, $3  }
0x1: {  	(tag) =	ssettag $0x0;
	lr =	simm.s32 $0x1  }
0x2: {  	[smem:$0x3F9E] =	sst lr;
	_ =	strace $0xD0000000  }
0x3: {  	_ = 	snop  }
0x4: {  	_ = 	snop  }
0x5: {  	_ = 	snop  }
0x6: {  	_ = 	snop  }
0x7: {  	_ = 	snop  }
__scs_overlays_trampoline_lowered:
0x8: {  	[smem:$0x3FAD] =	sst s0  }
0x9: {  	[smem:$0x3FAE] =	sst s1  }
0xa: {  	[smem:$0x3FAF] =	sst s2  }
0xb: {  	[smem:$0x3FB0] =	sst s3  }
0xc: {  	[smem:$0x3FB1] =	sst s4  }
0xd: {  	[smem:$0x3FB2] =	sst s5  }
0xe: {  	[smem:$0x3FB3] =	sst s6  }
0xf: {  	[smem:$0x3FB4] =	sst s7  }
0x10: {  	[smem:$0x3FB5] =	sst s8  }
0x11: {  	[smem:$0x3FB6] =	sst s9;
	s0 =	simm.s32 @!p0 $0x0  }
0x12: {  	s1 =	sld [smem:$0x3F9C];
	s0 =	simm.s32 @p0 $0x1  }
0x13: {  	[smem:$0x3FB7] =	sst s0;
	s0 =	simm.s32 @!p1 $0x0  }
0x14: {  	s2 =	sld [smem:$0x3F9B];
	s0 =	simm.s32 @p1 $0x1  }
0x15: {  	[smem:$0x3FB8] =	sst s0;
	s0 =	simm.s32 @!p2 $0x0  }
0x16: {  	s3 =	sld [smem:$0x3FDB];
	s0 =	simm.s32 @p2 $0x1  }
0x17: {  	s4 =	simm.s32 $0x1BF5;
	[smem:$0x3FBA] =	sst s0  }
0x18: {  	s0 =	sld [smem:$0x3F9D];
	_ =	swait.ge [sflag:s4], $0x0  }
0x19: {  	s7 =	sld [smem:$0x3F9E]  }
0x1a: {  	s8 =	sadd.s32 $0xFFFFE003, lr  }
0x1b: {  	s9 =	sadd.s32 $0xFFFFFEF7, lr;
	s5 =	simm.s32 $0xFFFFFFFF;
	p2 =	slt.u32 s8, $0xFFFFF086  }
0x1c: {  	p1 =	slt.u32 s9, $0xF7A;
	s5 =	simm.s32 @!p2 $0x0  }
0x1d: {  	s5 =	simm.s32 @p1 $0x1;
	p0 =	seq.s32 s7, s2  }
0x1e: {  	s7 =	smul.u32 @!p0 $0xF7A, s2;
	p2 =	seq.s32 @!p0 s5, $0x0  }
0x1f: {  	s9 =	smul.u32 $0xF7A, s1;
	s8 =	simm.s32 @!p0 $0x1BF5;
	p2 =	por !p2, p0  }
0x20: {  	[sflag:s8] =	ssyncset.s32 @!p0 $0xFFFFF086;
	s6 =	sadd.s32 @!p0 s3, s7;
	s7 =	simm.s32 @!p0 $0x108  }
0x21: {  	s3 =	sadd.s32 s3, s9;
	s6 =	sadd.s32 @!p0 $0x88, s6;
	s7 =	simm.s32 @p2 $0x1082  }
0x22: {  	[simem:s7], [sflag:s8] =	dma.local @!p0 [hbm:s6], $0xF7A  }
0x23: {  	s9 =	sor.u32 $0xD0000000, s2;
	s6 =	simm.s32 $0x108;
	_ =	swait.ge @!p0 [sflag:s8], $0x0  }
0x24: {  	s3 =	sadd.s32 $0x88, s3;
	s6 =	simm.s32 @!p1 $0x1082;
	[sflag:s4] =	ssyncset.s32 $0xFFFFF086  }
0x25: {  	[simem:s6], [sflag:s4] =	dma.local [hbm:s3], $0xF7A  }
0x26: {  	[smem:$0x3F9E] =	sst s1;
	(tag) =	ssettag s2;
	_ =	strace s9  }
0x27: {  	s1 =	sld [smem:$0x3FAE]  }
0x28: {  	s2 =	sld [smem:$0x3FAF]  }
0x29: {  	s4 =	sld [smem:$0x3FB1]  }
0x2a: {  	p0 =	seq.s32 s5, $0x0;
	s5 =	sld [smem:$0x3FB2]  }
0x2b: {  	s6 =	sld [smem:$0x3FB3]  }
0x2c: {  	s7 =	sld [smem:$0x3FB4]  }
0x2d: {  	s3 =	simm.s32 $0x108;
	s8 =	sld [smem:$0x3FB5]  }
0x2e: {  	s3 =	simm.s32 @!p0 $0x1082;
	s9 =	sld [smem:$0x3FB6]  }
0x2f: {  	lr =	sadd.s32 s0, s3;
	s0 =	sld [smem:$0x3FAD]  }
0x30: {  	s3 =	sld [smem:$0x3FB0]  }
0x31: {  	[smem:$0x3FB9] =	sst s10  }
0x32: {  	s10 =	sld [smem:$0x3FB7];
	_ =	sdelay $0x3  }
0x33: {  	p0 =	seq.s32 s10, $0x1;
	s10 =	sld [smem:$0x3FB9];
	_ =	sdelay $0x3  }
0x34: {  	[smem:$0x3FB9] =	sst s10  }
0x35: {  	s10 =	sld [smem:$0x3FB8];
	_ =	sdelay $0x3  }
0x36: {  	p1 =	seq.s32 s10, $0x1;
	s10 =	sld [smem:$0x3FB9];
	_ =	sdelay $0x3  }
0x37: {  	[smem:$0x3FB9] =	sst s10  }
0x38: {  	s10 =	sld [smem:$0x3FBA]  }
0x39: {  	_ = 	snop;
	(pc) =	sbr.ind lr, $3  }
0x3a: {  	_ = 	snop  }
0x3b: {  	_ = 	snop  }
0x3c: {  	p2 =	seq.s32 s10, $0x1;
	s10 =	sld [smem:$0x3FB9]  }
0x3d: {  	_ =	shalt  }
0x3e: {  	_ =	shalt  }
0x3f: {  	_ =	shalt  }
0x40: {  	_ =	shalt  }
0x41: {  	_ =	shalt  }
0x42: {  	_ =	shalt  }
0x43: {  	_ =	shalt  }
0x44: {  	_ =	shalt  }
0x45: {  	_ =	shalt  }
0x46: {  	_ =	shalt  }
0x47: {  	_ =	shalt  }
0x48: {  	_ =	shalt  }
0x49: {  	_ =	shalt  }
0x4a: {  	_ =	shalt  }
0x4b: {  	_ =	shalt  }
0x4c: {  	_ =	shalt  }
0x4d: {  	_ =	shalt  }
0x4e: {  	_ =	shalt  }
0x4f: {  	_ =	shalt  }
0x50: {  	_ =	shalt  }
0x51: {  	_ =	shalt  }
0x52: {  	_ =	shalt  }
0x53: {  	_ =	shalt  }
0x54: {  	_ =	shalt  }
0x55: {  	_ =	shalt  }
0x56: {  	_ =	shalt  }
0x57: {  	_ =	shalt  }
0x58: {  	_ =	shalt  }
0x59: {  	_ =	shalt  }
0x5a: {  	_ =	shalt  }
0x5b: {  	_ =	shalt  }
0x5c: {  	_ =	shalt  }
0x5d: {  	_ =	shalt  }
0x5e: {  	_ =	shalt  }
0x5f: {  	_ =	shalt  }
0x60: {  	_ =	shalt  }
0x61: {  	_ =	shalt  }
0x62: {  	_ =	shalt  }
0x63: {  	_ =	shalt  }
0x64: {  	_ =	shalt  }
0x65: {  	_ =	shalt  }
0x66: {  	_ =	shalt  }
0x67: {  	_ =	shalt  }
0x68: {  	_ =	shalt  }
0x69: {  	_ =	shalt  }
0x6a: {  	_ =	shalt  }
0x6b: {  	_ =	shalt  }
0x6c: {  	_ =	shalt  }
0x6d: {  	_ =	shalt  }
0x6e: {  	_ =	shalt  }
0x6f: {  	_ =	shalt  }
0x70: {  	_ =	shalt  }
0x71: {  	_ =	shalt  }
0x72: {  	_ =	shalt  }
0x73: {  	_ =	shalt  }
0x74: {  	_ =	shalt  }
0x75: {  	_ =	shalt  }
0x76: {  	_ =	shalt  }
0x77: {  	_ =	shalt  }
0x78: {  	_ =	shalt  }
0x79: {  	_ =	shalt  }
0x7a: {  	_ =	shalt  }
0x7b: {  	_ =	shalt  }
0x7c: {  	_ =	shalt  }
0x7d: {  	_ =	shalt  }
0x7e: {  	_ =	shalt  }
0x7f: {  	_ =	shalt  }
0x80: {  	_ =	shalt  }
0x81: {  	_ =	shalt  }
0x82: {  	_ =	shalt  }
0x83: {  	_ =	shalt  }
0x84: {  	_ =	shalt  }
0x85: {  	_ =	shalt  }
0x86: {  	_ =	shalt  }
0x87: {  	_ =	shalt  }
.Lfunc_end0:
.L_simem_size_0:
called_computation_lowered:
.L_overlay_start_0:
0x88: {  	s2 =	sld [smem:$0x3FD9]  }
0x89: {  	s3 =	sld [smem:$0x3FFE];
	_ =	sdelay $0x1  }
0x8a: {  	s1 =	srdreg.scid  }
0x8b: {  	s0 =	sand.u32 $0x1, s1  }
0x8c: {  	s17 =	sshll.u32 s0, $0xA;
	s2 =	sadd.s32 s3, s2  }
0x8d: {  	s2 =	sadd.s32 s2, s17  }
0x8e: {  	[smem:$0x3FC5] =	sst s2  }
0x8f: {  	_ = 	snop  }
0x90: {  	s2 =	sld [smem:$0x3FC7]  }
0x91: {  	s18 =	sld [smem:$0x3FD0];
	(tm) =	ssettm $0x1  }
0x92: {  	s4 =	sld [smem:$0x3FFB];
	_ =	sdelay $0x3  }
0x93: {  	_ =	strace s4  }
0x94: {  	s4 =	sld [smem:$0x3FFC];
	_ =	sdelay $0x3  }
0x95: {  	_ =	strace s4  }
0x96: {  	s4 =	sld [smem:$0x3FFD];
	_ =	sdelay $0x3  }
0x97: {  	_ =	strace s4  }
0x98: {  	_ =	strace $0x8FFFFFFF  }
0x99: {  	s19 =	sld [smem:$0x3FDB];
	_ =	sdelay $0x1  }
0x9a: {  	s5 =	simm.s32 $_scs_section_size  }
0x9b: {  	s6 =	simm.s32 $_size__tile_overlayer_lowered;
	s7 =	simm.s32 $_tile_overlayer_lowered  }
0x9c: {  	s22 =	simm.s32 $0x1BFF;
	s21 =	sshll.u32 s7, $0x1;
	s4 =	sadd.s32 s5, s19  }
0x9d: {  	s8 =	simm.s32 $0x0;
	s20 =	sshll.u32 s6, $0x1;
	s6 =	sadd.s32 s21, s4  }
0x9e: {  	[timem:s8], [sflag:s22] =	dma.local [hbm:s6], s20  }
0x9f: {  	_ =	swait.ge [sflag:s22], s20  }
0xa0: {  	s5 =	ssub.s32 $0x0, s20;
	[sflag:s22] =	ssyncset.done $0x0  }
0xa1: {  	[sflag:s22] =	ssyncadd.s32 s5;
	_ =	sdelay $0x1  }
0xa2: {  	s23 =	simm.s32 $0x1B8B  }
0xa3: {  	_ =	swait.ge [sflag:s23], $0x1  }
0xa4: {  	[sflag:s23] =	ssyncset.done $0x0  }
0xa5: {  	s25 =	simm.s32 $0x1B8E;
	s24 =	sld [smem:$0x3FFE];
	[sflag:s23] =	ssyncadd.s32 $0xFFFFFFFF  }
0xa6: {  	s26 =	simm.s32 $execute0_lowered;
	[smem:$0x3FD2] =	sst s25  }
0xa7: {  	s6 =	sshll.u32 s26, $0x1;
	_ =	strace $0x80000046;
	[dreg:$0x1] =	wrdreg $0xFFFFFFFF  }
0xa8: {  	s28 =	simm.s32 $_size_execute0_lowered;
	s4 =	sadd.s32 s4, s6;
	[dreg:$0x0] =	wrdreg $0x0  }
0xa9: {  	s6 =	sshll.u32 s28, $0x1;
	[dreg:$0x2] =	wrdreg s4  }
0xaa: {  	[dreg:$0x3] =	wrdreg s6  }
0xab: {  	[dreg:$0x4] =	wrdreg $0xC0  }
0xac: {  	_ =	task [dreg:s8], $0x5FFFF  }
0xad: {  	[dreg:$0x1] =	wrdreg $0xFFFFFFFF  }
0xae: {  	[dreg:$0x0] =	wrdreg $0x60  }
0xaf: {  	[dreg:$0x2] =	wrdreg s24  }
0xb0: {  	[dreg:$0x3] =	wrdreg s2  }
0xb1: {  	[dreg:$0x4] =	wrdreg s18  }
0xb2: {  	[dreg:$0x5] =	wrdreg $0x9  }
0xb3: {  	_ =	task.clear_ibuf [dreg:s8], $0x6FFFF;
	_ =	strace $0x90000046  }
0xb4: {  	s29 =	simm.s32 $0x9;
	_ =	strace $0x80000048  }
0xb5: {  	_ =	swait.ge [sflag:s29], $0x1  }
0xb6: {  	[sflag:s29] =	ssyncadd.s32 $0xFFFFFFFF  }
0xb7: {  	_ =	strace $0x90000048  }
0xb8: {  	_ =	sfence  }
0xb9: {  	s30 =	sld [smem:$0x0];
	_ =	sdelay $0x2  }
0xba: {  	s31 =	sshll.u32 s1, $0xD;
	s1 =	sshrl.u32 s1, $0x2  }
0xbb: {  	s3 =	sand.u32 $0x4000, s31;
	s1 =	sadd.s32 s1, s30  }
0xbc: {  	s0 =	sor.u32 s3, s0;
	s1 =	sshll.u32 s1, $0x11  }
0xbd: {  	s0 =	sor.u32 s1, s0  }
0xbe: {  	s0 =	sadd.s32 $0x8F2B, s0  }
0xbf: {  	[sflag:s0] =	ssyncadd.remote.s32 $0x1  }
0xc0: {  	_ =	sfence.sel $0xFFFF  }
0xc1: {  	[dreg:$0x0] =	wrdreg $0xFFFFFFFF;
	(pc) =	sbr.abs _section_cstart, $3  }
0xc2: {  	[dreg:$0x1] =	wrdreg $0xFFFFFFFF  }
0xc3: {  	_ =	task.clear_ibuf [dreg:s8], $0x2FFFF;
	_ =	strace $0x9FFFFFFF  }
0xc4: {  	(tm) =	ssettm $0x7FFFFFFF  }
0xc5: {  	_ =	shalt  }
tec
execute0_lowered:
.L_overlay_start_1:
0x0: {  	(tag) =	ssettag $0x1  }
0x1: {  	s0 =	srdreg.scid  }
0x2: {  	s19 =	sand.u32 $0x1, s0;
	s0 =	stileid.u32  }
0x3: {  	s5 =	sor.u32 s0, s19  }
0x4: {  	p0 =	sne.s32 s5, $0x0  }
.Ltmp0:
0x5: {  	_ = 	snop;
	(pc) =	sbr.rel @p0 .LBB2_4-.Ltmp0, $4  }
0x6: {  	s4 =	rddreg [dreg:$0x0]  }
0x7: {  	s2 =	rddreg [dreg:$0x1]  }
0x8: {  	s3 =	rddreg [dreg:$0x2]  }
0x9: {  	s1 =	rddreg [dreg:$0x3];
	_ =	strace $0x80000047  }
0xa: {  	s4 =	sadd.s32 $0x600, s4;
	s6 =	simm.s32 $0x0;
	s5 =	simm.s32 $0x2  }
0xb: {  	[tilespmem:s6], [sflag:$0x2] =	stream.linear.gather [hbm4b:s4+s6], $0x80, $0x38;
	[tilespmem:$0x4080] =	vst v63  }
0xc: {  	_ =	swait.ge [sflag:s5], $0x80  }
0xd: {  	[sflag:s5] =	ssyncset.done $0x0  }
0xe: {  	[sflag:s5] =	ssyncadd.s32 $0xFFFFFF80  }
0xf: {  	v0 =	vld [tilespmem:$0x0];
	_ =	sdelay $0x4  }
0x10: {  	v1 =	vshll.u32 v0, $0x3  }
0x11: {  	v2 =	vlaneseq.u32;
	v3 =	vand.u32 $0x3, v0;
	v1 =	vand.u32 $0xFFFFFFE0, v1  }
0x12: {  	v4 =	vshrl.u32 v2, $0x3;
	v0 =	vand.u32 $0x7, v2;
	v3 =	vor.u32 v3, v1  }
0x13: {  	v1 =	vmul.u32 $0x4, v4;
	v63 =	vperm.xlane v3, v0;
	_ =	sdelay $0x1  }
0x14: {  	v4 =	vadd.s32 v1, v63;
	_ =	sdelay $0x3  }
0x15: {  	vm0 =	vmmov $0xffff;
	s7 =	simm.s32 $0x80  }
0x16: {  	v2 =	vor.u32 $0x8, v2;
	[tilespmem:s7], [sflag:$0x1] =	stream.indirect_vreg.gather [hbm4b:s2+s6], $0x80, v4, vm0, $0xb8;
	[tilespmem:$0x4080] =	vst v63  }
0x17: {  	s8 =	sadd.s32 $0x80, s2;
	s9 =	simm.s32 $0x880;
	v3 =	vperm.xlane v3, v2  }
0x18: {  	[tilespmem:s9], [sflag:$0x1] =	stream.indirect_vreg.gather [hbm4b:s8+s6], $0x80, v4, vm0, $0xb8;
	[tilespmem:$0x4080] =	vst v63  }
0x19: {  	s10 =	sadd.s32 $0x100, s2;
	s11 =	simm.s32 $0x1080;
	v3 =	vadd.s32 v1, v3  }
0x1a: {  	[tilespmem:s11], [sflag:$0x1] =	stream.indirect_vreg.gather [hbm4b:s10+s6], $0x80, v4, vm0, $0xb8;
	[tilespmem:$0x4080] =	vst v63  }
0x1b: {  	s12 =	sadd.s32 $0x180, s2;
	s13 =	simm.s32 $0x1880  }
0x1c: {  	[tilespmem:s13], [sflag:$0x1] =	stream.indirect_vreg.gather [hbm4b:s12+s6], $0x80, v4, vm0, $0xb8;
	[tilespmem:$0x4080] =	vst v63  }
0x1d: {  	s14 =	simm.s32 $0x2080  }
0x1e: {  	[tilespmem:s14], [sflag:$0x1] =	stream.indirect_vreg.gather [hbm4b:s2+s6], $0x80, v3, vm0, $0xb8;
	[tilespmem:$0x4080] =	vst v63  }
0x1f: {  	s15 =	simm.s32 $0x2880;
	s19 =	ssub.s32 $0x2, s19  }
0x20: {  	[tilespmem:s15], [sflag:$0x1] =	stream.indirect_vreg.gather [hbm4b:s8+s6], $0x80, v3, vm0, $0xb8;
	[tilespmem:$0x4080] =	vst v63  }
0x21: {  	s16 =	simm.s32 $0x3080;
	s20 =	sshrl.u32 s19, $0x1  }
0x22: {  	[tilespmem:s16], [sflag:$0x1] =	stream.indirect_vreg.gather [hbm4b:s10+s6], $0x80, v3, vm0, $0xb8;
	[tilespmem:$0x4080] =	vst v63  }
0x23: {  	s17 =	simm.s32 $0x3880;
	s18 =	simm.s32 $0x1;
	s19 =	ssub.s32 s19, s20  }
0x24: {  	[tilespmem:s17], [sflag:$0x1] =	stream.indirect_vreg.gather [hbm4b:s12+s6], $0x80, v3, vm0, $0xb8;
	[tilespmem:$0x4080] =	vst v63  }
0x25: {  	p0 =	sne.s32 s19, $0x1;
	_ =	swait.ge [sflag:s18], $0x4000  }
.Ltmp1:
0x26: {  	[sflag:s18] =	ssyncset.done $0x0;
	(pc) =	sbr.rel @!p0 .LBB2_3-.Ltmp1, $4  }
0x27: {  	[sflag:s18] =	ssyncadd.s32 $0xFFFFC000  }
0x28: {  	[hbm4b:s3+s6] =	stream.linear.scatter [tilespmem:s7], [sflag:$0x2], $0x4000, $0x38;
	[tilespmem:$0x4080] =	vst v63  }
0x29: {  	_ =	swait.ge [sflag:s5], $0x4000  }
0x2a: {  	s19 =	sadd.s32 $0xFFFFFFFF, s19;
	[sflag:s5] =	ssyncset.done $0x0  }
.LBB2_2:
0x2b: {  	p0 =	sne.s32 s19, $0x1;
	s19 =	sadd.s32 $0xFFFFFFFF, s19;
	[sflag:s5] =	ssyncadd.s32 $0xFFFFC000  }
0x2c: {  	[tilespmem:s6], [sflag:$0x2] =	stream.linear.gather [hbm4b:s4+s6], $0x80, $0x38;
	[tilespmem:$0x4080] =	vst v63  }
0x2d: {  	_ =	swait.ge [sflag:s5], $0x80  }
0x2e: {  	[sflag:s5] =	ssyncset.done $0x0  }
0x2f: {  	[sflag:s5] =	ssyncadd.s32 $0xFFFFFF80  }
0x30: {  	v3 =	vld [tilespmem:$0x0];
	_ =	sdelay $0x4  }
0x31: {  	v4 =	vshll.u32 v3, $0x3  }
0x32: {  	v3 =	vand.u32 $0x3, v3;
	v4 =	vand.u32 $0xFFFFFFE0, v4  }
0x33: {  	v3 =	vor.u32 v3, v4  }
0x34: {  	v4 =	vperm.xlane v3, v0;
	v3 =	vperm.xlane v3, v2;
	_ =	sdelay $0x1  }
0x35: {  	v4 =	vadd.s32 v1, v4;
	_ =	sdelay $0x4  }
0x36: {  	[tilespmem:s7], [sflag:$0x1] =	stream.indirect_vreg.gather [hbm4b:s2+s6], $0x80, v4, vm0, $0xb8;
	[tilespmem:$0x4080] =	vst v63  }
0x37: {  	_ = 	snop  }
0x38: {  	[tilespmem:s9], [sflag:$0x1] =	stream.indirect_vreg.gather [hbm4b:s8+s6], $0x80, v4, vm0, $0xb8;
	[tilespmem:$0x4080] =	vst v63  }
0x39: {  	v3 =	vadd.s32 v1, v3  }
0x3a: {  	[tilespmem:s11], [sflag:$0x1] =	stream.indirect_vreg.gather [hbm4b:s10+s6], $0x80, v4, vm0, $0xb8;
	[tilespmem:$0x4080] =	vst v63  }
0x3b: {  	_ = 	snop  }
0x3c: {  	[tilespmem:s13], [sflag:$0x1] =	stream.indirect_vreg.gather [hbm4b:s12+s6], $0x80, v4, vm0, $0xb8;
	[tilespmem:$0x4080] =	vst v63  }
0x3d: {  	_ = 	snop  }
0x3e: {  	[tilespmem:s14], [sflag:$0x1] =	stream.indirect_vreg.gather [hbm4b:s2+s6], $0x80, v3, vm0, $0xb8;
	[tilespmem:$0x4080] =	vst v63  }
0x3f: {  	_ = 	snop  }
0x40: {  	[tilespmem:s15], [sflag:$0x1] =	stream.indirect_vreg.gather [hbm4b:s8+s6], $0x80, v3, vm0, $0xb8;
	[tilespmem:$0x4080] =	vst v63  }
0x41: {  	_ = 	snop  }
0x42: {  	[tilespmem:s16], [sflag:$0x1] =	stream.indirect_vreg.gather [hbm4b:s10+s6], $0x80, v3, vm0, $0xb8;
	[tilespmem:$0x4080] =	vst v63  }
0x43: {  	_ = 	snop  }
0x44: {  	[tilespmem:s17], [sflag:$0x1] =	stream.indirect_vreg.gather [hbm4b:s12+s6], $0x80, v3, vm0, $0xb8;
	[tilespmem:$0x4080] =	vst v63  }
0x45: {  	_ =	swait.ge [sflag:s18], $0x4000  }
.Ltmp2:
0x46: {  	[sflag:s18] =	ssyncset.done $0x0;
	(pc) =	sbr.rel @p0 .LBB2_2-.Ltmp2, $4  }
0x47: {  	[sflag:s18] =	ssyncadd.s32 $0xFFFFC000  }
0x48: {  	[hbm4b:s3+s6] =	stream.linear.scatter [tilespmem:s7], [sflag:$0x2], $0x4000, $0x38;
	[tilespmem:$0x4080] =	vst v63  }
0x49: {  	_ =	swait.ge [sflag:s5], $0x4000  }
0x4a: {  	[sflag:s5] =	ssyncset.done $0x0  }
.LBB2_3:
0x4b: {  	[sflag:s5] =	ssyncadd.s32 $0xFFFFC000  }
.LBB2_4:
0x4c: {  	_ =	sfence.sel $0x180000  }
0x4d: {  	[bflag:$0x0] =	sbarrier.arrive $0xFFFF  }
0x4e: {  	p0 =	sne.s32 s0, $0x0;
	_ =	strace $0x90000047  }
0x4f: {  	s0 =	sadd.s32 @!p0 $0x100000, s1;
	[bflag:$0x2] =	sbarrier.arrive $0xFFFF  }
0x50: {  	[sflag:s0] =	ssyncadd.tile.s32 @!p0 $0x1;
	_ =	shalt  }
.Lfunc_end2:
_tile_overlayer_lowered:
.L_overlay_start_2:
0x51: {  	(tag) =	ssettag $0x2  }
0x52: {  	s0 =	rddreg [dreg:$0x0];
	s2 =	stileid.u32  }
0x53: {  	s1 =	rddreg [dreg:$0x1];
	p0 =	sne.s32 s2, $0x0  }
0x54: {  	s3 =	rddreg [dreg:$0x2];
	[bflag:$0x3] =	sbarrier.arrive $0xFFFF;
	s2 =	simm.s32 @!p0 $0x1C02  }
0x55: {  	[timem:s3], [sflag:s2] =	dma.local @!p0 [hbm:s0], s1  }
0x56: {  	s0 =	simm.s32 @!p0 $0x2  }
0x57: {  	_ =	swait.ge @!p0 [sflag:s0], s1  }
0x58: {  	s1 =	ssub.s32 @!p0 $0x0, s1;
	[sflag:s0] =	ssyncset.done @!p0 $0x0  }
0x59: {  	[sflag:s0] =	ssyncadd.s32 @!p0 s1  }
0x5a: {  	[bflag:$0x3] =	sbarrier.arrive $0xFFFF  }
0x5b: {  	_ =	shalt  }

</sc_bundles>
